<compile_context>
chip_gen: v7x
topology: tpu7x:2x2x1
jax: 0.10.2.dev20260603
libtpu: 0.0.44.dev20260713+nightly
codegen_flags: <defaults>
</compile_context>

<pallas_src>
import functools

import jax
import jax.numpy as jnp
from jax import lax
from jax.experimental import pallas as pl
from jax.experimental.pallas import tpu as pltpu
from jax.experimental.pallas import tpu_sc as plsc

N = 10000
E = 320000
H = 128
HH = H // 2
C = 16

NC = 2
NS = 16
NW = NC * NS
K = 125
NPAD = 10240
STRIPE = NPAD // NS
RB = 128

NCHUNK_CORE = E // NS // K
NCHUNK_EDGE = E // NW // K

_NOTILE = pltpu.CompilerParams(use_tc_tiling_on_sc=False)


def _sc_mesh():
    return plsc.VectorSubcoreMesh(core_axis_name="c", subcore_axis_name="s")


@functools.partial(
    pl.kernel,
    mesh=_sc_mesh(),
    out_type=jax.ShapeDtypeStruct((NC * 2 * NPAD,), jnp.float32),
    scratch_types=[
        pltpu.VMEM((NCHUNK_EDGE, K), jnp.int32),
        pltpu.VMEM((NCHUNK_EDGE, K), jnp.int32),
        pltpu.VMEM((K,), jnp.float32),
        pltpu.VMEM((STRIPE,), jnp.float32),
        pltpu.VMEM_SHARED((NPAD,), jnp.float32),
        pltpu.VMEM_SHARED((NPAD,), jnp.float32),
        [pltpu.SemaphoreType.DMA] * 2,
    ],
)
def _sc_degrees(src2d, dst2d, zeros1, ones_k, out, src_v, dst_v, ones_v,
                stage_v, deg_o, deg_i, isem):
    c = lax.axis_index("c")
    s = lax.axis_index("s")
    wid = s * NC + c
    cp_s = pltpu.async_copy(src2d.at[pl.ds(wid * NCHUNK_EDGE, NCHUNK_EDGE)],
                            src_v, isem[0])
    cp_d = pltpu.async_copy(dst2d.at[pl.ds(wid * NCHUNK_EDGE, NCHUNK_EDGE)],
                            dst_v, isem[1])
    pltpu.sync_copy(zeros1, stage_v)
    pltpu.sync_copy(stage_v, deg_o.at[pl.ds(s * STRIPE, STRIPE)])
    pltpu.sync_copy(stage_v, deg_i.at[pl.ds(s * STRIPE, STRIPE)])
    pltpu.sync_copy(ones_k, ones_v)
    cp_s.wait()
    cp_d.wait()
    plsc.subcore_barrier()

    def chunk(j, carry):
        pltpu.sync_copy(ones_v, deg_o.at[src_v.at[j]], add=True)
        pltpu.sync_copy(ones_v, deg_i.at[dst_v.at[j]], add=True)
        return carry

    lax.fori_loop(0, NCHUNK_EDGE, chunk, 0)
    plsc.subcore_barrier()
    pltpu.sync_copy(deg_o.at[pl.ds(s * STRIPE, STRIPE)], stage_v)
    pltpu.sync_copy(stage_v, out.at[pl.ds((c * 2 + 0) * NPAD + s * STRIPE,
                                          STRIPE)])
    pltpu.sync_copy(deg_i.at[pl.ds(s * STRIPE, STRIPE)], stage_v)
    pltpu.sync_copy(stage_v, out.at[pl.ds((c * 2 + 1) * NPAD + s * STRIPE,
                                          STRIPE)])


@functools.partial(
    pl.kernel,
    mesh=_sc_mesh(),
    compiler_params=_NOTILE,
    out_type=jax.ShapeDtypeStruct((NC, NPAD, HH), jnp.float32),
    scratch_types=[
        pltpu.VMEM((NCHUNK_CORE, K), jnp.int32),
        pltpu.VMEM((NCHUNK_CORE, K), jnp.int32),
        [pltpu.VMEM((K, HH), jnp.float32)] * 4,
        pltpu.VMEM((RB, HH), jnp.float32),
        pltpu.VMEM_SHARED((NPAD, HH), jnp.float32),
        [pltpu.SemaphoreType.DMA] * 4,
        [pltpu.SemaphoreType.DMA] * 4,
    ],
)
def _sc_agg128(hp2, srcx, dst2d, zrows, out, src_v, dst_v, rows_v, stage_v,
               acc, gsem, ssem):
    c = lax.axis_index("c")
    s = lax.axis_index("s")
    row0 = s * STRIPE
    cp_s = pltpu.async_copy(srcx.at[c, pl.ds(s * NCHUNK_CORE, NCHUNK_CORE)],
                            src_v, gsem[0])
    cp_d = pltpu.async_copy(dst2d.at[pl.ds(s * NCHUNK_CORE, NCHUNK_CORE)],
                            dst_v, gsem[1])
    pltpu.sync_copy(zrows, stage_v)
    for r in range(STRIPE // RB):
        pltpu.sync_copy(stage_v, acc.at[pl.ds(row0 + r * RB, RB)])
    cp_s.wait()
    cp_d.wait()
    plsc.subcore_barrier()

    NB = 4
    for t in range(NB):
        pltpu.async_copy(hp2.at[src_v.at[t]], rows_v[t], gsem[t])

    def wave(q, carry):
        j = NB * q
        sc = []
        for t in range(NB):
            pltpu.make_async_copy(hp2.at[src_v.at[j + t]], rows_v[t],
                                  gsem[t]).wait()
            sc.append(pltpu.async_copy(rows_v[t], acc.at[dst_v.at[j + t]],
                                       ssem[t], add=True))
        for t in range(NB):
            sc[t].wait()
            pltpu.async_copy(hp2.at[src_v.at[j + NB + t]], rows_v[t], gsem[t])
        return carry

    lax.fori_loop(0, NCHUNK_CORE // NB - 1, wave, 0)
    jf = NCHUNK_CORE - NB
    sc = []
    for t in range(NB):
        pltpu.make_async_copy(hp2.at[src_v.at[jf + t]], rows_v[t],
                              gsem[t]).wait()
        sc.append(pltpu.async_copy(rows_v[t], acc.at[dst_v.at[jf + t]],
                                   ssem[t], add=True))
    for t in range(NB):
        sc[t].wait()
    plsc.subcore_barrier()
    for r in range(STRIPE // RB):
        pltpu.sync_copy(acc.at[pl.ds(row0 + r * RB, RB)], stage_v)
        pltpu.sync_copy(stage_v, out.at[c, pl.ds(row0 + r * RB, RB)])


@functools.partial(
    pl.kernel,
    mesh=_sc_mesh(),
    compiler_params=_NOTILE,
    out_type=jax.ShapeDtypeStruct((NC, NPAD, C), jnp.float32),
    scratch_types=[
        pltpu.VMEM((NCHUNK_EDGE, K), jnp.int32),
        pltpu.VMEM((NCHUNK_EDGE, K), jnp.int32),
        [pltpu.VMEM((K, C), jnp.float32)] * 4,
        pltpu.VMEM((RB, C), jnp.float32),
        pltpu.VMEM_SHARED((NPAD, C), jnp.float32),
        [pltpu.SemaphoreType.DMA] * 4,
        [pltpu.SemaphoreType.DMA] * 4,
    ],
)
def _sc_agg16(hp, src2d, dst2d, zrows, out, src_v, dst_v, rows_v, stage_v,
              acc, gsem, ssem):
    c = lax.axis_index("c")
    s = lax.axis_index("s")
    wid = s * NC + c
    row0 = s * STRIPE
    cp_s = pltpu.async_copy(src2d.at[pl.ds(wid * NCHUNK_EDGE, NCHUNK_EDGE)],
                            src_v, gsem[0])
    cp_d = pltpu.async_copy(dst2d.at[pl.ds(wid * NCHUNK_EDGE, NCHUNK_EDGE)],
                            dst_v, gsem[1])
    pltpu.sync_copy(zrows, stage_v)
    for r in range(STRIPE // RB):
        pltpu.sync_copy(stage_v, acc.at[pl.ds(row0 + r * RB, RB)])
    cp_s.wait()
    cp_d.wait()
    plsc.subcore_barrier()

    for t in range(4):
        pltpu.async_copy(hp.at[src_v.at[t]], rows_v[t], gsem[t])

    def quad(q, carry):
        j = 4 * q
        sc = []
        for t in range(4):
            pltpu.make_async_copy(hp.at[src_v.at[j + t]], rows_v[t],
                                  gsem[t]).wait()
            sc.append(pltpu.async_copy(rows_v[t], acc.at[dst_v.at[j + t]],
                                       ssem[t], add=True))
        for t in range(4):
            sc[t].wait()
            pltpu.async_copy(hp.at[src_v.at[j + 4 + t]], rows_v[t], gsem[t])
        return carry

    lax.fori_loop(0, NCHUNK_EDGE // 4 - 1, quad, 0)
    jf = NCHUNK_EDGE - 4
    sc = []
    for t in range(4):
        pltpu.make_async_copy(hp.at[src_v.at[jf + t]], rows_v[t],
                              gsem[t]).wait()
        sc.append(pltpu.async_copy(rows_v[t], acc.at[dst_v.at[jf + t]],
                                   ssem[t], add=True))
    for t in range(4):
        sc[t].wait()
    plsc.subcore_barrier()
    for r in range(STRIPE // RB):
        pltpu.sync_copy(acc.at[pl.ds(row0 + r * RB, RB)], stage_v)
        pltpu.sync_copy(stage_v, out.at[c, pl.ds(row0 + r * RB, RB)])


def _inv_body(dp_ref, o_ref):
    d = dp_ref[0] + dp_ref[1]
    o_ref[...] = lax.rsqrt(jnp.maximum(d, 1.0))


_tc_inv = pl.pallas_call(
    _inv_body,
    out_shape=jax.ShapeDtypeStruct((2, NPAD), jnp.float32),
)

RBLK = 2000


def _mm1_body(x_ref, s_ref, w_ref, o_ref):
    o_ref[...] = jnp.dot(x_ref[...] * s_ref[...], w_ref[...],
                         preferred_element_type=jnp.float32)


_tc_mm1 = pl.pallas_call(
    _mm1_body,
    grid=(N // RBLK,),
    in_specs=[
        pl.BlockSpec((RBLK, H), lambda i: (i, 0)),
        pl.BlockSpec((RBLK, 1), lambda i: (i, 0)),
        pl.BlockSpec((H, H), lambda i: (0, 0)),
    ],
    out_specs=pl.BlockSpec((RBLK, H), lambda i: (i, 0)),
    out_shape=jax.ShapeDtypeStruct((N, H), jnp.float32),
)


def _mid_body(a_ref, ii_ref, b_ref, io_ref, w_ref, o_ref):
    a = jnp.concatenate([a_ref[0], a_ref[1]], axis=-1)
    h = jnp.maximum(a * ii_ref[...] + b_ref[...], 0.0)
    o_ref[...] = jnp.dot(h * io_ref[...], w_ref[...],
                         preferred_element_type=jnp.float32)


_tc_mid128 = pl.pallas_call(
    _mid_body,
    grid=(N // RBLK,),
    in_specs=[
        pl.BlockSpec((2, RBLK, HH), lambda i: (0, i, 0)),
        pl.BlockSpec((RBLK, 1), lambda i: (i, 0)),
        pl.BlockSpec((1, H), lambda i: (0, 0)),
        pl.BlockSpec((RBLK, 1), lambda i: (i, 0)),
        pl.BlockSpec((H, H), lambda i: (0, 0)),
    ],
    out_specs=pl.BlockSpec((RBLK, H), lambda i: (i, 0)),
    out_shape=jax.ShapeDtypeStruct((N, H), jnp.float32),
)


def _final_body(a_ref, ii_ref, b_ref, o_ref):
    a = a_ref[0] + a_ref[1]
    o_ref[...] = a * ii_ref[...] + b_ref[...]


_tc_final = pl.pallas_call(
    _final_body,
    grid=(N // RBLK,),
    in_specs=[
        pl.BlockSpec((2, RBLK, C), lambda i: (0, i, 0)),
        pl.BlockSpec((RBLK, 1), lambda i: (i, 0)),
        pl.BlockSpec((1, C), lambda i: (0, 0)),
    ],
    out_specs=pl.BlockSpec((RBLK, C), lambda i: (i, 0)),
    out_shape=jax.ShapeDtypeStruct((N, C), jnp.float32),
)


def kernel(in_feat, edge_index, W1, b1, W2, b2, W3, b3, W4, b4, W5, b5):
    src = edge_index[0]
    dst = edge_index[1]
    src2d = src.reshape(E // K, K)
    dst2d = dst.reshape(E // K, K)
    srcx = jnp.stack([2 * src, 2 * src + 1]).reshape(NC, E // K, K)
    zeros1 = jnp.zeros((STRIPE,), jnp.float32)
    ones_k = jnp.ones((K,), jnp.float32)
    zeros64 = jnp.zeros((RB, HH), jnp.float32)
    zeros16 = jnp.zeros((RB, C), jnp.float32)

    degp = _sc_degrees(src2d, dst2d, zeros1, ones_k).reshape(2, 2, NPAD)
    invs = _tc_inv(degp)
    io = invs[0, :N][:, None]
    ii = invs[1, :N][:, None]

    hp = _tc_mm1(in_feat, io, W1)

    W5pad = jnp.pad(W5, ((0, 0), (0, H - C)))
    Ws = jnp.stack([W2, W3, W4, W5pad])
    bs = jnp.stack([b1, b2, b3, b4])[:, None, :]

    def step(h, wb):
        b, W = wb
        agg = _sc_agg128(h.reshape(2 * N, HH), srcx, dst2d, zeros64)
        return _tc_mid128(agg, ii, b, io, W), None

    hp5, _ = lax.scan(step, hp, (bs, Ws))
    agg = _sc_agg16(hp5[:, :C], src2d, dst2d, zeros16)
    return _tc_final(agg, ii, b5.reshape(1, C))

# --- scband reference (transcript-rebuilt; emitter-appended) ---
"""Pipeline reference for scband-gcn-54030688584002 (READ-ONLY COPY).

The authoritative reference and input builder live on the scoring server;
editing this copy changes nothing except your own understanding.
"""

import jax, jax.numpy as jnp
import numpy as np

N = 10000
E = 320000
D_IN = 128
H = 128
C = 16


def setup_inputs(seed: int = 0) -> dict:
    key = jax.random.key(seed)
    ks = jax.random.split(key, 12)
    in_feat = jax.random.normal(ks[0], (N, D_IN), dtype=jnp.float32)
    edge_index = jax.random.randint(ks[1], (2, E), 0, N, dtype=jnp.int32)
    def glorot(k, fan_in, fan_out):
        return jax.random.normal(k, (fan_in, fan_out), dtype=jnp.float32) * (1.0 / np.sqrt(fan_in))
    W1 = glorot(ks[2], D_IN, H); b1 = jnp.zeros((H,), jnp.float32)
    W2 = glorot(ks[3], H, H);    b2 = jnp.zeros((H,), jnp.float32)
    W3 = glorot(ks[4], H, H);    b3 = jnp.zeros((H,), jnp.float32)
    W4 = glorot(ks[5], H, H);    b4 = jnp.zeros((H,), jnp.float32)
    W5 = glorot(ks[6], H, C);    b5 = jnp.zeros((C,), jnp.float32)
    return {"in_feat": in_feat, "edge_index": edge_index,
            "W1": W1, "b1": b1, "W2": W2, "b2": b2, "W3": W3, "b3": b3,
            "W4": W4, "b4": b4, "W5": W5, "b5": b5}


def reference(in_feat, edge_index, W1, b1, W2, b2, W3, b3, W4, b4, W5, b5):
    # DGL GraphConv with norm='both', allow_zero_in_degree=True:
    # out = D_dst^{-1/2} * A @ (D_src^{-1/2} * (x @ W)) + b, degrees clamped to min 1
    src = edge_index[0]
    dst = edge_index[1]
    ones = jnp.ones((E,), dtype=jnp.float32)
    deg_out = jnp.clip(jax.ops.segment_sum(ones, src, num_segments=N), 1.0)
    deg_in = jnp.clip(jax.ops.segment_sum(ones, dst, num_segments=N), 1.0)
    inv_sqrt_out = deg_out ** -0.5
    inv_sqrt_in = deg_in ** -0.5

    def gconv(h, W, b):
        h = h * inv_sqrt_out[:, None]
        h = h @ W
        m = jnp.take(h, src, axis=0)
        agg = jax.ops.segment_sum(m, dst, num_segments=N)
        return agg * inv_sqrt_in[:, None] + b

    h = jax.nn.relu(gconv(in_feat, W1, b1))
    h = jax.nn.relu(gconv(h, W2, b2))
    h = jax.nn.relu(gconv(h, W3, b3))
    h = jax.nn.relu(gconv(h, W4, b4))
    h = gconv(h, W5, b5)
    return h

if __name__ == "__main__":
    import jax
    _d = setup_inputs()
    print(jax.jit(kernel)(*tuple(_d.values())))

</pallas_src>

<mosaic_0001>
#map = affine_map<(d0, d1) -> (0, 0)>
#map1 = affine_map<(d0, d1) -> (0, 0, 0)>
module attributes {stable_mosaic.version = 14 : i64} {
  func.func @_sc_agg16(%arg0: i32, %arg1: i32, %arg2: memref<10000x16xf32, #tpu.memory_space<hbm>>, %arg3: memref<2560x125xi32, #tpu.memory_space<hbm>>, %arg4: memref<2560x125xi32, #tpu.memory_space<hbm>>, %arg5: memref<128x16xf32, #tpu.memory_space<hbm>>, %arg6: memref<2x10240x16xf32, #tpu.memory_space<hbm>>, %arg7: memref<80x125xi32, #tpu.memory_space<vmem>>, %arg8: memref<80x125xi32, #tpu.memory_space<vmem>>, %arg9: memref<125x16xf32, #tpu.memory_space<vmem>>, %arg10: memref<125x16xf32, #tpu.memory_space<vmem>>, %arg11: memref<125x16xf32, #tpu.memory_space<vmem>>, %arg12: memref<125x16xf32, #tpu.memory_space<vmem>>, %arg13: memref<128x16xf32, #tpu.memory_space<vmem>>, %arg14: memref<10240x16xf32, #tpu.memory_space<vmem_shared>>, %arg15: memref<!tpu.dma_semaphore, #tpu.memory_space<semaphore_mem>>, %arg16: memref<!tpu.dma_semaphore, #tpu.memory_space<semaphore_mem>>, %arg17: memref<!tpu.dma_semaphore, #tpu.memory_space<semaphore_mem>>, %arg18: memref<!tpu.dma_semaphore, #tpu.memory_space<semaphore_mem>>, %arg19: memref<!tpu.dma_semaphore, #tpu.memory_space<semaphore_mem>>, %arg20: memref<!tpu.dma_semaphore, #tpu.memory_space<semaphore_mem>>, %arg21: memref<!tpu.dma_semaphore, #tpu.memory_space<semaphore_mem>>, %arg22: memref<!tpu.dma_semaphore, #tpu.memory_space<semaphore_mem>>) attributes {dimension_semantics = [#tpu.dimension_semantics<core_parallel>, #tpu.dimension_semantics<subcore_parallel>], iteration_bounds = array<i64: 2, 16>, scalar_prefetch = 0 : i64, scratch_operands = 16 : i64, tpu.core_type = #tpu.core_type<sc_vector_subcore>, window_params = [{transform_indices = #map}, {transform_indices = #map}, {transform_indices = #map}, {transform_indices = #map}, {transform_indices = #map1}]} {
    %mul3A = arith.constant 2 : i32
    %mul3A_0 = arith.muli %arg1, %mul3A : i32
    %add3A = arith.addi %mul3A_0, %arg0 : i32
    %mul3A_1 = arith.constant 640 : i32
    %mul3A_2 = arith.muli %arg1, %mul3A_1 : i32
    %mul3A_3 = arith.constant 80 : i32
    %mul3A_4 = arith.muli %add3A, %mul3A_3 : i32
    %dma_start3A = arith.constant 0 : i32
    %dma_start3A_5 = tpu.memref_slice %arg3[%mul3A_4, %dma_start3A] : memref<2560x125xi32, #tpu.memory_space<hbm>> -> memref<80x125xi32, #tpu.memory_space<hbm>>
    %dma_start3A_6 = arith.constant 0 : i32
    %dma_start3A_7 = tpu.memref_slice %arg3[%mul3A_4, %dma_start3A_6] : memref<2560x125xi32, #tpu.memory_space<hbm>> -> memref<80x125xi32, #tpu.memory_space<hbm>>
    tpu.enqueue_dma source(%dma_start3A_7 : memref<80x125xi32, #tpu.memory_space<hbm>>) target(%arg7 : memref<80x125xi32, #tpu.memory_space<vmem>>) target_semaphore(%arg15 : memref<!tpu.dma_semaphore, #tpu.memory_space<semaphore_mem>>)
    %mul3A_8 = arith.constant 80 : i32
    %mul3A_9 = arith.muli %add3A, %mul3A_8 : i32
    %dma_start3A_10 = arith.constant 0 : i32
    %dma_start3A_11 = tpu.memref_slice %arg4[%mul3A_9, %dma_start3A_10] : memref<2560x125xi32, #tpu.memory_space<hbm>> -> memref<80x125xi32, #tpu.memory_space<hbm>>
    %dma_start3A_12 = arith.constant 0 : i32
    %dma_start3A_13 = tpu.memref_slice %arg4[%mul3A_9, %dma_start3A_12] : memref<2560x125xi32, #tpu.memory_space<hbm>> -> memref<80x125xi32, #tpu.memory_space<hbm>>
    tpu.enqueue_dma source(%dma_start3A_13 : memref<80x125xi32, #tpu.memory_space<hbm>>) target(%arg8 : memref<80x125xi32, #tpu.memory_space<vmem>>) target_semaphore(%arg16 : memref<!tpu.dma_semaphore, #tpu.memory_space<semaphore_mem>>)
    "tpu.region"() ({
      %run_scoped3A = tpu.sem_alloc : memref<!tpu.dma_semaphore, #tpu.memory_space<semaphore_mem>>
      tpu.enqueue_dma source(%arg5 : memref<128x16xf32, #tpu.memory_space<hbm>>) target(%arg13 : memref<128x16xf32, #tpu.memory_space<vmem>>) target_semaphore(%run_scoped3A : memref<!tpu.dma_semaphore, #tpu.memory_space<semaphore_mem>>)
      tpu.wait_dma2 semaphore(%run_scoped3A : memref<!tpu.dma_semaphore, #tpu.memory_space<semaphore_mem>>) src(%arg5 : memref<128x16xf32, #tpu.memory_space<hbm>>) dst(%arg13 : memref<128x16xf32, #tpu.memory_space<vmem>>)
      tpu.yield
    }) : () -> ()
    %add3A_14 = arith.constant 0 : i32
    %add3A_15 = arith.addi %mul3A_2, %add3A_14 : i32
    "tpu.region"() ({
      %run_scoped3A = tpu.sem_alloc : memref<!tpu.dma_semaphore, #tpu.memory_space<semaphore_mem>>
      %dma_start3A_169 = arith.constant 0 : i32
      %dma_start3A_170 = tpu.memref_slice %arg14[%add3A_15, %dma_start3A_169] : memref<10240x16xf32, #tpu.memory_space<vmem_shared>> -> memref<128x16xf32, #tpu.memory_space<vmem_shared>>
      %dma_start3A_171 = arith.constant 0 : i32
      %dma_start3A_172 = tpu.memref_slice %arg14[%add3A_15, %dma_start3A_171] : memref<10240x16xf32, #tpu.memory_space<vmem_shared>> -> memref<128x16xf32, #tpu.memory_space<vmem_shared>>
      tpu.enqueue_dma source(%arg13 : memref<128x16xf32, #tpu.memory_space<vmem>>) target(%dma_start3A_172 : memref<128x16xf32, #tpu.memory_space<vmem_shared>>) target_semaphore(%run_scoped3A : memref<!tpu.dma_semaphore, #tpu.memory_space<semaphore_mem>>)
      %dma_wait3A_173 = arith.constant 0 : i32
      %dma_wait3A_174 = tpu.memref_slice %arg14[%add3A_15, %dma_wait3A_173] : memref<10240x16xf32, #tpu.memory_space<vmem_shared>> -> memref<128x16xf32, #tpu.memory_space<vmem_shared>>
      %dma_wait3A_175 = arith.constant 0 : i32
      %dma_wait3A_176 = tpu.memref_slice %arg14[%add3A_15, %dma_wait3A_175] : memref<10240x16xf32, #tpu.memory_space<vmem_shared>> -> memref<128x16xf32, #tpu.memory_space<vmem_shared>>
      tpu.wait_dma2 semaphore(%run_scoped3A : memref<!tpu.dma_semaphore, #tpu.memory_space<semaphore_mem>>) src(%arg13 : memref<128x16xf32, #tpu.memory_space<vmem>>) dst(%dma_wait3A_176 : memref<128x16xf32, #tpu.memory_space<vmem_shared>>)
      tpu.yield
    }) : () -> ()
    %add3A_16 = arith.constant 128 : i32
    %add3A_17 = arith.addi %mul3A_2, %add3A_16 : i32
    "tpu.region"() ({
      %run_scoped3A = tpu.sem_alloc : memref<!tpu.dma_semaphore, #tpu.memory_space<semaphore_mem>>
      %dma_start3A_169 = arith.constant 0 : i32
      %dma_start3A_170 = tpu.memref_slice %arg14[%add3A_17, %dma_start3A_169] : memref<10240x16xf32, #tpu.memory_space<vmem_shared>> -> memref<128x16xf32, #tpu.memory_space<vmem_shared>>
      %dma_start3A_171 = arith.constant 0 : i32
      %dma_start3A_172 = tpu.memref_slice %arg14[%add3A_17, %dma_start3A_171] : memref<10240x16xf32, #tpu.memory_space<vmem_shared>> -> memref<128x16xf32, #tpu.memory_space<vmem_shared>>
      tpu.enqueue_dma source(%arg13 : memref<128x16xf32, #tpu.memory_space<vmem>>) target(%dma_start3A_172 : memref<128x16xf32, #tpu.memory_space<vmem_shared>>) target_semaphore(%run_scoped3A : memref<!tpu.dma_semaphore, #tpu.memory_space<semaphore_mem>>)
      %dma_wait3A_173 = arith.constant 0 : i32
      %dma_wait3A_174 = tpu.memref_slice %arg14[%add3A_17, %dma_wait3A_173] : memref<10240x16xf32, #tpu.memory_space<vmem_shared>> -> memref<128x16xf32, #tpu.memory_space<vmem_shared>>
      %dma_wait3A_175 = arith.constant 0 : i32
      %dma_wait3A_176 = tpu.memref_slice %arg14[%add3A_17, %dma_wait3A_175] : memref<10240x16xf32, #tpu.memory_space<vmem_shared>> -> memref<128x16xf32, #tpu.memory_space<vmem_shared>>
      tpu.wait_dma2 semaphore(%run_scoped3A : memref<!tpu.dma_semaphore, #tpu.memory_space<semaphore_mem>>) src(%arg13 : memref<128x16xf32, #tpu.memory_space<vmem>>) dst(%dma_wait3A_176 : memref<128x16xf32, #tpu.memory_space<vmem_shared>>)
      tpu.yield
    }) : () -> ()
    %add3A_18 = arith.constant 256 : i32
    %add3A_19 = arith.addi %mul3A_2, %add3A_18 : i32
    "tpu.region"() ({
      %run_scoped3A = tpu.sem_alloc : memref<!tpu.dma_semaphore, #tpu.memory_space<semaphore_mem>>
      %dma_start3A_169 = arith.constant 0 : i32
      %dma_start3A_170 = tpu.memref_slice %arg14[%add3A_19, %dma_start3A_169] : memref<10240x16xf32, #tpu.memory_space<vmem_shared>> -> memref<128x16xf32, #tpu.memory_space<vmem_shared>>
      %dma_start3A_171 = arith.constant 0 : i32
      %dma_start3A_172 = tpu.memref_slice %arg14[%add3A_19, %dma_start3A_171] : memref<10240x16xf32, #tpu.memory_space<vmem_shared>> -> memref<128x16xf32, #tpu.memory_space<vmem_shared>>
      tpu.enqueue_dma source(%arg13 : memref<128x16xf32, #tpu.memory_space<vmem>>) target(%dma_start3A_172 : memref<128x16xf32, #tpu.memory_space<vmem_shared>>) target_semaphore(%run_scoped3A : memref<!tpu.dma_semaphore, #tpu.memory_space<semaphore_mem>>)
      %dma_wait3A_173 = arith.constant 0 : i32
      %dma_wait3A_174 = tpu.memref_slice %arg14[%add3A_19, %dma_wait3A_173] : memref<10240x16xf32, #tpu.memory_space<vmem_shared>> -> memref<128x16xf32, #tpu.memory_space<vmem_shared>>
      %dma_wait3A_175 = arith.constant 0 : i32
      %dma_wait3A_176 = tpu.memref_slice %arg14[%add3A_19, %dma_wait3A_175] : memref<10240x16xf32, #tpu.memory_space<vmem_shared>> -> memref<128x16xf32, #tpu.memory_space<vmem_shared>>
      tpu.wait_dma2 semaphore(%run_scoped3A : memref<!tpu.dma_semaphore, #tpu.memory_space<semaphore_mem>>) src(%arg13 : memref<128x16xf32, #tpu.memory_space<vmem>>) dst(%dma_wait3A_176 : memref<128x16xf32, #tpu.memory_space<vmem_shared>>)
      tpu.yield
    }) : () -> ()
    %add3A_20 = arith.constant 384 : i32
    %add3A_21 = arith.addi %mul3A_2, %add3A_20 : i32
    "tpu.region"() ({
      %run_scoped3A = tpu.sem_alloc : memref<!tpu.dma_semaphore, #tpu.memory_space<semaphore_mem>>
      %dma_start3A_169 = arith.constant 0 : i32
      %dma_start3A_170 = tpu.memref_slice %arg14[%add3A_21, %dma_start3A_169] : memref<10240x16xf32, #tpu.memory_space<vmem_shared>> -> memref<128x16xf32, #tpu.memory_space<vmem_shared>>
      %dma_start3A_171 = arith.constant 0 : i32
      %dma_start3A_172 = tpu.memref_slice %arg14[%add3A_21, %dma_start3A_171] : memref<10240x16xf32, #tpu.memory_space<vmem_shared>> -> memref<128x16xf32, #tpu.memory_space<vmem_shared>>
      tpu.enqueue_dma source(%arg13 : memref<128x16xf32, #tpu.memory_space<vmem>>) target(%dma_start3A_172 : memref<128x16xf32, #tpu.memory_space<vmem_shared>>) target_semaphore(%run_scoped3A : memref<!tpu.dma_semaphore, #tpu.memory_space<semaphore_mem>>)
      %dma_wait3A_173 = arith.constant 0 : i32
      %dma_wait3A_174 = tpu.memref_slice %arg14[%add3A_21, %dma_wait3A_173] : memref<10240x16xf32, #tpu.memory_space<vmem_shared>> -> memref<128x16xf32, #tpu.memory_space<vmem_shared>>
      %dma_wait3A_175 = arith.constant 0 : i32
      %dma_wait3A_176 = tpu.memref_slice %arg14[%add3A_21, %dma_wait3A_175] : memref<10240x16xf32, #tpu.memory_space<vmem_shared>> -> memref<128x16xf32, #tpu.memory_space<vmem_shared>>
      tpu.wait_dma2 semaphore(%run_scoped3A : memref<!tpu.dma_semaphore, #tpu.memory_space<semaphore_mem>>) src(%arg13 : memref<128x16xf32, #tpu.memory_space<vmem>>) dst(%dma_wait3A_176 : memref<128x16xf32, #tpu.memory_space<vmem_shared>>)
      tpu.yield
    }) : () -> ()
    %add3A_22 = arith.constant 512 : i32
    %add3A_23 = arith.addi %mul3A_2, %add3A_22 : i32
    "tpu.region"() ({
      %run_scoped3A = tpu.sem_alloc : memref<!tpu.dma_semaphore, #tpu.memory_space<semaphore_mem>>
      %dma_start3A_169 = arith.constant 0 : i32
      %dma_start3A_170 = tpu.memref_slice %arg14[%add3A_23, %dma_start3A_169] : memref<10240x16xf32, #tpu.memory_space<vmem_shared>> -> memref<128x16xf32, #tpu.memory_space<vmem_shared>>
      %dma_start3A_171 = arith.constant 0 : i32
      %dma_start3A_172 = tpu.memref_slice %arg14[%add3A_23, %dma_start3A_171] : memref<10240x16xf32, #tpu.memory_space<vmem_shared>> -> memref<128x16xf32, #tpu.memory_space<vmem_shared>>
      tpu.enqueue_dma source(%arg13 : memref<128x16xf32, #tpu.memory_space<vmem>>) target(%dma_start3A_172 : memref<128x16xf32, #tpu.memory_space<vmem_shared>>) target_semaphore(%run_scoped3A : memref<!tpu.dma_semaphore, #tpu.memory_space<semaphore_mem>>)
      %dma_wait3A_173 = arith.constant 0 : i32
      %dma_wait3A_174 = tpu.memref_slice %arg14[%add3A_23, %dma_wait3A_173] : memref<10240x16xf32, #tpu.memory_space<vmem_shared>> -> memref<128x16xf32, #tpu.memory_space<vmem_shared>>
      %dma_wait3A_175 = arith.constant 0 : i32
      %dma_wait3A_176 = tpu.memref_slice %arg14[%add3A_23, %dma_wait3A_175] : memref<10240x16xf32, #tpu.memory_space<vmem_shared>> -> memref<128x16xf32, #tpu.memory_space<vmem_shared>>
      tpu.wait_dma2 semaphore(%run_scoped3A : memref<!tpu.dma_semaphore, #tpu.memory_space<semaphore_mem>>) src(%arg13 : memref<128x16xf32, #tpu.memory_space<vmem>>) dst(%dma_wait3A_176 : memref<128x16xf32, #tpu.memory_space<vmem_shared>>)
      tpu.yield
    }) : () -> ()
    %dma_wait3A = arith.constant 0 : i32
    %dma_wait3A_24 = tpu.memref_slice %arg3[%mul3A_4, %dma_wait3A] : memref<2560x125xi32, #tpu.memory_space<hbm>> -> memref<80x125xi32, #tpu.memory_space<hbm>>
    %dma_wait3A_25 = arith.constant 0 : i32
    %dma_wait3A_26 = tpu.memref_slice %arg3[%mul3A_4, %dma_wait3A_25] : memref<2560x125xi32, #tpu.memory_space<hbm>> -> memref<80x125xi32, #tpu.memory_space<hbm>>
    tpu.wait_dma2 semaphore(%arg15 : memref<!tpu.dma_semaphore, #tpu.memory_space<semaphore_mem>>) src(%dma_wait3A_26 : memref<80x125xi32, #tpu.memory_space<hbm>>) dst(%arg7 : memref<80x125xi32, #tpu.memory_space<vmem>>)
    %dma_wait3A_27 = arith.constant 0 : i32
    %dma_wait3A_28 = tpu.memref_slice %arg4[%mul3A_9, %dma_wait3A_27] : memref<2560x125xi32, #tpu.memory_space<hbm>> -> memref<80x125xi32, #tpu.memory_space<hbm>>
    %dma_wait3A_29 = arith.constant 0 : i32
    %dma_wait3A_30 = tpu.memref_slice %arg4[%mul3A_9, %dma_wait3A_29] : memref<2560x125xi32, #tpu.memory_space<hbm>> -> memref<80x125xi32, #tpu.memory_space<hbm>>
    tpu.wait_dma2 semaphore(%arg16 : memref<!tpu.dma_semaphore, #tpu.memory_space<semaphore_mem>>) src(%dma_wait3A_30 : memref<80x125xi32, #tpu.memory_space<hbm>>) dst(%arg8 : memref<80x125xi32, #tpu.memory_space<vmem>>)
    %barrier3A = arith.constant 0 : index
    tpu.barrier barrier_id(%barrier3A)
    %dma_start3A_31 = arith.constant 0 : i32
    %dma_start3A_32 = arith.constant 0 : i32
    %dma_start3A_33 = tpu.memref_slice %arg7[%dma_start3A_31, %dma_start3A_32] : memref<80x125xi32, #tpu.memory_space<vmem>> -> memref<1x125xi32, #tpu.memory_space<vmem>>
    %dma_start3A_34 = tpu.memref_squeeze %dma_start3A_33 : memref<1x125xi32, #tpu.memory_space<vmem>> -> memref<125xi32, #tpu.memory_space<vmem>>
    %dma_start3A_35 = arith.constant 0 : i32
    %dma_start3A_36 = arith.constant 0 : i32
    %dma_start3A_37 = tpu.memref_slice %arg2[%dma_start3A_35, %dma_start3A_36] : memref<10000x16xf32, #tpu.memory_space<hbm>> -> memref<10000x16xf32, #tpu.memory_space<hbm>>
    tpu.enqueue_indirect_dma source(%dma_start3A_37 : memref<10000x16xf32, #tpu.memory_space<hbm>>) target(%arg9 : memref<125x16xf32, #tpu.memory_space<vmem>>) offsets(%dma_start3A_34 : memref<125xi32, #tpu.memory_space<vmem>>) semaphore(%arg15 : memref<!tpu.dma_semaphore, #tpu.memory_space<semaphore_mem>>)
    %dma_start3A_38 = arith.constant 1 : i32
    %dma_start3A_39 = arith.constant 0 : i32
    %dma_start3A_40 = tpu.memref_slice %arg7[%dma_start3A_38, %dma_start3A_39] : memref<80x125xi32, #tpu.memory_space<vmem>> -> memref<1x125xi32, #tpu.memory_space<vmem>>
    %dma_start3A_41 = tpu.memref_squeeze %dma_start3A_40 : memref<1x125xi32, #tpu.memory_space<vmem>> -> memref<125xi32, #tpu.memory_space<vmem>>
    %dma_start3A_42 = arith.constant 0 : i32
    %dma_start3A_43 = arith.constant 0 : i32
    %dma_start3A_44 = tpu.memref_slice %arg2[%dma_start3A_42, %dma_start3A_43] : memref<10000x16xf32, #tpu.memory_space<hbm>> -> memref<10000x16xf32, #tpu.memory_space<hbm>>
    tpu.enqueue_indirect_dma source(%dma_start3A_44 : memref<10000x16xf32, #tpu.memory_space<hbm>>) target(%arg10 : memref<125x16xf32, #tpu.memory_space<vmem>>) offsets(%dma_start3A_41 : memref<125xi32, #tpu.memory_space<vmem>>) semaphore(%arg16 : memref<!tpu.dma_semaphore, #tpu.memory_space<semaphore_mem>>)
    %dma_start3A_45 = arith.constant 2 : i32
    %dma_start3A_46 = arith.constant 0 : i32
    %dma_start3A_47 = tpu.memref_slice %arg7[%dma_start3A_45, %dma_start3A_46] : memref<80x125xi32, #tpu.memory_space<vmem>> -> memref<1x125xi32, #tpu.memory_space<vmem>>
    %dma_start3A_48 = tpu.memref_squeeze %dma_start3A_47 : memref<1x125xi32, #tpu.memory_space<vmem>> -> memref<125xi32, #tpu.memory_space<vmem>>
    %dma_start3A_49 = arith.constant 0 : i32
    %dma_start3A_50 = arith.constant 0 : i32
    %dma_start3A_51 = tpu.memref_slice %arg2[%dma_start3A_49, %dma_start3A_50] : memref<10000x16xf32, #tpu.memory_space<hbm>> -> memref<10000x16xf32, #tpu.memory_space<hbm>>
    tpu.enqueue_indirect_dma source(%dma_start3A_51 : memref<10000x16xf32, #tpu.memory_space<hbm>>) target(%arg11 : memref<125x16xf32, #tpu.memory_space<vmem>>) offsets(%dma_start3A_48 : memref<125xi32, #tpu.memory_space<vmem>>) semaphore(%arg17 : memref<!tpu.dma_semaphore, #tpu.memory_space<semaphore_mem>>)
    %dma_start3A_52 = arith.constant 3 : i32
    %dma_start3A_53 = arith.constant 0 : i32
    %dma_start3A_54 = tpu.memref_slice %arg7[%dma_start3A_52, %dma_start3A_53] : memref<80x125xi32, #tpu.memory_space<vmem>> -> memref<1x125xi32, #tpu.memory_space<vmem>>
    %dma_start3A_55 = tpu.memref_squeeze %dma_start3A_54 : memref<1x125xi32, #tpu.memory_space<vmem>> -> memref<125xi32, #tpu.memory_space<vmem>>
    %dma_start3A_56 = arith.constant 0 : i32
    %dma_start3A_57 = arith.constant 0 : i32
    %dma_start3A_58 = tpu.memref_slice %arg2[%dma_start3A_56, %dma_start3A_57] : memref<10000x16xf32, #tpu.memory_space<hbm>> -> memref<10000x16xf32, #tpu.memory_space<hbm>>
    tpu.enqueue_indirect_dma source(%dma_start3A_58 : memref<10000x16xf32, #tpu.memory_space<hbm>>) target(%arg12 : memref<125x16xf32, #tpu.memory_space<vmem>>) offsets(%dma_start3A_55 : memref<125xi32, #tpu.memory_space<vmem>>) semaphore(%arg18 : memref<!tpu.dma_semaphore, #tpu.memory_space<semaphore_mem>>)
    %scan3A = arith.constant 0 : i32
    %scan3A_59 = arith.constant 0 : i32
    %scan3A_60 = arith.constant 19 : i32
    %scan3A_61 = arith.addi %scan3A_59, %scan3A_60 : i32
    %scan3A_62 = arith.constant 1 : i32
    scf.for %scan3A_169 = %scan3A_59 to %scan3A_61 step %scan3A_62  : i32 {
      %mul3A_170 = arith.constant 4 : i32
      %mul3A_171 = arith.muli %mul3A_170, %scan3A_169 : i32
      %add3A_172 = arith.constant 0 : i32
      %add3A_173 = arith.addi %mul3A_171, %add3A_172 : i32
      %dma_wait3A_174 = arith.constant 0 : i32
      %dma_wait3A_175 = tpu.memref_slice %arg7[%add3A_173, %dma_wait3A_174] : memref<80x125xi32, #tpu.memory_space<vmem>> -> memref<1x125xi32, #tpu.memory_space<vmem>>
      %dma_wait3A_176 = tpu.memref_squeeze %dma_wait3A_175 : memref<1x125xi32, #tpu.memory_space<vmem>> -> memref<125xi32, #tpu.memory_space<vmem>>
      %dma_wait3A_177 = arith.constant 0 : i32
      %dma_wait3A_178 = arith.constant 0 : i32
      %dma_wait3A_179 = tpu.memref_slice %arg2[%dma_wait3A_177, %dma_wait3A_178] : memref<10000x16xf32, #tpu.memory_space<hbm>> -> memref<10000x16xf32, #tpu.memory_space<hbm>>
      tpu.wait_indirect_dma semaphore(%arg15 : memref<!tpu.dma_semaphore, #tpu.memory_space<semaphore_mem>>) src(%dma_wait3A_179 : memref<10000x16xf32, #tpu.memory_space<hbm>>) dst(%arg9 : memref<125x16xf32, #tpu.memory_space<vmem>>)
      %add3A_180 = arith.constant 0 : i32
      %add3A_181 = arith.addi %mul3A_171, %add3A_180 : i32
      %dma_start3A_182 = arith.constant 0 : i32
      %dma_start3A_183 = tpu.memref_slice %arg8[%add3A_181, %dma_start3A_182] : memref<80x125xi32, #tpu.memory_space<vmem>> -> memref<1x125xi32, #tpu.memory_space<vmem>>
      %dma_start3A_184 = tpu.memref_squeeze %dma_start3A_183 : memref<1x125xi32, #tpu.memory_space<vmem>> -> memref<125xi32, #tpu.memory_space<vmem>>
      %dma_start3A_185 = arith.constant 0 : i32
      %dma_start3A_186 = arith.constant 0 : i32
      %dma_start3A_187 = tpu.memref_slice %arg14[%dma_start3A_185, %dma_start3A_186] : memref<10240x16xf32, #tpu.memory_space<vmem_shared>> -> memref<10240x16xf32, #tpu.memory_space<vmem_shared>>
      tpu.enqueue_indirect_dma source(%arg9 : memref<125x16xf32, #tpu.memory_space<vmem>>) target(%dma_start3A_187 : memref<10240x16xf32, #tpu.memory_space<vmem_shared>>) offsets(%dma_start3A_184 : memref<125xi32, #tpu.memory_space<vmem>>) semaphore(%arg19 : memref<!tpu.dma_semaphore, #tpu.memory_space<semaphore_mem>>) {add = true}
      %add3A_188 = arith.constant 1 : i32
      %add3A_189 = arith.addi %mul3A_171, %add3A_188 : i32
      %dma_wait3A_190 = arith.constant 0 : i32
      %dma_wait3A_191 = tpu.memref_slice %arg7[%add3A_189, %dma_wait3A_190] : memref<80x125xi32, #tpu.memory_space<vmem>> -> memref<1x125xi32, #tpu.memory_space<vmem>>
      %dma_wait3A_192 = tpu.memref_squeeze %dma_wait3A_191 : memref<1x125xi32, #tpu.memory_space<vmem>> -> memref<125xi32, #tpu.memory_space<vmem>>
      %dma_wait3A_193 = arith.constant 0 : i32
      %dma_wait3A_194 = arith.constant 0 : i32
      %dma_wait3A_195 = tpu.memref_slice %arg2[%dma_wait3A_193, %dma_wait3A_194] : memref<10000x16xf32, #tpu.memory_space<hbm>> -> memref<10000x16xf32, #tpu.memory_space<hbm>>
      tpu.wait_indirect_dma semaphore(%arg16 : memref<!tpu.dma_semaphore, #tpu.memory_space<semaphore_mem>>) src(%dma_wait3A_195 : memref<10000x16xf32, #tpu.memory_space<hbm>>) dst(%arg10 : memref<125x16xf32, #tpu.memory_space<vmem>>)
      %add3A_196 = arith.constant 1 : i32
      %add3A_197 = arith.addi %mul3A_171, %add3A_196 : i32
      %dma_start3A_198 = arith.constant 0 : i32
      %dma_start3A_199 = tpu.memref_slice %arg8[%add3A_197, %dma_start3A_198] : memref<80x125xi32, #tpu.memory_space<vmem>> -> memref<1x125xi32, #tpu.memory_space<vmem>>
      %dma_start3A_200 = tpu.memref_squeeze %dma_start3A_199 : memref<1x125xi32, #tpu.memory_space<vmem>> -> memref<125xi32, #tpu.memory_space<vmem>>
      %dma_start3A_201 = arith.constant 0 : i32
      %dma_start3A_202 = arith.constant 0 : i32
      %dma_start3A_203 = tpu.memref_slice %arg14[%dma_start3A_201, %dma_start3A_202] : memref<10240x16xf32, #tpu.memory_space<vmem_shared>> -> memref<10240x16xf32, #tpu.memory_space<vmem_shared>>
      tpu.enqueue_indirect_dma source(%arg10 : memref<125x16xf32, #tpu.memory_space<vmem>>) target(%dma_start3A_203 : memref<10240x16xf32, #tpu.memory_space<vmem_shared>>) offsets(%dma_start3A_200 : memref<125xi32, #tpu.memory_space<vmem>>) semaphore(%arg20 : memref<!tpu.dma_semaphore, #tpu.memory_space<semaphore_mem>>) {add = true}
      %add3A_204 = arith.constant 2 : i32
      %add3A_205 = arith.addi %mul3A_171, %add3A_204 : i32
      %dma_wait3A_206 = arith.constant 0 : i32
      %dma_wait3A_207 = tpu.memref_slice %arg7[%add3A_205, %dma_wait3A_206] : memref<80x125xi32, #tpu.memory_space<vmem>> -> memref<1x125xi32, #tpu.memory_space<vmem>>
      %dma_wait3A_208 = tpu.memref_squeeze %dma_wait3A_207 : memref<1x125xi32, #tpu.memory_space<vmem>> -> memref<125xi32, #tpu.memory_space<vmem>>
      %dma_wait3A_209 = arith.constant 0 : i32
      %dma_wait3A_210 = arith.constant 0 : i32
      %dma_wait3A_211 = tpu.memref_slice %arg2[%dma_wait3A_209, %dma_wait3A_210] : memref<10000x16xf32, #tpu.memory_space<hbm>> -> memref<10000x16xf32, #tpu.memory_space<hbm>>
      tpu.wait_indirect_dma semaphore(%arg17 : memref<!tpu.dma_semaphore, #tpu.memory_space<semaphore_mem>>) src(%dma_wait3A_211 : memref<10000x16xf32, #tpu.memory_space<hbm>>) dst(%arg11 : memref<125x16xf32, #tpu.memory_space<vmem>>)
      %add3A_212 = arith.constant 2 : i32
      %add3A_213 = arith.addi %mul3A_171, %add3A_212 : i32
      %dma_start3A_214 = arith.constant 0 : i32
      %dma_start3A_215 = tpu.memref_slice %arg8[%add3A_213, %dma_start3A_214] : memref<80x125xi32, #tpu.memory_space<vmem>> -> memref<1x125xi32, #tpu.memory_space<vmem>>
      %dma_start3A_216 = tpu.memref_squeeze %dma_start3A_215 : memref<1x125xi32, #tpu.memory_space<vmem>> -> memref<125xi32, #tpu.memory_space<vmem>>
      %dma_start3A_217 = arith.constant 0 : i32
      %dma_start3A_218 = arith.constant 0 : i32
      %dma_start3A_219 = tpu.memref_slice %arg14[%dma_start3A_217, %dma_start3A_218] : memref<10240x16xf32, #tpu.memory_space<vmem_shared>> -> memref<10240x16xf32, #tpu.memory_space<vmem_shared>>
      tpu.enqueue_indirect_dma source(%arg11 : memref<125x16xf32, #tpu.memory_space<vmem>>) target(%dma_start3A_219 : memref<10240x16xf32, #tpu.memory_space<vmem_shared>>) offsets(%dma_start3A_216 : memref<125xi32, #tpu.memory_space<vmem>>) semaphore(%arg21 : memref<!tpu.dma_semaphore, #tpu.memory_space<semaphore_mem>>) {add = true}
      %add3A_220 = arith.constant 3 : i32
      %add3A_221 = arith.addi %mul3A_171, %add3A_220 : i32
      %dma_wait3A_222 = arith.constant 0 : i32
      %dma_wait3A_223 = tpu.memref_slice %arg7[%add3A_221, %dma_wait3A_222] : memref<80x125xi32, #tpu.memory_space<vmem>> -> memref<1x125xi32, #tpu.memory_space<vmem>>
      %dma_wait3A_224 = tpu.memref_squeeze %dma_wait3A_223 : memref<1x125xi32, #tpu.memory_space<vmem>> -> memref<125xi32, #tpu.memory_space<vmem>>
      %dma_wait3A_225 = arith.constant 0 : i32
      %dma_wait3A_226 = arith.constant 0 : i32
      %dma_wait3A_227 = tpu.memref_slice %arg2[%dma_wait3A_225, %dma_wait3A_226] : memref<10000x16xf32, #tpu.memory_space<hbm>> -> memref<10000x16xf32, #tpu.memory_space<hbm>>
      tpu.wait_indirect_dma semaphore(%arg18 : memref<!tpu.dma_semaphore, #tpu.memory_space<semaphore_mem>>) src(%dma_wait3A_227 : memref<10000x16xf32, #tpu.memory_space<hbm>>) dst(%arg12 : memref<125x16xf32, #tpu.memory_space<vmem>>)
      %add3A_228 = arith.constant 3 : i32
      %add3A_229 = arith.addi %mul3A_171, %add3A_228 : i32
      %dma_start3A_230 = arith.constant 0 : i32
      %dma_start3A_231 = tpu.memref_slice %arg8[%add3A_229, %dma_start3A_230] : memref<80x125xi32, #tpu.memory_space<vmem>> -> memref<1x125xi32, #tpu.memory_space<vmem>>
      %dma_start3A_232 = tpu.memref_squeeze %dma_start3A_231 : memref<1x125xi32, #tpu.memory_space<vmem>> -> memref<125xi32, #tpu.memory_space<vmem>>
      %dma_start3A_233 = arith.constant 0 : i32
      %dma_start3A_234 = arith.constant 0 : i32
      %dma_start3A_235 = tpu.memref_slice %arg14[%dma_start3A_233, %dma_start3A_234] : memref<10240x16xf32, #tpu.memory_space<vmem_shared>> -> memref<10240x16xf32, #tpu.memory_space<vmem_shared>>
      tpu.enqueue_indirect_dma source(%arg12 : memref<125x16xf32, #tpu.memory_space<vmem>>) target(%dma_start3A_235 : memref<10240x16xf32, #tpu.memory_space<vmem_shared>>) offsets(%dma_start3A_232 : memref<125xi32, #tpu.memory_space<vmem>>) semaphore(%arg22 : memref<!tpu.dma_semaphore, #tpu.memory_space<semaphore_mem>>) {add = true}
      %dma_wait3A_236 = arith.constant 0 : i32
      %dma_wait3A_237 = tpu.memref_slice %arg8[%add3A_181, %dma_wait3A_236] : memref<80x125xi32, #tpu.memory_space<vmem>> -> memref<1x125xi32, #tpu.memory_space<vmem>>
      %dma_wait3A_238 = tpu.memref_squeeze %dma_wait3A_237 : memref<1x125xi32, #tpu.memory_space<vmem>> -> memref<125xi32, #tpu.memory_space<vmem>>
      %dma_wait3A_239 = arith.constant 0 : i32
      %dma_wait3A_240 = arith.constant 0 : i32
      %dma_wait3A_241 = tpu.memref_slice %arg14[%dma_wait3A_239, %dma_wait3A_240] : memref<10240x16xf32, #tpu.memory_space<vmem_shared>> -> memref<10240x16xf32, #tpu.memory_space<vmem_shared>>
      tpu.wait_indirect_dma semaphore(%arg19 : memref<!tpu.dma_semaphore, #tpu.memory_space<semaphore_mem>>) src(%arg9 : memref<125x16xf32, #tpu.memory_space<vmem>>) dst(%dma_wait3A_241 : memref<10240x16xf32, #tpu.memory_space<vmem_shared>>)
      %add3A_242 = arith.constant 4 : i32
      %add3A_243 = arith.addi %mul3A_171, %add3A_242 : i32
      %add3A_244 = arith.constant 0 : i32
      %add3A_245 = arith.addi %add3A_243, %add3A_244 : i32
      %dma_start3A_246 = arith.constant 0 : i32
      %dma_start3A_247 = tpu.memref_slice %arg7[%add3A_245, %dma_start3A_246] : memref<80x125xi32, #tpu.memory_space<vmem>> -> memref<1x125xi32, #tpu.memory_space<vmem>>
      %dma_start3A_248 = tpu.memref_squeeze %dma_start3A_247 : memref<1x125xi32, #tpu.memory_space<vmem>> -> memref<125xi32, #tpu.memory_space<vmem>>
      %dma_start3A_249 = arith.constant 0 : i32
      %dma_start3A_250 = arith.constant 0 : i32
      %dma_start3A_251 = tpu.memref_slice %arg2[%dma_start3A_249, %dma_start3A_250] : memref<10000x16xf32, #tpu.memory_space<hbm>> -> memref<10000x16xf32, #tpu.memory_space<hbm>>
      tpu.enqueue_indirect_dma source(%dma_start3A_251 : memref<10000x16xf32, #tpu.memory_space<hbm>>) target(%arg9 : memref<125x16xf32, #tpu.memory_space<vmem>>) offsets(%dma_start3A_248 : memref<125xi32, #tpu.memory_space<vmem>>) semaphore(%arg15 : memref<!tpu.dma_semaphore, #tpu.memory_space<semaphore_mem>>)
      %dma_wait3A_252 = arith.constant 0 : i32
      %dma_wait3A_253 = tpu.memref_slice %arg8[%add3A_197, %dma_wait3A_252] : memref<80x125xi32, #tpu.memory_space<vmem>> -> memref<1x125xi32, #tpu.memory_space<vmem>>
      %dma_wait3A_254 = tpu.memref_squeeze %dma_wait3A_253 : memref<1x125xi32, #tpu.memory_space<vmem>> -> memref<125xi32, #tpu.memory_space<vmem>>
      %dma_wait3A_255 = arith.constant 0 : i32
      %dma_wait3A_256 = arith.constant 0 : i32
      %dma_wait3A_257 = tpu.memref_slice %arg14[%dma_wait3A_255, %dma_wait3A_256] : memref<10240x16xf32, #tpu.memory_space<vmem_shared>> -> memref<10240x16xf32, #tpu.memory_space<vmem_shared>>
      tpu.wait_indirect_dma semaphore(%arg20 : memref<!tpu.dma_semaphore, #tpu.memory_space<semaphore_mem>>) src(%arg10 : memref<125x16xf32, #tpu.memory_space<vmem>>) dst(%dma_wait3A_257 : memref<10240x16xf32, #tpu.memory_space<vmem_shared>>)
      %add3A_258 = arith.constant 4 : i32
      %add3A_259 = arith.addi %mul3A_171, %add3A_258 : i32
      %add3A_260 = arith.constant 1 : i32
      %add3A_261 = arith.addi %add3A_259, %add3A_260 : i32
      %dma_start3A_262 = arith.constant 0 : i32
      %dma_start3A_263 = tpu.memref_slice %arg7[%add3A_261, %dma_start3A_262] : memref<80x125xi32, #tpu.memory_space<vmem>> -> memref<1x125xi32, #tpu.memory_space<vmem>>
      %dma_start3A_264 = tpu.memref_squeeze %dma_start3A_263 : memref<1x125xi32, #tpu.memory_space<vmem>> -> memref<125xi32, #tpu.memory_space<vmem>>
      %dma_start3A_265 = arith.constant 0 : i32
      %dma_start3A_266 = arith.constant 0 : i32
      %dma_start3A_267 = tpu.memref_slice %arg2[%dma_start3A_265, %dma_start3A_266] : memref<10000x16xf32, #tpu.memory_space<hbm>> -> memref<10000x16xf32, #tpu.memory_space<hbm>>
      tpu.enqueue_indirect_dma source(%dma_start3A_267 : memref<10000x16xf32, #tpu.memory_space<hbm>>) target(%arg10 : memref<125x16xf32, #tpu.memory_space<vmem>>) offsets(%dma_start3A_264 : memref<125xi32, #tpu.memory_space<vmem>>) semaphore(%arg16 : memref<!tpu.dma_semaphore, #tpu.memory_space<semaphore_mem>>)
      %dma_wait3A_268 = arith.constant 0 : i32
      %dma_wait3A_269 = tpu.memref_slice %arg8[%add3A_213, %dma_wait3A_268] : memref<80x125xi32, #tpu.memory_space<vmem>> -> memref<1x125xi32, #tpu.memory_space<vmem>>
      %dma_wait3A_270 = tpu.memref_squeeze %dma_wait3A_269 : memref<1x125xi32, #tpu.memory_space<vmem>> -> memref<125xi32, #tpu.memory_space<vmem>>
      %dma_wait3A_271 = arith.constant 0 : i32
      %dma_wait3A_272 = arith.constant 0 : i32
      %dma_wait3A_273 = tpu.memref_slice %arg14[%dma_wait3A_271, %dma_wait3A_272] : memref<10240x16xf32, #tpu.memory_space<vmem_shared>> -> memref<10240x16xf32, #tpu.memory_space<vmem_shared>>
      tpu.wait_indirect_dma semaphore(%arg21 : memref<!tpu.dma_semaphore, #tpu.memory_space<semaphore_mem>>) src(%arg11 : memref<125x16xf32, #tpu.memory_space<vmem>>) dst(%dma_wait3A_273 : memref<10240x16xf32, #tpu.memory_space<vmem_shared>>)
      %add3A_274 = arith.constant 4 : i32
      %add3A_275 = arith.addi %mul3A_171, %add3A_274 : i32
      %add3A_276 = arith.constant 2 : i32
      %add3A_277 = arith.addi %add3A_275, %add3A_276 : i32
      %dma_start3A_278 = arith.constant 0 : i32
      %dma_start3A_279 = tpu.memref_slice %arg7[%add3A_277, %dma_start3A_278] : memref<80x125xi32, #tpu.memory_space<vmem>> -> memref<1x125xi32, #tpu.memory_space<vmem>>
      %dma_start3A_280 = tpu.memref_squeeze %dma_start3A_279 : memref<1x125xi32, #tpu.memory_space<vmem>> -> memref<125xi32, #tpu.memory_space<vmem>>
      %dma_start3A_281 = arith.constant 0 : i32
      %dma_start3A_282 = arith.constant 0 : i32
      %dma_start3A_283 = tpu.memref_slice %arg2[%dma_start3A_281, %dma_start3A_282] : memref<10000x16xf32, #tpu.memory_space<hbm>> -> memref<10000x16xf32, #tpu.memory_space<hbm>>
      tpu.enqueue_indirect_dma source(%dma_start3A_283 : memref<10000x16xf32, #tpu.memory_space<hbm>>) target(%arg11 : memref<125x16xf32, #tpu.memory_space<vmem>>) offsets(%dma_start3A_280 : memref<125xi32, #tpu.memory_space<vmem>>) semaphore(%arg17 : memref<!tpu.dma_semaphore, #tpu.memory_space<semaphore_mem>>)
      %dma_wait3A_284 = arith.constant 0 : i32
      %dma_wait3A_285 = tpu.memref_slice %arg8[%add3A_229, %dma_wait3A_284] : memref<80x125xi32, #tpu.memory_space<vmem>> -> memref<1x125xi32, #tpu.memory_space<vmem>>
      %dma_wait3A_286 = tpu.memref_squeeze %dma_wait3A_285 : memref<1x125xi32, #tpu.memory_space<vmem>> -> memref<125xi32, #tpu.memory_space<vmem>>
      %dma_wait3A_287 = arith.constant 0 : i32
      %dma_wait3A_288 = arith.constant 0 : i32
      %dma_wait3A_289 = tpu.memref_slice %arg14[%dma_wait3A_287, %dma_wait3A_288] : memref<10240x16xf32, #tpu.memory_space<vmem_shared>> -> memref<10240x16xf32, #tpu.memory_space<vmem_shared>>
      tpu.wait_indirect_dma semaphore(%arg22 : memref<!tpu.dma_semaphore, #tpu.memory_space<semaphore_mem>>) src(%arg12 : memref<125x16xf32, #tpu.memory_space<vmem>>) dst(%dma_wait3A_289 : memref<10240x16xf32, #tpu.memory_space<vmem_shared>>)
      %add3A_290 = arith.constant 4 : i32
      %add3A_291 = arith.addi %mul3A_171, %add3A_290 : i32
      %add3A_292 = arith.constant 3 : i32
      %add3A_293 = arith.addi %add3A_291, %add3A_292 : i32
      %dma_start3A_294 = arith.constant 0 : i32
      %dma_start3A_295 = tpu.memref_slice %arg7[%add3A_293, %dma_start3A_294] : memref<80x125xi32, #tpu.memory_space<vmem>> -> memref<1x125xi32, #tpu.memory_space<vmem>>
      %dma_start3A_296 = tpu.memref_squeeze %dma_start3A_295 : memref<1x125xi32, #tpu.memory_space<vmem>> -> memref<125xi32, #tpu.memory_space<vmem>>
      %dma_start3A_297 = arith.constant 0 : i32
      %dma_start3A_298 = arith.constant 0 : i32
      %dma_start3A_299 = tpu.memref_slice %arg2[%dma_start3A_297, %dma_start3A_298] : memref<10000x16xf32, #tpu.memory_space<hbm>> -> memref<10000x16xf32, #tpu.memory_space<hbm>>
      tpu.enqueue_indirect_dma source(%dma_start3A_299 : memref<10000x16xf32, #tpu.memory_space<hbm>>) target(%arg12 : memref<125x16xf32, #tpu.memory_space<vmem>>) offsets(%dma_start3A_296 : memref<125xi32, #tpu.memory_space<vmem>>) semaphore(%arg18 : memref<!tpu.dma_semaphore, #tpu.memory_space<semaphore_mem>>)
    }
    %scan3A_63 = arith.constant 19 : i32
    %dma_wait3A_64 = arith.constant 76 : i32
    %dma_wait3A_65 = arith.constant 0 : i32
    %dma_wait3A_66 = tpu.memref_slice %arg7[%dma_wait3A_64, %dma_wait3A_65] : memref<80x125xi32, #tpu.memory_space<vmem>> -> memref<1x125xi32, #tpu.memory_space<vmem>>
    %dma_wait3A_67 = tpu.memref_squeeze %dma_wait3A_66 : memref<1x125xi32, #tpu.memory_space<vmem>> -> memref<125xi32, #tpu.memory_space<vmem>>
    %dma_wait3A_68 = arith.constant 0 : i32
    %dma_wait3A_69 = arith.constant 0 : i32
    %dma_wait3A_70 = tpu.memref_slice %arg2[%dma_wait3A_68, %dma_wait3A_69] : memref<10000x16xf32, #tpu.memory_space<hbm>> -> memref<10000x16xf32, #tpu.memory_space<hbm>>
    tpu.wait_indirect_dma semaphore(%arg15 : memref<!tpu.dma_semaphore, #tpu.memory_space<semaphore_mem>>) src(%dma_wait3A_70 : memref<10000x16xf32, #tpu.memory_space<hbm>>) dst(%arg9 : memref<125x16xf32, #tpu.memory_space<vmem>>)
    %dma_start3A_71 = arith.constant 76 : i32
    %dma_start3A_72 = arith.constant 0 : i32
    %dma_start3A_73 = tpu.memref_slice %arg8[%dma_start3A_71, %dma_start3A_72] : memref<80x125xi32, #tpu.memory_space<vmem>> -> memref<1x125xi32, #tpu.memory_space<vmem>>
    %dma_start3A_74 = tpu.memref_squeeze %dma_start3A_73 : memref<1x125xi32, #tpu.memory_space<vmem>> -> memref<125xi32, #tpu.memory_space<vmem>>
    %dma_start3A_75 = arith.constant 0 : i32
    %dma_start3A_76 = arith.constant 0 : i32
    %dma_start3A_77 = tpu.memref_slice %arg14[%dma_start3A_75, %dma_start3A_76] : memref<10240x16xf32, #tpu.memory_space<vmem_shared>> -> memref<10240x16xf32, #tpu.memory_space<vmem_shared>>
    tpu.enqueue_indirect_dma source(%arg9 : memref<125x16xf32, #tpu.memory_space<vmem>>) target(%dma_start3A_77 : memref<10240x16xf32, #tpu.memory_space<vmem_shared>>) offsets(%dma_start3A_74 : memref<125xi32, #tpu.memory_space<vmem>>) semaphore(%arg19 : memref<!tpu.dma_semaphore, #tpu.memory_space<semaphore_mem>>) {add = true}
    %dma_wait3A_78 = arith.constant 77 : i32
    %dma_wait3A_79 = arith.constant 0 : i32
    %dma_wait3A_80 = tpu.memref_slice %arg7[%dma_wait3A_78, %dma_wait3A_79] : memref<80x125xi32, #tpu.memory_space<vmem>> -> memref<1x125xi32, #tpu.memory_space<vmem>>
    %dma_wait3A_81 = tpu.memref_squeeze %dma_wait3A_80 : memref<1x125xi32, #tpu.memory_space<vmem>> -> memref<125xi32, #tpu.memory_space<vmem>>
    %dma_wait3A_82 = arith.constant 0 : i32
    %dma_wait3A_83 = arith.constant 0 : i32
    %dma_wait3A_84 = tpu.memref_slice %arg2[%dma_wait3A_82, %dma_wait3A_83] : memref<10000x16xf32, #tpu.memory_space<hbm>> -> memref<10000x16xf32, #tpu.memory_space<hbm>>
    tpu.wait_indirect_dma semaphore(%arg16 : memref<!tpu.dma_semaphore, #tpu.memory_space<semaphore_mem>>) src(%dma_wait3A_84 : memref<10000x16xf32, #tpu.memory_space<hbm>>) dst(%arg10 : memref<125x16xf32, #tpu.memory_space<vmem>>)
    %dma_start3A_85 = arith.constant 77 : i32
    %dma_start3A_86 = arith.constant 0 : i32
    %dma_start3A_87 = tpu.memref_slice %arg8[%dma_start3A_85, %dma_start3A_86] : memref<80x125xi32, #tpu.memory_space<vmem>> -> memref<1x125xi32, #tpu.memory_space<vmem>>
    %dma_start3A_88 = tpu.memref_squeeze %dma_start3A_87 : memref<1x125xi32, #tpu.memory_space<vmem>> -> memref<125xi32, #tpu.memory_space<vmem>>
    %dma_start3A_89 = arith.constant 0 : i32
    %dma_start3A_90 = arith.constant 0 : i32
    %dma_start3A_91 = tpu.memref_slice %arg14[%dma_start3A_89, %dma_start3A_90] : memref<10240x16xf32, #tpu.memory_space<vmem_shared>> -> memref<10240x16xf32, #tpu.memory_space<vmem_shared>>
    tpu.enqueue_indirect_dma source(%arg10 : memref<125x16xf32, #tpu.memory_space<vmem>>) target(%dma_start3A_91 : memref<10240x16xf32, #tpu.memory_space<vmem_shared>>) offsets(%dma_start3A_88 : memref<125xi32, #tpu.memory_space<vmem>>) semaphore(%arg20 : memref<!tpu.dma_semaphore, #tpu.memory_space<semaphore_mem>>) {add = true}
    %dma_wait3A_92 = arith.constant 78 : i32
    %dma_wait3A_93 = arith.constant 0 : i32
    %dma_wait3A_94 = tpu.memref_slice %arg7[%dma_wait3A_92, %dma_wait3A_93] : memref<80x125xi32, #tpu.memory_space<vmem>> -> memref<1x125xi32, #tpu.memory_space<vmem>>
    %dma_wait3A_95 = tpu.memref_squeeze %dma_wait3A_94 : memref<1x125xi32, #tpu.memory_space<vmem>> -> memref<125xi32, #tpu.memory_space<vmem>>
    %dma_wait3A_96 = arith.constant 0 : i32
    %dma_wait3A_97 = arith.constant 0 : i32
    %dma_wait3A_98 = tpu.memref_slice %arg2[%dma_wait3A_96, %dma_wait3A_97] : memref<10000x16xf32, #tpu.memory_space<hbm>> -> memref<10000x16xf32, #tpu.memory_space<hbm>>
    tpu.wait_indirect_dma semaphore(%arg17 : memref<!tpu.dma_semaphore, #tpu.memory_space<semaphore_mem>>) src(%dma_wait3A_98 : memref<10000x16xf32, #tpu.memory_space<hbm>>) dst(%arg11 : memref<125x16xf32, #tpu.memory_space<vmem>>)
    %dma_start3A_99 = arith.constant 78 : i32
    %dma_start3A_100 = arith.constant 0 : i32
    %dma_start3A_101 = tpu.memref_slice %arg8[%dma_start3A_99, %dma_start3A_100] : memref<80x125xi32, #tpu.memory_space<vmem>> -> memref<1x125xi32, #tpu.memory_space<vmem>>
    %dma_start3A_102 = tpu.memref_squeeze %dma_start3A_101 : memref<1x125xi32, #tpu.memory_space<vmem>> -> memref<125xi32, #tpu.memory_space<vmem>>
    %dma_start3A_103 = arith.constant 0 : i32
    %dma_start3A_104 = arith.constant 0 : i32
    %dma_start3A_105 = tpu.memref_slice %arg14[%dma_start3A_103, %dma_start3A_104] : memref<10240x16xf32, #tpu.memory_space<vmem_shared>> -> memref<10240x16xf32, #tpu.memory_space<vmem_shared>>
    tpu.enqueue_indirect_dma source(%arg11 : memref<125x16xf32, #tpu.memory_space<vmem>>) target(%dma_start3A_105 : memref<10240x16xf32, #tpu.memory_space<vmem_shared>>) offsets(%dma_start3A_102 : memref<125xi32, #tpu.memory_space<vmem>>) semaphore(%arg21 : memref<!tpu.dma_semaphore, #tpu.memory_space<semaphore_mem>>) {add = true}
    %dma_wait3A_106 = arith.constant 79 : i32
    %dma_wait3A_107 = arith.constant 0 : i32
    %dma_wait3A_108 = tpu.memref_slice %arg7[%dma_wait3A_106, %dma_wait3A_107] : memref<80x125xi32, #tpu.memory_space<vmem>> -> memref<1x125xi32, #tpu.memory_space<vmem>>
    %dma_wait3A_109 = tpu.memref_squeeze %dma_wait3A_108 : memref<1x125xi32, #tpu.memory_space<vmem>> -> memref<125xi32, #tpu.memory_space<vmem>>
    %dma_wait3A_110 = arith.constant 0 : i32
    %dma_wait3A_111 = arith.constant 0 : i32
    %dma_wait3A_112 = tpu.memref_slice %arg2[%dma_wait3A_110, %dma_wait3A_111] : memref<10000x16xf32, #tpu.memory_space<hbm>> -> memref<10000x16xf32, #tpu.memory_space<hbm>>
    tpu.wait_indirect_dma semaphore(%arg18 : memref<!tpu.dma_semaphore, #tpu.memory_space<semaphore_mem>>) src(%dma_wait3A_112 : memref<10000x16xf32, #tpu.memory_space<hbm>>) dst(%arg12 : memref<125x16xf32, #tpu.memory_space<vmem>>)
    %dma_start3A_113 = arith.constant 79 : i32
    %dma_start3A_114 = arith.constant 0 : i32
    %dma_start3A_115 = tpu.memref_slice %arg8[%dma_start3A_113, %dma_start3A_114] : memref<80x125xi32, #tpu.memory_space<vmem>> -> memref<1x125xi32, #tpu.memory_space<vmem>>
    %dma_start3A_116 = tpu.memref_squeeze %dma_start3A_115 : memref<1x125xi32, #tpu.memory_space<vmem>> -> memref<125xi32, #tpu.memory_space<vmem>>
    %dma_start3A_117 = arith.constant 0 : i32
    %dma_start3A_118 = arith.constant 0 : i32
    %dma_start3A_119 = tpu.memref_slice %arg14[%dma_start3A_117, %dma_start3A_118] : memref<10240x16xf32, #tpu.memory_space<vmem_shared>> -> memref<10240x16xf32, #tpu.memory_space<vmem_shared>>
    tpu.enqueue_indirect_dma source(%arg12 : memref<125x16xf32, #tpu.memory_space<vmem>>) target(%dma_start3A_119 : memref<10240x16xf32, #tpu.memory_space<vmem_shared>>) offsets(%dma_start3A_116 : memref<125xi32, #tpu.memory_space<vmem>>) semaphore(%arg22 : memref<!tpu.dma_semaphore, #tpu.memory_space<semaphore_mem>>) {add = true}
    %dma_wait3A_120 = arith.constant 76 : i32
    %dma_wait3A_121 = arith.constant 0 : i32
    %dma_wait3A_122 = tpu.memref_slice %arg8[%dma_wait3A_120, %dma_wait3A_121] : memref<80x125xi32, #tpu.memory_space<vmem>> -> memref<1x125xi32, #tpu.memory_space<vmem>>
    %dma_wait3A_123 = tpu.memref_squeeze %dma_wait3A_122 : memref<1x125xi32, #tpu.memory_space<vmem>> -> memref<125xi32, #tpu.memory_space<vmem>>
    %dma_wait3A_124 = arith.constant 0 : i32
    %dma_wait3A_125 = arith.constant 0 : i32
    %dma_wait3A_126 = tpu.memref_slice %arg14[%dma_wait3A_124, %dma_wait3A_125] : memref<10240x16xf32, #tpu.memory_space<vmem_shared>> -> memref<10240x16xf32, #tpu.memory_space<vmem_shared>>
    tpu.wait_indirect_dma semaphore(%arg19 : memref<!tpu.dma_semaphore, #tpu.memory_space<semaphore_mem>>) src(%arg9 : memref<125x16xf32, #tpu.memory_space<vmem>>) dst(%dma_wait3A_126 : memref<10240x16xf32, #tpu.memory_space<vmem_shared>>)
    %dma_wait3A_127 = arith.constant 77 : i32
    %dma_wait3A_128 = arith.constant 0 : i32
    %dma_wait3A_129 = tpu.memref_slice %arg8[%dma_wait3A_127, %dma_wait3A_128] : memref<80x125xi32, #tpu.memory_space<vmem>> -> memref<1x125xi32, #tpu.memory_space<vmem>>
    %dma_wait3A_130 = tpu.memref_squeeze %dma_wait3A_129 : memref<1x125xi32, #tpu.memory_space<vmem>> -> memref<125xi32, #tpu.memory_space<vmem>>
    %dma_wait3A_131 = arith.constant 0 : i32
    %dma_wait3A_132 = arith.constant 0 : i32
    %dma_wait3A_133 = tpu.memref_slice %arg14[%dma_wait3A_131, %dma_wait3A_132] : memref<10240x16xf32, #tpu.memory_space<vmem_shared>> -> memref<10240x16xf32, #tpu.memory_space<vmem_shared>>
    tpu.wait_indirect_dma semaphore(%arg20 : memref<!tpu.dma_semaphore, #tpu.memory_space<semaphore_mem>>) src(%arg10 : memref<125x16xf32, #tpu.memory_space<vmem>>) dst(%dma_wait3A_133 : memref<10240x16xf32, #tpu.memory_space<vmem_shared>>)
    %dma_wait3A_134 = arith.constant 78 : i32
    %dma_wait3A_135 = arith.constant 0 : i32
    %dma_wait3A_136 = tpu.memref_slice %arg8[%dma_wait3A_134, %dma_wait3A_135] : memref<80x125xi32, #tpu.memory_space<vmem>> -> memref<1x125xi32, #tpu.memory_space<vmem>>
    %dma_wait3A_137 = tpu.memref_squeeze %dma_wait3A_136 : memref<1x125xi32, #tpu.memory_space<vmem>> -> memref<125xi32, #tpu.memory_space<vmem>>
    %dma_wait3A_138 = arith.constant 0 : i32
    %dma_wait3A_139 = arith.constant 0 : i32
    %dma_wait3A_140 = tpu.memref_slice %arg14[%dma_wait3A_138, %dma_wait3A_139] : memref<10240x16xf32, #tpu.memory_space<vmem_shared>> -> memref<10240x16xf32, #tpu.memory_space<vmem_shared>>
    tpu.wait_indirect_dma semaphore(%arg21 : memref<!tpu.dma_semaphore, #tpu.memory_space<semaphore_mem>>) src(%arg11 : memref<125x16xf32, #tpu.memory_space<vmem>>) dst(%dma_wait3A_140 : memref<10240x16xf32, #tpu.memory_space<vmem_shared>>)
    %dma_wait3A_141 = arith.constant 79 : i32
    %dma_wait3A_142 = arith.constant 0 : i32
    %dma_wait3A_143 = tpu.memref_slice %arg8[%dma_wait3A_141, %dma_wait3A_142] : memref<80x125xi32, #tpu.memory_space<vmem>> -> memref<1x125xi32, #tpu.memory_space<vmem>>
    %dma_wait3A_144 = tpu.memref_squeeze %dma_wait3A_143 : memref<1x125xi32, #tpu.memory_space<vmem>> -> memref<125xi32, #tpu.memory_space<vmem>>
    %dma_wait3A_145 = arith.constant 0 : i32
    %dma_wait3A_146 = arith.constant 0 : i32
    %dma_wait3A_147 = tpu.memref_slice %arg14[%dma_wait3A_145, %dma_wait3A_146] : memref<10240x16xf32, #tpu.memory_space<vmem_shared>> -> memref<10240x16xf32, #tpu.memory_space<vmem_shared>>
    tpu.wait_indirect_dma semaphore(%arg22 : memref<!tpu.dma_semaphore, #tpu.memory_space<semaphore_mem>>) src(%arg12 : memref<125x16xf32, #tpu.memory_space<vmem>>) dst(%dma_wait3A_147 : memref<10240x16xf32, #tpu.memory_space<vmem_shared>>)
    %barrier3A_148 = arith.constant 0 : index
    tpu.barrier barrier_id(%barrier3A_148)
    %add3A_149 = arith.constant 0 : i32
    %add3A_150 = arith.addi %mul3A_2, %add3A_149 : i32
    "tpu.region"() ({
      %run_scoped3A = tpu.sem_alloc : memref<!tpu.dma_semaphore, #tpu.memory_space<semaphore_mem>>
      %dma_start3A_169 = arith.constant 0 : i32
      %dma_start3A_170 = tpu.memref_slice %arg14[%add3A_150, %dma_start3A_169] : memref<10240x16xf32, #tpu.memory_space<vmem_shared>> -> memref<128x16xf32, #tpu.memory_space<vmem_shared>>
      %dma_start3A_171 = arith.constant 0 : i32
      %dma_start3A_172 = tpu.memref_slice %arg14[%add3A_150, %dma_start3A_171] : memref<10240x16xf32, #tpu.memory_space<vmem_shared>> -> memref<128x16xf32, #tpu.memory_space<vmem_shared>>
      tpu.enqueue_dma source(%dma_start3A_172 : memref<128x16xf32, #tpu.memory_space<vmem_shared>>) target(%arg13 : memref<128x16xf32, #tpu.memory_space<vmem>>) target_semaphore(%run_scoped3A : memref<!tpu.dma_semaphore, #tpu.memory_space<semaphore_mem>>)
      %dma_wait3A_173 = arith.constant 0 : i32
      %dma_wait3A_174 = tpu.memref_slice %arg14[%add3A_150, %dma_wait3A_173] : memref<10240x16xf32, #tpu.memory_space<vmem_shared>> -> memref<128x16xf32, #tpu.memory_space<vmem_shared>>
      %dma_wait3A_175 = arith.constant 0 : i32
      %dma_wait3A_176 = tpu.memref_slice %arg14[%add3A_150, %dma_wait3A_175] : memref<10240x16xf32, #tpu.memory_space<vmem_shared>> -> memref<128x16xf32, #tpu.memory_space<vmem_shared>>
      tpu.wait_dma2 semaphore(%run_scoped3A : memref<!tpu.dma_semaphore, #tpu.memory_space<semaphore_mem>>) src(%dma_wait3A_176 : memref<128x16xf32, #tpu.memory_space<vmem_shared>>) dst(%arg13 : memref<128x16xf32, #tpu.memory_space<vmem>>)
      tpu.yield
    }) : () -> ()
    %add3A_151 = arith.constant 0 : i32
    %add3A_152 = arith.addi %mul3A_2, %add3A_151 : i32
    "tpu.region"() ({
      %run_scoped3A = tpu.sem_alloc : memref<!tpu.dma_semaphore, #tpu.memory_space<semaphore_mem>>
      %dma_start3A_169 = arith.constant 0 : i32
      %dma_start3A_170 = tpu.memref_slice %arg6[%arg0, %add3A_152, %dma_start3A_169] : memref<2x10240x16xf32, #tpu.memory_space<hbm>> -> memref<1x128x16xf32, #tpu.memory_space<hbm>>
      %dma_start3A_171 = tpu.memref_squeeze %dma_start3A_170 : memref<1x128x16xf32, #tpu.memory_space<hbm>> -> memref<128x16xf32, #tpu.memory_space<hbm>>
      %dma_start3A_172 = arith.constant 0 : i32
      %dma_start3A_173 = tpu.memref_slice %arg6[%arg0, %add3A_152, %dma_start3A_172] : memref<2x10240x16xf32, #tpu.memory_space<hbm>> -> memref<1x128x16xf32, #tpu.memory_space<hbm>>
      %dma_start3A_174 = tpu.memref_squeeze %dma_start3A_173 : memref<1x128x16xf32, #tpu.memory_space<hbm>> -> memref<128x16xf32, #tpu.memory_space<hbm>>
      tpu.enqueue_dma source(%arg13 : memref<128x16xf32, #tpu.memory_space<vmem>>) target(%dma_start3A_174 : memref<128x16xf32, #tpu.memory_space<hbm>>) target_semaphore(%run_scoped3A : memref<!tpu.dma_semaphore, #tpu.memory_space<semaphore_mem>>)
      %dma_wait3A_175 = arith.constant 0 : i32
      %dma_wait3A_176 = tpu.memref_slice %arg6[%arg0, %add3A_152, %dma_wait3A_175] : memref<2x10240x16xf32, #tpu.memory_space<hbm>> -> memref<1x128x16xf32, #tpu.memory_space<hbm>>
      %dma_wait3A_177 = tpu.memref_squeeze %dma_wait3A_176 : memref<1x128x16xf32, #tpu.memory_space<hbm>> -> memref<128x16xf32, #tpu.memory_space<hbm>>
      %dma_wait3A_178 = arith.constant 0 : i32
      %dma_wait3A_179 = tpu.memref_slice %arg6[%arg0, %add3A_152, %dma_wait3A_178] : memref<2x10240x16xf32, #tpu.memory_space<hbm>> -> memref<1x128x16xf32, #tpu.memory_space<hbm>>
      %dma_wait3A_180 = tpu.memref_squeeze %dma_wait3A_179 : memref<1x128x16xf32, #tpu.memory_space<hbm>> -> memref<128x16xf32, #tpu.memory_space<hbm>>
      tpu.wait_dma2 semaphore(%run_scoped3A : memref<!tpu.dma_semaphore, #tpu.memory_space<semaphore_mem>>) src(%arg13 : memref<128x16xf32, #tpu.memory_space<vmem>>) dst(%dma_wait3A_180 : memref<128x16xf32, #tpu.memory_space<hbm>>)
      tpu.yield
    }) : () -> ()
    %add3A_153 = arith.constant 128 : i32
    %add3A_154 = arith.addi %mul3A_2, %add3A_153 : i32
    "tpu.region"() ({
      %run_scoped3A = tpu.sem_alloc : memref<!tpu.dma_semaphore, #tpu.memory_space<semaphore_mem>>
      %dma_start3A_169 = arith.constant 0 : i32
      %dma_start3A_170 = tpu.memref_slice %arg14[%add3A_154, %dma_start3A_169] : memref<10240x16xf32, #tpu.memory_space<vmem_shared>> -> memref<128x16xf32, #tpu.memory_space<vmem_shared>>
      %dma_start3A_171 = arith.constant 0 : i32
      %dma_start3A_172 = tpu.memref_slice %arg14[%add3A_154, %dma_start3A_171] : memref<10240x16xf32, #tpu.memory_space<vmem_shared>> -> memref<128x16xf32, #tpu.memory_space<vmem_shared>>
      tpu.enqueue_dma source(%dma_start3A_172 : memref<128x16xf32, #tpu.memory_space<vmem_shared>>) target(%arg13 : memref<128x16xf32, #tpu.memory_space<vmem>>) target_semaphore(%run_scoped3A : memref<!tpu.dma_semaphore, #tpu.memory_space<semaphore_mem>>)
      %dma_wait3A_173 = arith.constant 0 : i32
      %dma_wait3A_174 = tpu.memref_slice %arg14[%add3A_154, %dma_wait3A_173] : memref<10240x16xf32, #tpu.memory_space<vmem_shared>> -> memref<128x16xf32, #tpu.memory_space<vmem_shared>>
      %dma_wait3A_175 = arith.constant 0 : i32
      %dma_wait3A_176 = tpu.memref_slice %arg14[%add3A_154, %dma_wait3A_175] : memref<10240x16xf32, #tpu.memory_space<vmem_shared>> -> memref<128x16xf32, #tpu.memory_space<vmem_shared>>
      tpu.wait_dma2 semaphore(%run_scoped3A : memref<!tpu.dma_semaphore, #tpu.memory_space<semaphore_mem>>) src(%dma_wait3A_176 : memref<128x16xf32, #tpu.memory_space<vmem_shared>>) dst(%arg13 : memref<128x16xf32, #tpu.memory_space<vmem>>)
      tpu.yield
    }) : () -> ()
    %add3A_155 = arith.constant 128 : i32
    %add3A_156 = arith.addi %mul3A_2, %add3A_155 : i32
    "tpu.region"() ({
      %run_scoped3A = tpu.sem_alloc : memref<!tpu.dma_semaphore, #tpu.memory_space<semaphore_mem>>
      %dma_start3A_169 = arith.constant 0 : i32
      %dma_start3A_170 = tpu.memref_slice %arg6[%arg0, %add3A_156, %dma_start3A_169] : memref<2x10240x16xf32, #tpu.memory_space<hbm>> -> memref<1x128x16xf32, #tpu.memory_space<hbm>>
      %dma_start3A_171 = tpu.memref_squeeze %dma_start3A_170 : memref<1x128x16xf32, #tpu.memory_space<hbm>> -> memref<128x16xf32, #tpu.memory_space<hbm>>
      %dma_start3A_172 = arith.constant 0 : i32
      %dma_start3A_173 = tpu.memref_slice %arg6[%arg0, %add3A_156, %dma_start3A_172] : memref<2x10240x16xf32, #tpu.memory_space<hbm>> -> memref<1x128x16xf32, #tpu.memory_space<hbm>>
      %dma_start3A_174 = tpu.memref_squeeze %dma_start3A_173 : memref<1x128x16xf32, #tpu.memory_space<hbm>> -> memref<128x16xf32, #tpu.memory_space<hbm>>
      tpu.enqueue_dma source(%arg13 : memref<128x16xf32, #tpu.memory_space<vmem>>) target(%dma_start3A_174 : memref<128x16xf32, #tpu.memory_space<hbm>>) target_semaphore(%run_scoped3A : memref<!tpu.dma_semaphore, #tpu.memory_space<semaphore_mem>>)
      %dma_wait3A_175 = arith.constant 0 : i32
      %dma_wait3A_176 = tpu.memref_slice %arg6[%arg0, %add3A_156, %dma_wait3A_175] : memref<2x10240x16xf32, #tpu.memory_space<hbm>> -> memref<1x128x16xf32, #tpu.memory_space<hbm>>
      %dma_wait3A_177 = tpu.memref_squeeze %dma_wait3A_176 : memref<1x128x16xf32, #tpu.memory_space<hbm>> -> memref<128x16xf32, #tpu.memory_space<hbm>>
      %dma_wait3A_178 = arith.constant 0 : i32
      %dma_wait3A_179 = tpu.memref_slice %arg6[%arg0, %add3A_156, %dma_wait3A_178] : memref<2x10240x16xf32, #tpu.memory_space<hbm>> -> memref<1x128x16xf32, #tpu.memory_space<hbm>>
      %dma_wait3A_180 = tpu.memref_squeeze %dma_wait3A_179 : memref<1x128x16xf32, #tpu.memory_space<hbm>> -> memref<128x16xf32, #tpu.memory_space<hbm>>
      tpu.wait_dma2 semaphore(%run_scoped3A : memref<!tpu.dma_semaphore, #tpu.memory_space<semaphore_mem>>) src(%arg13 : memref<128x16xf32, #tpu.memory_space<vmem>>) dst(%dma_wait3A_180 : memref<128x16xf32, #tpu.memory_space<hbm>>)
      tpu.yield
    }) : () -> ()
    %add3A_157 = arith.constant 256 : i32
    %add3A_158 = arith.addi %mul3A_2, %add3A_157 : i32
    "tpu.region"() ({
      %run_scoped3A = tpu.sem_alloc : memref<!tpu.dma_semaphore, #tpu.memory_space<semaphore_mem>>
      %dma_start3A_169 = arith.constant 0 : i32
      %dma_start3A_170 = tpu.memref_slice %arg14[%add3A_158, %dma_start3A_169] : memref<10240x16xf32, #tpu.memory_space<vmem_shared>> -> memref<128x16xf32, #tpu.memory_space<vmem_shared>>
      %dma_start3A_171 = arith.constant 0 : i32
      %dma_start3A_172 = tpu.memref_slice %arg14[%add3A_158, %dma_start3A_171] : memref<10240x16xf32, #tpu.memory_space<vmem_shared>> -> memref<128x16xf32, #tpu.memory_space<vmem_shared>>
      tpu.enqueue_dma source(%dma_start3A_172 : memref<128x16xf32, #tpu.memory_space<vmem_shared>>) target(%arg13 : memref<128x16xf32, #tpu.memory_space<vmem>>) target_semaphore(%run_scoped3A : memref<!tpu.dma_semaphore, #tpu.memory_space<semaphore_mem>>)
      %dma_wait3A_173 = arith.constant 0 : i32
      %dma_wait3A_174 = tpu.memref_slice %arg14[%add3A_158, %dma_wait3A_173] : memref<10240x16xf32, #tpu.memory_space<vmem_shared>> -> memref<128x16xf32, #tpu.memory_space<vmem_shared>>
      %dma_wait3A_175 = arith.constant 0 : i32
      %dma_wait3A_176 = tpu.memref_slice %arg14[%add3A_158, %dma_wait3A_175] : memref<10240x16xf32, #tpu.memory_space<vmem_shared>> -> memref<128x16xf32, #tpu.memory_space<vmem_shared>>
      tpu.wait_dma2 semaphore(%run_scoped3A : memref<!tpu.dma_semaphore, #tpu.memory_space<semaphore_mem>>) src(%dma_wait3A_176 : memref<128x16xf32, #tpu.memory_space<vmem_shared>>) dst(%arg13 : memref<128x16xf32, #tpu.memory_space<vmem>>)
      tpu.yield
    }) : () -> ()
    %add3A_159 = arith.constant 256 : i32
    %add3A_160 = arith.addi %mul3A_2, %add3A_159 : i32
    "tpu.region"() ({
      %run_scoped3A = tpu.sem_alloc : memref<!tpu.dma_semaphore, #tpu.memory_space<semaphore_mem>>
      %dma_start3A_169 = arith.constant 0 : i32
      %dma_start3A_170 = tpu.memref_slice %arg6[%arg0, %add3A_160, %dma_start3A_169] : memref<2x10240x16xf32, #tpu.memory_space<hbm>> -> memref<1x128x16xf32, #tpu.memory_space<hbm>>
      %dma_start3A_171 = tpu.memref_squeeze %dma_start3A_170 : memref<1x128x16xf32, #tpu.memory_space<hbm>> -> memref<128x16xf32, #tpu.memory_space<hbm>>
      %dma_start3A_172 = arith.constant 0 : i32
      %dma_start3A_173 = tpu.memref_slice %arg6[%arg0, %add3A_160, %dma_start3A_172] : memref<2x10240x16xf32, #tpu.memory_space<hbm>> -> memref<1x128x16xf32, #tpu.memory_space<hbm>>
      %dma_start3A_174 = tpu.memref_squeeze %dma_start3A_173 : memref<1x128x16xf32, #tpu.memory_space<hbm>> -> memref<128x16xf32, #tpu.memory_space<hbm>>
      tpu.enqueue_dma source(%arg13 : memref<128x16xf32, #tpu.memory_space<vmem>>) target(%dma_start3A_174 : memref<128x16xf32, #tpu.memory_space<hbm>>) target_semaphore(%run_scoped3A : memref<!tpu.dma_semaphore, #tpu.memory_space<semaphore_mem>>)
      %dma_wait3A_175 = arith.constant 0 : i32
      %dma_wait3A_176 = tpu.memref_slice %arg6[%arg0, %add3A_160, %dma_wait3A_175] : memref<2x10240x16xf32, #tpu.memory_space<hbm>> -> memref<1x128x16xf32, #tpu.memory_space<hbm>>
      %dma_wait3A_177 = tpu.memref_squeeze %dma_wait3A_176 : memref<1x128x16xf32, #tpu.memory_space<hbm>> -> memref<128x16xf32, #tpu.memory_space<hbm>>
      %dma_wait3A_178 = arith.constant 0 : i32
      %dma_wait3A_179 = tpu.memref_slice %arg6[%arg0, %add3A_160, %dma_wait3A_178] : memref<2x10240x16xf32, #tpu.memory_space<hbm>> -> memref<1x128x16xf32, #tpu.memory_space<hbm>>
      %dma_wait3A_180 = tpu.memref_squeeze %dma_wait3A_179 : memref<1x128x16xf32, #tpu.memory_space<hbm>> -> memref<128x16xf32, #tpu.memory_space<hbm>>
      tpu.wait_dma2 semaphore(%run_scoped3A : memref<!tpu.dma_semaphore, #tpu.memory_space<semaphore_mem>>) src(%arg13 : memref<128x16xf32, #tpu.memory_space<vmem>>) dst(%dma_wait3A_180 : memref<128x16xf32, #tpu.memory_space<hbm>>)
      tpu.yield
    }) : () -> ()
    %add3A_161 = arith.constant 384 : i32
    %add3A_162 = arith.addi %mul3A_2, %add3A_161 : i32
    "tpu.region"() ({
      %run_scoped3A = tpu.sem_alloc : memref<!tpu.dma_semaphore, #tpu.memory_space<semaphore_mem>>
      %dma_start3A_169 = arith.constant 0 : i32
      %dma_start3A_170 = tpu.memref_slice %arg14[%add3A_162, %dma_start3A_169] : memref<10240x16xf32, #tpu.memory_space<vmem_shared>> -> memref<128x16xf32, #tpu.memory_space<vmem_shared>>
      %dma_start3A_171 = arith.constant 0 : i32
      %dma_start3A_172 = tpu.memref_slice %arg14[%add3A_162, %dma_start3A_171] : memref<10240x16xf32, #tpu.memory_space<vmem_shared>> -> memref<128x16xf32, #tpu.memory_space<vmem_shared>>
      tpu.enqueue_dma source(%dma_start3A_172 : memref<128x16xf32, #tpu.memory_space<vmem_shared>>) target(%arg13 : memref<128x16xf32, #tpu.memory_space<vmem>>) target_semaphore(%run_scoped3A : memref<!tpu.dma_semaphore, #tpu.memory_space<semaphore_mem>>)
      %dma_wait3A_173 = arith.constant 0 : i32
      %dma_wait3A_174 = tpu.memref_slice %arg14[%add3A_162, %dma_wait3A_173] : memref<10240x16xf32, #tpu.memory_space<vmem_shared>> -> memref<128x16xf32, #tpu.memory_space<vmem_shared>>
      %dma_wait3A_175 = arith.constant 0 : i32
      %dma_wait3A_176 = tpu.memref_slice %arg14[%add3A_162, %dma_wait3A_175] : memref<10240x16xf32, #tpu.memory_space<vmem_shared>> -> memref<128x16xf32, #tpu.memory_space<vmem_shared>>
      tpu.wait_dma2 semaphore(%run_scoped3A : memref<!tpu.dma_semaphore, #tpu.memory_space<semaphore_mem>>) src(%dma_wait3A_176 : memref<128x16xf32, #tpu.memory_space<vmem_shared>>) dst(%arg13 : memref<128x16xf32, #tpu.memory_space<vmem>>)
      tpu.yield
    }) : () -> ()
    %add3A_163 = arith.constant 384 : i32
    %add3A_164 = arith.addi %mul3A_2, %add3A_163 : i32
    "tpu.region"() ({
      %run_scoped3A = tpu.sem_alloc : memref<!tpu.dma_semaphore, #tpu.memory_space<semaphore_mem>>
      %dma_start3A_169 = arith.constant 0 : i32
      %dma_start3A_170 = tpu.memref_slice %arg6[%arg0, %add3A_164, %dma_start3A_169] : memref<2x10240x16xf32, #tpu.memory_space<hbm>> -> memref<1x128x16xf32, #tpu.memory_space<hbm>>
      %dma_start3A_171 = tpu.memref_squeeze %dma_start3A_170 : memref<1x128x16xf32, #tpu.memory_space<hbm>> -> memref<128x16xf32, #tpu.memory_space<hbm>>
      %dma_start3A_172 = arith.constant 0 : i32
      %dma_start3A_173 = tpu.memref_slice %arg6[%arg0, %add3A_164, %dma_start3A_172] : memref<2x10240x16xf32, #tpu.memory_space<hbm>> -> memref<1x128x16xf32, #tpu.memory_space<hbm>>
      %dma_start3A_174 = tpu.memref_squeeze %dma_start3A_173 : memref<1x128x16xf32, #tpu.memory_space<hbm>> -> memref<128x16xf32, #tpu.memory_space<hbm>>
      tpu.enqueue_dma source(%arg13 : memref<128x16xf32, #tpu.memory_space<vmem>>) target(%dma_start3A_174 : memref<128x16xf32, #tpu.memory_space<hbm>>) target_semaphore(%run_scoped3A : memref<!tpu.dma_semaphore, #tpu.memory_space<semaphore_mem>>)
      %dma_wait3A_175 = arith.constant 0 : i32
      %dma_wait3A_176 = tpu.memref_slice %arg6[%arg0, %add3A_164, %dma_wait3A_175] : memref<2x10240x16xf32, #tpu.memory_space<hbm>> -> memref<1x128x16xf32, #tpu.memory_space<hbm>>
      %dma_wait3A_177 = tpu.memref_squeeze %dma_wait3A_176 : memref<1x128x16xf32, #tpu.memory_space<hbm>> -> memref<128x16xf32, #tpu.memory_space<hbm>>
      %dma_wait3A_178 = arith.constant 0 : i32
      %dma_wait3A_179 = tpu.memref_slice %arg6[%arg0, %add3A_164, %dma_wait3A_178] : memref<2x10240x16xf32, #tpu.memory_space<hbm>> -> memref<1x128x16xf32, #tpu.memory_space<hbm>>
      %dma_wait3A_180 = tpu.memref_squeeze %dma_wait3A_179 : memref<1x128x16xf32, #tpu.memory_space<hbm>> -> memref<128x16xf32, #tpu.memory_space<hbm>>
      tpu.wait_dma2 semaphore(%run_scoped3A : memref<!tpu.dma_semaphore, #tpu.memory_space<semaphore_mem>>) src(%arg13 : memref<128x16xf32, #tpu.memory_space<vmem>>) dst(%dma_wait3A_180 : memref<128x16xf32, #tpu.memory_space<hbm>>)
      tpu.yield
    }) : () -> ()
    %add3A_165 = arith.constant 512 : i32
    %add3A_166 = arith.addi %mul3A_2, %add3A_165 : i32
    "tpu.region"() ({
      %run_scoped3A = tpu.sem_alloc : memref<!tpu.dma_semaphore, #tpu.memory_space<semaphore_mem>>
      %dma_start3A_169 = arith.constant 0 : i32
      %dma_start3A_170 = tpu.memref_slice %arg14[%add3A_166, %dma_start3A_169] : memref<10240x16xf32, #tpu.memory_space<vmem_shared>> -> memref<128x16xf32, #tpu.memory_space<vmem_shared>>
      %dma_start3A_171 = arith.constant 0 : i32
      %dma_start3A_172 = tpu.memref_slice %arg14[%add3A_166, %dma_start3A_171] : memref<10240x16xf32, #tpu.memory_space<vmem_shared>> -> memref<128x16xf32, #tpu.memory_space<vmem_shared>>
      tpu.enqueue_dma source(%dma_start3A_172 : memref<128x16xf32, #tpu.memory_space<vmem_shared>>) target(%arg13 : memref<128x16xf32, #tpu.memory_space<vmem>>) target_semaphore(%run_scoped3A : memref<!tpu.dma_semaphore, #tpu.memory_space<semaphore_mem>>)
      %dma_wait3A_173 = arith.constant 0 : i32
      %dma_wait3A_174 = tpu.memref_slice %arg14[%add3A_166, %dma_wait3A_173] : memref<10240x16xf32, #tpu.memory_space<vmem_shared>> -> memref<128x16xf32, #tpu.memory_space<vmem_shared>>
      %dma_wait3A_175 = arith.constant 0 : i32
      %dma_wait3A_176 = tpu.memref_slice %arg14[%add3A_166, %dma_wait3A_175] : memref<10240x16xf32, #tpu.memory_space<vmem_shared>> -> memref<128x16xf32, #tpu.memory_space<vmem_shared>>
      tpu.wait_dma2 semaphore(%run_scoped3A : memref<!tpu.dma_semaphore, #tpu.memory_space<semaphore_mem>>) src(%dma_wait3A_176 : memref<128x16xf32, #tpu.memory_space<vmem_shared>>) dst(%arg13 : memref<128x16xf32, #tpu.memory_space<vmem>>)
      tpu.yield
    }) : () -> ()
    %add3A_167 = arith.constant 512 : i32
    %add3A_168 = arith.addi %mul3A_2, %add3A_167 : i32
    "tpu.region"() ({
      %run_scoped3A = tpu.sem_alloc : memref<!tpu.dma_semaphore, #tpu.memory_space<semaphore_mem>>
      %dma_start3A_169 = arith.constant 0 : i32
      %dma_start3A_170 = tpu.memref_slice %arg6[%arg0, %add3A_168, %dma_start3A_169] : memref<2x10240x16xf32, #tpu.memory_space<hbm>> -> memref<1x128x16xf32, #tpu.memory_space<hbm>>
      %dma_start3A_171 = tpu.memref_squeeze %dma_start3A_170 : memref<1x128x16xf32, #tpu.memory_space<hbm>> -> memref<128x16xf32, #tpu.memory_space<hbm>>
      %dma_start3A_172 = arith.constant 0 : i32
      %dma_start3A_173 = tpu.memref_slice %arg6[%arg0, %add3A_168, %dma_start3A_172] : memref<2x10240x16xf32, #tpu.memory_space<hbm>> -> memref<1x128x16xf32, #tpu.memory_space<hbm>>
      %dma_start3A_174 = tpu.memref_squeeze %dma_start3A_173 : memref<1x128x16xf32, #tpu.memory_space<hbm>> -> memref<128x16xf32, #tpu.memory_space<hbm>>
      tpu.enqueue_dma source(%arg13 : memref<128x16xf32, #tpu.memory_space<vmem>>) target(%dma_start3A_174 : memref<128x16xf32, #tpu.memory_space<hbm>>) target_semaphore(%run_scoped3A : memref<!tpu.dma_semaphore, #tpu.memory_space<semaphore_mem>>)
      %dma_wait3A_175 = arith.constant 0 : i32
      %dma_wait3A_176 = tpu.memref_slice %arg6[%arg0, %add3A_168, %dma_wait3A_175] : memref<2x10240x16xf32, #tpu.memory_space<hbm>> -> memref<1x128x16xf32, #tpu.memory_space<hbm>>
      %dma_wait3A_177 = tpu.memref_squeeze %dma_wait3A_176 : memref<1x128x16xf32, #tpu.memory_space<hbm>> -> memref<128x16xf32, #tpu.memory_space<hbm>>
      %dma_wait3A_178 = arith.constant 0 : i32
      %dma_wait3A_179 = tpu.memref_slice %arg6[%arg0, %add3A_168, %dma_wait3A_178] : memref<2x10240x16xf32, #tpu.memory_space<hbm>> -> memref<1x128x16xf32, #tpu.memory_space<hbm>>
      %dma_wait3A_180 = tpu.memref_squeeze %dma_wait3A_179 : memref<1x128x16xf32, #tpu.memory_space<hbm>> -> memref<128x16xf32, #tpu.memory_space<hbm>>
      tpu.wait_dma2 semaphore(%run_scoped3A : memref<!tpu.dma_semaphore, #tpu.memory_space<semaphore_mem>>) src(%arg13 : memref<128x16xf32, #tpu.memory_space<vmem>>) dst(%dma_wait3A_180 : memref<128x16xf32, #tpu.memory_space<hbm>>)
      tpu.yield
    }) : () -> ()
    return
  }
}

#map = affine_map<(d0, d1) -> (0, 0)>
#map1 = affine_map<(d0, d1) -> (0)>
module attributes {stable_mosaic.version = 14 : i64} {
  func.func @_sc_degrees(%arg0: i32, %arg1: i32, %arg2: memref<2560x125xi32, #tpu.memory_space<hbm>>, %arg3: memref<2560x125xi32, #tpu.memory_space<hbm>>, %arg4: memref<640xf32, #tpu.memory_space<hbm>>, %arg5: memref<125xf32, #tpu.memory_space<hbm>>, %arg6: memref<40960xf32, #tpu.memory_space<hbm>>, %arg7: memref<80x125xi32, #tpu.memory_space<vmem>>, %arg8: memref<80x125xi32, #tpu.memory_space<vmem>>, %arg9: memref<125xf32, #tpu.memory_space<vmem>>, %arg10: memref<640xf32, #tpu.memory_space<vmem>>, %arg11: memref<10240xf32, #tpu.memory_space<vmem_shared>>, %arg12: memref<10240xf32, #tpu.memory_space<vmem_shared>>, %arg13: memref<!tpu.dma_semaphore, #tpu.memory_space<semaphore_mem>>, %arg14: memref<!tpu.dma_semaphore, #tpu.memory_space<semaphore_mem>>) attributes {dimension_semantics = [#tpu.dimension_semantics<core_parallel>, #tpu.dimension_semantics<subcore_parallel>], iteration_bounds = array<i64: 2, 16>, scalar_prefetch = 0 : i64, scratch_operands = 8 : i64, tpu.core_type = #tpu.core_type<sc_vector_subcore>, window_params = [{transform_indices = #map}, {transform_indices = #map}, {transform_indices = #map1}, {transform_indices = #map1}, {transform_indices = #map1}]} {
    %mul3A = arith.constant 2 : i32
    %mul3A_0 = arith.muli %arg1, %mul3A : i32
    %add3A = arith.addi %mul3A_0, %arg0 : i32
    %mul3A_1 = arith.constant 80 : i32
    %mul3A_2 = arith.muli %add3A, %mul3A_1 : i32
    %dma_start3A = arith.constant 0 : i32
    %dma_start3A_3 = tpu.memref_slice %arg2[%mul3A_2, %dma_start3A] : memref<2560x125xi32, #tpu.memory_space<hbm>> -> memref<80x125xi32, #tpu.memory_space<hbm>>
    %dma_start3A_4 = arith.constant 0 : i32
    %dma_start3A_5 = tpu.memref_slice %arg2[%mul3A_2, %dma_start3A_4] : memref<2560x125xi32, #tpu.memory_space<hbm>> -> memref<80x125xi32, #tpu.memory_space<hbm>>
    tpu.enqueue_dma source(%dma_start3A_5 : memref<80x125xi32, #tpu.memory_space<hbm>>) target(%arg7 : memref<80x125xi32, #tpu.memory_space<vmem>>) target_semaphore(%arg13 : memref<!tpu.dma_semaphore, #tpu.memory_space<semaphore_mem>>)
    %mul3A_6 = arith.constant 80 : i32
    %mul3A_7 = arith.muli %add3A, %mul3A_6 : i32
    %dma_start3A_8 = arith.constant 0 : i32
    %dma_start3A_9 = tpu.memref_slice %arg3[%mul3A_7, %dma_start3A_8] : memref<2560x125xi32, #tpu.memory_space<hbm>> -> memref<80x125xi32, #tpu.memory_space<hbm>>
    %dma_start3A_10 = arith.constant 0 : i32
    %dma_start3A_11 = tpu.memref_slice %arg3[%mul3A_7, %dma_start3A_10] : memref<2560x125xi32, #tpu.memory_space<hbm>> -> memref<80x125xi32, #tpu.memory_space<hbm>>
    tpu.enqueue_dma source(%dma_start3A_11 : memref<80x125xi32, #tpu.memory_space<hbm>>) target(%arg8 : memref<80x125xi32, #tpu.memory_space<vmem>>) target_semaphore(%arg14 : memref<!tpu.dma_semaphore, #tpu.memory_space<semaphore_mem>>)
    "tpu.region"() ({
      %run_scoped3A = tpu.sem_alloc : memref<!tpu.dma_semaphore, #tpu.memory_space<semaphore_mem>>
      tpu.enqueue_dma source(%arg4 : memref<640xf32, #tpu.memory_space<hbm>>) target(%arg10 : memref<640xf32, #tpu.memory_space<vmem>>) target_semaphore(%run_scoped3A : memref<!tpu.dma_semaphore, #tpu.memory_space<semaphore_mem>>)
      tpu.wait_dma2 semaphore(%run_scoped3A : memref<!tpu.dma_semaphore, #tpu.memory_space<semaphore_mem>>) src(%arg4 : memref<640xf32, #tpu.memory_space<hbm>>) dst(%arg10 : memref<640xf32, #tpu.memory_space<vmem>>)
      tpu.yield
    }) : () -> ()
    %mul3A_12 = arith.constant 640 : i32
    %mul3A_13 = arith.muli %arg1, %mul3A_12 : i32
    "tpu.region"() ({
      %run_scoped3A = tpu.sem_alloc : memref<!tpu.dma_semaphore, #tpu.memory_space<semaphore_mem>>
      %dma_start3A_51 = tpu.memref_slice %arg11[%mul3A_13] : memref<10240xf32, #tpu.memory_space<vmem_shared>> -> memref<640xf32, #tpu.memory_space<vmem_shared>>
      %dma_start3A_52 = tpu.memref_slice %arg11[%mul3A_13] : memref<10240xf32, #tpu.memory_space<vmem_shared>> -> memref<640xf32, #tpu.memory_space<vmem_shared>>
      tpu.enqueue_dma source(%arg10 : memref<640xf32, #tpu.memory_space<vmem>>) target(%dma_start3A_52 : memref<640xf32, #tpu.memory_space<vmem_shared>>) target_semaphore(%run_scoped3A : memref<!tpu.dma_semaphore, #tpu.memory_space<semaphore_mem>>)
      %dma_wait3A_53 = tpu.memref_slice %arg11[%mul3A_13] : memref<10240xf32, #tpu.memory_space<vmem_shared>> -> memref<640xf32, #tpu.memory_space<vmem_shared>>
      %dma_wait3A_54 = tpu.memref_slice %arg11[%mul3A_13] : memref<10240xf32, #tpu.memory_space<vmem_shared>> -> memref<640xf32, #tpu.memory_space<vmem_shared>>
      tpu.wait_dma2 semaphore(%run_scoped3A : memref<!tpu.dma_semaphore, #tpu.memory_space<semaphore_mem>>) src(%arg10 : memref<640xf32, #tpu.memory_space<vmem>>) dst(%dma_wait3A_54 : memref<640xf32, #tpu.memory_space<vmem_shared>>)
      tpu.yield
    }) : () -> ()
    %mul3A_14 = arith.constant 640 : i32
    %mul3A_15 = arith.muli %arg1, %mul3A_14 : i32
    "tpu.region"() ({
      %run_scoped3A = tpu.sem_alloc : memref<!tpu.dma_semaphore, #tpu.memory_space<semaphore_mem>>
      %dma_start3A_51 = tpu.memref_slice %arg12[%mul3A_15] : memref<10240xf32, #tpu.memory_space<vmem_shared>> -> memref<640xf32, #tpu.memory_space<vmem_shared>>
      %dma_start3A_52 = tpu.memref_slice %arg12[%mul3A_15] : memref<10240xf32, #tpu.memory_space<vmem_shared>> -> memref<640xf32, #tpu.memory_space<vmem_shared>>
      tpu.enqueue_dma source(%arg10 : memref<640xf32, #tpu.memory_space<vmem>>) target(%dma_start3A_52 : memref<640xf32, #tpu.memory_space<vmem_shared>>) target_semaphore(%run_scoped3A : memref<!tpu.dma_semaphore, #tpu.memory_space<semaphore_mem>>)
      %dma_wait3A_53 = tpu.memref_slice %arg12[%mul3A_15] : memref<10240xf32, #tpu.memory_space<vmem_shared>> -> memref<640xf32, #tpu.memory_space<vmem_shared>>
      %dma_wait3A_54 = tpu.memref_slice %arg12[%mul3A_15] : memref<10240xf32, #tpu.memory_space<vmem_shared>> -> memref<640xf32, #tpu.memory_space<vmem_shared>>
      tpu.wait_dma2 semaphore(%run_scoped3A : memref<!tpu.dma_semaphore, #tpu.memory_space<semaphore_mem>>) src(%arg10 : memref<640xf32, #tpu.memory_space<vmem>>) dst(%dma_wait3A_54 : memref<640xf32, #tpu.memory_space<vmem_shared>>)
      tpu.yield
    }) : () -> ()
    "tpu.region"() ({
      %run_scoped3A = tpu.sem_alloc : memref<!tpu.dma_semaphore, #tpu.memory_space<semaphore_mem>>
      tpu.enqueue_dma source(%arg5 : memref<125xf32, #tpu.memory_space<hbm>>) target(%arg9 : memref<125xf32, #tpu.memory_space<vmem>>) target_semaphore(%run_scoped3A : memref<!tpu.dma_semaphore, #tpu.memory_space<semaphore_mem>>)
      tpu.wait_dma2 semaphore(%run_scoped3A : memref<!tpu.dma_semaphore, #tpu.memory_space<semaphore_mem>>) src(%arg5 : memref<125xf32, #tpu.memory_space<hbm>>) dst(%arg9 : memref<125xf32, #tpu.memory_space<vmem>>)
      tpu.yield
    }) : () -> ()
    %dma_wait3A = arith.constant 0 : i32
    %dma_wait3A_16 = tpu.memref_slice %arg2[%mul3A_2, %dma_wait3A] : memref<2560x125xi32, #tpu.memory_space<hbm>> -> memref<80x125xi32, #tpu.memory_space<hbm>>
    %dma_wait3A_17 = arith.constant 0 : i32
    %dma_wait3A_18 = tpu.memref_slice %arg2[%mul3A_2, %dma_wait3A_17] : memref<2560x125xi32, #tpu.memory_space<hbm>> -> memref<80x125xi32, #tpu.memory_space<hbm>>
    tpu.wait_dma2 semaphore(%arg13 : memref<!tpu.dma_semaphore, #tpu.memory_space<semaphore_mem>>) src(%dma_wait3A_18 : memref<80x125xi32, #tpu.memory_space<hbm>>) dst(%arg7 : memref<80x125xi32, #tpu.memory_space<vmem>>)
    %dma_wait3A_19 = arith.constant 0 : i32
    %dma_wait3A_20 = tpu.memref_slice %arg3[%mul3A_7, %dma_wait3A_19] : memref<2560x125xi32, #tpu.memory_space<hbm>> -> memref<80x125xi32, #tpu.memory_space<hbm>>
    %dma_wait3A_21 = arith.constant 0 : i32
    %dma_wait3A_22 = tpu.memref_slice %arg3[%mul3A_7, %dma_wait3A_21] : memref<2560x125xi32, #tpu.memory_space<hbm>> -> memref<80x125xi32, #tpu.memory_space<hbm>>
    tpu.wait_dma2 semaphore(%arg14 : memref<!tpu.dma_semaphore, #tpu.memory_space<semaphore_mem>>) src(%dma_wait3A_22 : memref<80x125xi32, #tpu.memory_space<hbm>>) dst(%arg8 : memref<80x125xi32, #tpu.memory_space<vmem>>)
    %barrier3A = arith.constant 0 : index
    tpu.barrier barrier_id(%barrier3A)
    %scan3A = arith.constant 0 : i32
    %scan3A_23 = arith.constant 0 : i32
    %scan3A_24 = arith.constant 80 : i32
    %scan3A_25 = arith.addi %scan3A_23, %scan3A_24 : i32
    %scan3A_26 = arith.constant 1 : i32
    scf.for %scan3A_51 = %scan3A_23 to %scan3A_25 step %scan3A_26  : i32 {
      "tpu.region"() ({
        %run_scoped3A = tpu.sem_alloc : memref<!tpu.dma_semaphore, #tpu.memory_space<semaphore_mem>>
        %dma_start3A_52 = arith.constant 0 : i32
        %dma_start3A_53 = tpu.memref_slice %arg7[%scan3A_51, %dma_start3A_52] : memref<80x125xi32, #tpu.memory_space<vmem>> -> memref<1x125xi32, #tpu.memory_space<vmem>>
        %dma_start3A_54 = tpu.memref_squeeze %dma_start3A_53 : memref<1x125xi32, #tpu.memory_space<vmem>> -> memref<125xi32, #tpu.memory_space<vmem>>
        %dma_start3A_55 = arith.constant 0 : i32
        %dma_start3A_56 = tpu.memref_slice %arg11[%dma_start3A_55] : memref<10240xf32, #tpu.memory_space<vmem_shared>> -> memref<10240xf32, #tpu.memory_space<vmem_shared>>
        tpu.enqueue_indirect_dma source(%arg9 : memref<125xf32, #tpu.memory_space<vmem>>) target(%dma_start3A_56 : memref<10240xf32, #tpu.memory_space<vmem_shared>>) offsets(%dma_start3A_54 : memref<125xi32, #tpu.memory_space<vmem>>) semaphore(%run_scoped3A : memref<!tpu.dma_semaphore, #tpu.memory_space<semaphore_mem>>) {add = true}
        %dma_wait3A_57 = arith.constant 0 : i32
        %dma_wait3A_58 = tpu.memref_slice %arg7[%scan3A_51, %dma_wait3A_57] : memref<80x125xi32, #tpu.memory_space<vmem>> -> memref<1x125xi32, #tpu.memory_space<vmem>>
        %dma_wait3A_59 = tpu.memref_squeeze %dma_wait3A_58 : memref<1x125xi32, #tpu.memory_space<vmem>> -> memref<125xi32, #tpu.memory_space<vmem>>
        %dma_wait3A_60 = arith.constant 0 : i32
        %dma_wait3A_61 = tpu.memref_slice %arg11[%dma_wait3A_60] : memref<10240xf32, #tpu.memory_space<vmem_shared>> -> memref<10240xf32, #tpu.memory_space<vmem_shared>>
        tpu.wait_indirect_dma semaphore(%run_scoped3A : memref<!tpu.dma_semaphore, #tpu.memory_space<semaphore_mem>>) src(%arg9 : memref<125xf32, #tpu.memory_space<vmem>>) dst(%dma_wait3A_61 : memref<10240xf32, #tpu.memory_space<vmem_shared>>)
        tpu.yield
      }) : () -> ()
      "tpu.region"() ({
        %run_scoped3A = tpu.sem_alloc : memref<!tpu.dma_semaphore, #tpu.memory_space<semaphore_mem>>
        %dma_start3A_52 = arith.constant 0 : i32
        %dma_start3A_53 = tpu.memref_slice %arg8[%scan3A_51, %dma_start3A_52] : memref<80x125xi32, #tpu.memory_space<vmem>> -> memref<1x125xi32, #tpu.memory_space<vmem>>
        %dma_start3A_54 = tpu.memref_squeeze %dma_start3A_53 : memref<1x125xi32, #tpu.memory_space<vmem>> -> memref<125xi32, #tpu.memory_space<vmem>>
        %dma_start3A_55 = arith.constant 0 : i32
        %dma_start3A_56 = tpu.memref_slice %arg12[%dma_start3A_55] : memref<10240xf32, #tpu.memory_space<vmem_shared>> -> memref<10240xf32, #tpu.memory_space<vmem_shared>>
        tpu.enqueue_indirect_dma source(%arg9 : memref<125xf32, #tpu.memory_space<vmem>>) target(%dma_start3A_56 : memref<10240xf32, #tpu.memory_space<vmem_shared>>) offsets(%dma_start3A_54 : memref<125xi32, #tpu.memory_space<vmem>>) semaphore(%run_scoped3A : memref<!tpu.dma_semaphore, #tpu.memory_space<semaphore_mem>>) {add = true}
        %dma_wait3A_57 = arith.constant 0 : i32
        %dma_wait3A_58 = tpu.memref_slice %arg8[%scan3A_51, %dma_wait3A_57] : memref<80x125xi32, #tpu.memory_space<vmem>> -> memref<1x125xi32, #tpu.memory_space<vmem>>
        %dma_wait3A_59 = tpu.memref_squeeze %dma_wait3A_58 : memref<1x125xi32, #tpu.memory_space<vmem>> -> memref<125xi32, #tpu.memory_space<vmem>>
        %dma_wait3A_60 = arith.constant 0 : i32
        %dma_wait3A_61 = tpu.memref_slice %arg12[%dma_wait3A_60] : memref<10240xf32, #tpu.memory_space<vmem_shared>> -> memref<10240xf32, #tpu.memory_space<vmem_shared>>
        tpu.wait_indirect_dma semaphore(%run_scoped3A : memref<!tpu.dma_semaphore, #tpu.memory_space<semaphore_mem>>) src(%arg9 : memref<125xf32, #tpu.memory_space<vmem>>) dst(%dma_wait3A_61 : memref<10240xf32, #tpu.memory_space<vmem_shared>>)
        tpu.yield
      }) : () -> ()
    }
    %scan3A_27 = arith.constant 80 : i32
    %barrier3A_28 = arith.constant 0 : index
    tpu.barrier barrier_id(%barrier3A_28)
    %mul3A_29 = arith.constant 640 : i32
    %mul3A_30 = arith.muli %arg1, %mul3A_29 : i32
    "tpu.region"() ({
      %run_scoped3A = tpu.sem_alloc : memref<!tpu.dma_semaphore, #tpu.memory_space<semaphore_mem>>
      %dma_start3A_51 = tpu.memref_slice %arg11[%mul3A_30] : memref<10240xf32, #tpu.memory_space<vmem_shared>> -> memref<640xf32, #tpu.memory_space<vmem_shared>>
      %dma_start3A_52 = tpu.memref_slice %arg11[%mul3A_30] : memref<10240xf32, #tpu.memory_space<vmem_shared>> -> memref<640xf32, #tpu.memory_space<vmem_shared>>
      tpu.enqueue_dma source(%dma_start3A_52 : memref<640xf32, #tpu.memory_space<vmem_shared>>) target(%arg10 : memref<640xf32, #tpu.memory_space<vmem>>) target_semaphore(%run_scoped3A : memref<!tpu.dma_semaphore, #tpu.memory_space<semaphore_mem>>)
      %dma_wait3A_53 = tpu.memref_slice %arg11[%mul3A_30] : memref<10240xf32, #tpu.memory_space<vmem_shared>> -> memref<640xf32, #tpu.memory_space<vmem_shared>>
      %dma_wait3A_54 = tpu.memref_slice %arg11[%mul3A_30] : memref<10240xf32, #tpu.memory_space<vmem_shared>> -> memref<640xf32, #tpu.memory_space<vmem_shared>>
      tpu.wait_dma2 semaphore(%run_scoped3A : memref<!tpu.dma_semaphore, #tpu.memory_space<semaphore_mem>>) src(%dma_wait3A_54 : memref<640xf32, #tpu.memory_space<vmem_shared>>) dst(%arg10 : memref<640xf32, #tpu.memory_space<vmem>>)
      tpu.yield
    }) : () -> ()
    %mul3A_31 = arith.constant 2 : i32
    %mul3A_32 = arith.muli %arg0, %mul3A_31 : i32
    %add3A_33 = arith.constant 0 : i32
    %add3A_34 = arith.addi %mul3A_32, %add3A_33 : i32
    %mul3A_35 = arith.constant 10240 : i32
    %mul3A_36 = arith.muli %add3A_34, %mul3A_35 : i32
    %mul3A_37 = arith.constant 640 : i32
    %mul3A_38 = arith.muli %arg1, %mul3A_37 : i32
    %add3A_39 = arith.addi %mul3A_36, %mul3A_38 : i32
    "tpu.region"() ({
      %run_scoped3A = tpu.sem_alloc : memref<!tpu.dma_semaphore, #tpu.memory_space<semaphore_mem>>
      %dma_start3A_51 = tpu.memref_slice %arg6[%add3A_39] : memref<40960xf32, #tpu.memory_space<hbm>> -> memref<640xf32, #tpu.memory_space<hbm>>
      %dma_start3A_52 = tpu.memref_slice %arg6[%add3A_39] : memref<40960xf32, #tpu.memory_space<hbm>> -> memref<640xf32, #tpu.memory_space<hbm>>
      tpu.enqueue_dma source(%arg10 : memref<640xf32, #tpu.memory_space<vmem>>) target(%dma_start3A_52 : memref<640xf32, #tpu.memory_space<hbm>>) target_semaphore(%run_scoped3A : memref<!tpu.dma_semaphore, #tpu.memory_space<semaphore_mem>>)
      %dma_wait3A_53 = tpu.memref_slice %arg6[%add3A_39] : memref<40960xf32, #tpu.memory_space<hbm>> -> memref<640xf32, #tpu.memory_space<hbm>>
      %dma_wait3A_54 = tpu.memref_slice %arg6[%add3A_39] : memref<40960xf32, #tpu.memory_space<hbm>> -> memref<640xf32, #tpu.memory_space<hbm>>
      tpu.wait_dma2 semaphore(%run_scoped3A : memref<!tpu.dma_semaphore, #tpu.memory_space<semaphore_mem>>) src(%arg10 : memref<640xf32, #tpu.memory_space<vmem>>) dst(%dma_wait3A_54 : memref<640xf32, #tpu.memory_space<hbm>>)
      tpu.yield
    }) : () -> ()
    %mul3A_40 = arith.constant 640 : i32
    %mul3A_41 = arith.muli %arg1, %mul3A_40 : i32
    "tpu.region"() ({
      %run_scoped3A = tpu.sem_alloc : memref<!tpu.dma_semaphore, #tpu.memory_space<semaphore_mem>>
      %dma_start3A_51 = tpu.memref_slice %arg12[%mul3A_41] : memref<10240xf32, #tpu.memory_space<vmem_shared>> -> memref<640xf32, #tpu.memory_space<vmem_shared>>
      %dma_start3A_52 = tpu.memref_slice %arg12[%mul3A_41] : memref<10240xf32, #tpu.memory_space<vmem_shared>> -> memref<640xf32, #tpu.memory_space<vmem_shared>>
      tpu.enqueue_dma source(%dma_start3A_52 : memref<640xf32, #tpu.memory_space<vmem_shared>>) target(%arg10 : memref<640xf32, #tpu.memory_space<vmem>>) target_semaphore(%run_scoped3A : memref<!tpu.dma_semaphore, #tpu.memory_space<semaphore_mem>>)
      %dma_wait3A_53 = tpu.memref_slice %arg12[%mul3A_41] : memref<10240xf32, #tpu.memory_space<vmem_shared>> -> memref<640xf32, #tpu.memory_space<vmem_shared>>
      %dma_wait3A_54 = tpu.memref_slice %arg12[%mul3A_41] : memref<10240xf32, #tpu.memory_space<vmem_shared>> -> memref<640xf32, #tpu.memory_space<vmem_shared>>
      tpu.wait_dma2 semaphore(%run_scoped3A : memref<!tpu.dma_semaphore, #tpu.memory_space<semaphore_mem>>) src(%dma_wait3A_54 : memref<640xf32, #tpu.memory_space<vmem_shared>>) dst(%arg10 : memref<640xf32, #tpu.memory_space<vmem>>)
      tpu.yield
    }) : () -> ()
    %mul3A_42 = arith.constant 2 : i32
    %mul3A_43 = arith.muli %arg0, %mul3A_42 : i32
    %add3A_44 = arith.constant 1 : i32
    %add3A_45 = arith.addi %mul3A_43, %add3A_44 : i32
    %mul3A_46 = arith.constant 10240 : i32
    %mul3A_47 = arith.muli %add3A_45, %mul3A_46 : i32
    %mul3A_48 = arith.constant 640 : i32
    %mul3A_49 = arith.muli %arg1, %mul3A_48 : i32
    %add3A_50 = arith.addi %mul3A_47, %mul3A_49 : i32
    "tpu.region"() ({
      %run_scoped3A = tpu.sem_alloc : memref<!tpu.dma_semaphore, #tpu.memory_space<semaphore_mem>>
      %dma_start3A_51 = tpu.memref_slice %arg6[%add3A_50] : memref<40960xf32, #tpu.memory_space<hbm>> -> memref<640xf32, #tpu.memory_space<hbm>>
      %dma_start3A_52 = tpu.memref_slice %arg6[%add3A_50] : memref<40960xf32, #tpu.memory_space<hbm>> -> memref<640xf32, #tpu.memory_space<hbm>>
      tpu.enqueue_dma source(%arg10 : memref<640xf32, #tpu.memory_space<vmem>>) target(%dma_start3A_52 : memref<640xf32, #tpu.memory_space<hbm>>) target_semaphore(%run_scoped3A : memref<!tpu.dma_semaphore, #tpu.memory_space<semaphore_mem>>)
      %dma_wait3A_53 = tpu.memref_slice %arg6[%add3A_50] : memref<40960xf32, #tpu.memory_space<hbm>> -> memref<640xf32, #tpu.memory_space<hbm>>
      %dma_wait3A_54 = tpu.memref_slice %arg6[%add3A_50] : memref<40960xf32, #tpu.memory_space<hbm>> -> memref<640xf32, #tpu.memory_space<hbm>>
      tpu.wait_dma2 semaphore(%run_scoped3A : memref<!tpu.dma_semaphore, #tpu.memory_space<semaphore_mem>>) src(%arg10 : memref<640xf32, #tpu.memory_space<vmem>>) dst(%dma_wait3A_54 : memref<640xf32, #tpu.memory_space<hbm>>)
      tpu.yield
    }) : () -> ()
    return
  }
}

#map = affine_map<(d0, d1) -> (0, 0)>
#map1 = affine_map<(d0, d1) -> (0, 0, 0)>
module attributes {stable_mosaic.version = 14 : i64} {
  func.func @_sc_agg128(%arg0: i32, %arg1: i32, %arg2: memref<20000x64xf32, #tpu.memory_space<hbm>>, %arg3: memref<2x2560x125xi32, #tpu.memory_space<hbm>>, %arg4: memref<2560x125xi32, #tpu.memory_space<hbm>>, %arg5: memref<128x64xf32, #tpu.memory_space<hbm>>, %arg6: memref<2x10240x64xf32, #tpu.memory_space<hbm>>, %arg7: memref<160x125xi32, #tpu.memory_space<vmem>>, %arg8: memref<160x125xi32, #tpu.memory_space<vmem>>, %arg9: memref<125x64xf32, #tpu.memory_space<vmem>>, %arg10: memref<125x64xf32, #tpu.memory_space<vmem>>, %arg11: memref<125x64xf32, #tpu.memory_space<vmem>>, %arg12: memref<125x64xf32, #tpu.memory_space<vmem>>, %arg13: memref<128x64xf32, #tpu.memory_space<vmem>>, %arg14: memref<10240x64xf32, #tpu.memory_space<vmem_shared>>, %arg15: memref<!tpu.dma_semaphore, #tpu.memory_space<semaphore_mem>>, %arg16: memref<!tpu.dma_semaphore, #tpu.memory_space<semaphore_mem>>, %arg17: memref<!tpu.dma_semaphore, #tpu.memory_space<semaphore_mem>>, %arg18: memref<!tpu.dma_semaphore, #tpu.memory_space<semaphore_mem>>, %arg19: memref<!tpu.dma_semaphore, #tpu.memory_space<semaphore_mem>>, %arg20: memref<!tpu.dma_semaphore, #tpu.memory_space<semaphore_mem>>, %arg21: memref<!tpu.dma_semaphore, #tpu.memory_space<semaphore_mem>>, %arg22: memref<!tpu.dma_semaphore, #tpu.memory_space<semaphore_mem>>) attributes {dimension_semantics = [#tpu.dimension_semantics<core_parallel>, #tpu.dimension_semantics<subcore_parallel>], iteration_bounds = array<i64: 2, 16>, scalar_prefetch = 0 : i64, scratch_operands = 16 : i64, tpu.core_type = #tpu.core_type<sc_vector_subcore>, window_params = [{transform_indices = #map}, {transform_indices = #map1}, {transform_indices = #map}, {transform_indices = #map}, {transform_indices = #map1}]} {
    %mul3A = arith.constant 640 : i32
    %mul3A_0 = arith.muli %arg1, %mul3A : i32
    %mul3A_1 = arith.constant 160 : i32
    %mul3A_2 = arith.muli %arg1, %mul3A_1 : i32
    %dma_start3A = arith.constant 0 : i32
    %dma_start3A_3 = tpu.memref_slice %arg3[%arg0, %mul3A_2, %dma_start3A] : memref<2x2560x125xi32, #tpu.memory_space<hbm>> -> memref<1x160x125xi32, #tpu.memory_space<hbm>>
    %dma_start3A_4 = tpu.memref_squeeze %dma_start3A_3 : memref<1x160x125xi32, #tpu.memory_space<hbm>> -> memref<160x125xi32, #tpu.memory_space<hbm>>
    %dma_start3A_5 = arith.constant 0 : i32
    %dma_start3A_6 = tpu.memref_slice %arg3[%arg0, %mul3A_2, %dma_start3A_5] : memref<2x2560x125xi32, #tpu.memory_space<hbm>> -> memref<1x160x125xi32, #tpu.memory_space<hbm>>
    %dma_start3A_7 = tpu.memref_squeeze %dma_start3A_6 : memref<1x160x125xi32, #tpu.memory_space<hbm>> -> memref<160x125xi32, #tpu.memory_space<hbm>>
    tpu.enqueue_dma source(%dma_start3A_7 : memref<160x125xi32, #tpu.memory_space<hbm>>) target(%arg7 : memref<160x125xi32, #tpu.memory_space<vmem>>) target_semaphore(%arg15 : memref<!tpu.dma_semaphore, #tpu.memory_space<semaphore_mem>>)
    %mul3A_8 = arith.constant 160 : i32
    %mul3A_9 = arith.muli %arg1, %mul3A_8 : i32
    %dma_start3A_10 = arith.constant 0 : i32
    %dma_start3A_11 = tpu.memref_slice %arg4[%mul3A_9, %dma_start3A_10] : memref<2560x125xi32, #tpu.memory_space<hbm>> -> memref<160x125xi32, #tpu.memory_space<hbm>>
    %dma_start3A_12 = arith.constant 0 : i32
    %dma_start3A_13 = tpu.memref_slice %arg4[%mul3A_9, %dma_start3A_12] : memref<2560x125xi32, #tpu.memory_space<hbm>> -> memref<160x125xi32, #tpu.memory_space<hbm>>
    tpu.enqueue_dma source(%dma_start3A_13 : memref<160x125xi32, #tpu.memory_space<hbm>>) target(%arg8 : memref<160x125xi32, #tpu.memory_space<vmem>>) target_semaphore(%arg16 : memref<!tpu.dma_semaphore, #tpu.memory_space<semaphore_mem>>)
    "tpu.region"() ({
      %run_scoped3A = tpu.sem_alloc : memref<!tpu.dma_semaphore, #tpu.memory_space<semaphore_mem>>
      tpu.enqueue_dma source(%arg5 : memref<128x64xf32, #tpu.memory_space<hbm>>) target(%arg13 : memref<128x64xf32, #tpu.memory_space<vmem>>) target_semaphore(%run_scoped3A : memref<!tpu.dma_semaphore, #tpu.memory_space<semaphore_mem>>)
      tpu.wait_dma2 semaphore(%run_scoped3A : memref<!tpu.dma_semaphore, #tpu.memory_space<semaphore_mem>>) src(%arg5 : memref<128x64xf32, #tpu.memory_space<hbm>>) dst(%arg13 : memref<128x64xf32, #tpu.memory_space<vmem>>)
      tpu.yield
    }) : () -> ()
    %add3A = arith.constant 0 : i32
    %add3A_14 = arith.addi %mul3A_0, %add3A : i32
    "tpu.region"() ({
      %run_scoped3A = tpu.sem_alloc : memref<!tpu.dma_semaphore, #tpu.memory_space<semaphore_mem>>
      %dma_start3A_170 = arith.constant 0 : i32
      %dma_start3A_171 = tpu.memref_slice %arg14[%add3A_14, %dma_start3A_170] : memref<10240x64xf32, #tpu.memory_space<vmem_shared>> -> memref<128x64xf32, #tpu.memory_space<vmem_shared>>
      %dma_start3A_172 = arith.constant 0 : i32
      %dma_start3A_173 = tpu.memref_slice %arg14[%add3A_14, %dma_start3A_172] : memref<10240x64xf32, #tpu.memory_space<vmem_shared>> -> memref<128x64xf32, #tpu.memory_space<vmem_shared>>
      tpu.enqueue_dma source(%arg13 : memref<128x64xf32, #tpu.memory_space<vmem>>) target(%dma_start3A_173 : memref<128x64xf32, #tpu.memory_space<vmem_shared>>) target_semaphore(%run_scoped3A : memref<!tpu.dma_semaphore, #tpu.memory_space<semaphore_mem>>)
      %dma_wait3A_174 = arith.constant 0 : i32
      %dma_wait3A_175 = tpu.memref_slice %arg14[%add3A_14, %dma_wait3A_174] : memref<10240x64xf32, #tpu.memory_space<vmem_shared>> -> memref<128x64xf32, #tpu.memory_space<vmem_shared>>
      %dma_wait3A_176 = arith.constant 0 : i32
      %dma_wait3A_177 = tpu.memref_slice %arg14[%add3A_14, %dma_wait3A_176] : memref<10240x64xf32, #tpu.memory_space<vmem_shared>> -> memref<128x64xf32, #tpu.memory_space<vmem_shared>>
      tpu.wait_dma2 semaphore(%run_scoped3A : memref<!tpu.dma_semaphore, #tpu.memory_space<semaphore_mem>>) src(%arg13 : memref<128x64xf32, #tpu.memory_space<vmem>>) dst(%dma_wait3A_177 : memref<128x64xf32, #tpu.memory_space<vmem_shared>>)
      tpu.yield
    }) : () -> ()
    %add3A_15 = arith.constant 128 : i32
    %add3A_16 = arith.addi %mul3A_0, %add3A_15 : i32
    "tpu.region"() ({
      %run_scoped3A = tpu.sem_alloc : memref<!tpu.dma_semaphore, #tpu.memory_space<semaphore_mem>>
      %dma_start3A_170 = arith.constant 0 : i32
      %dma_start3A_171 = tpu.memref_slice %arg14[%add3A_16, %dma_start3A_170] : memref<10240x64xf32, #tpu.memory_space<vmem_shared>> -> memref<128x64xf32, #tpu.memory_space<vmem_shared>>
      %dma_start3A_172 = arith.constant 0 : i32
      %dma_start3A_173 = tpu.memref_slice %arg14[%add3A_16, %dma_start3A_172] : memref<10240x64xf32, #tpu.memory_space<vmem_shared>> -> memref<128x64xf32, #tpu.memory_space<vmem_shared>>
      tpu.enqueue_dma source(%arg13 : memref<128x64xf32, #tpu.memory_space<vmem>>) target(%dma_start3A_173 : memref<128x64xf32, #tpu.memory_space<vmem_shared>>) target_semaphore(%run_scoped3A : memref<!tpu.dma_semaphore, #tpu.memory_space<semaphore_mem>>)
      %dma_wait3A_174 = arith.constant 0 : i32
      %dma_wait3A_175 = tpu.memref_slice %arg14[%add3A_16, %dma_wait3A_174] : memref<10240x64xf32, #tpu.memory_space<vmem_shared>> -> memref<128x64xf32, #tpu.memory_space<vmem_shared>>
      %dma_wait3A_176 = arith.constant 0 : i32
      %dma_wait3A_177 = tpu.memref_slice %arg14[%add3A_16, %dma_wait3A_176] : memref<10240x64xf32, #tpu.memory_space<vmem_shared>> -> memref<128x64xf32, #tpu.memory_space<vmem_shared>>
      tpu.wait_dma2 semaphore(%run_scoped3A : memref<!tpu.dma_semaphore, #tpu.memory_space<semaphore_mem>>) src(%arg13 : memref<128x64xf32, #tpu.memory_space<vmem>>) dst(%dma_wait3A_177 : memref<128x64xf32, #tpu.memory_space<vmem_shared>>)
      tpu.yield
    }) : () -> ()
    %add3A_17 = arith.constant 256 : i32
    %add3A_18 = arith.addi %mul3A_0, %add3A_17 : i32
    "tpu.region"() ({
      %run_scoped3A = tpu.sem_alloc : memref<!tpu.dma_semaphore, #tpu.memory_space<semaphore_mem>>
      %dma_start3A_170 = arith.constant 0 : i32
      %dma_start3A_171 = tpu.memref_slice %arg14[%add3A_18, %dma_start3A_170] : memref<10240x64xf32, #tpu.memory_space<vmem_shared>> -> memref<128x64xf32, #tpu.memory_space<vmem_shared>>
      %dma_start3A_172 = arith.constant 0 : i32
      %dma_start3A_173 = tpu.memref_slice %arg14[%add3A_18, %dma_start3A_172] : memref<10240x64xf32, #tpu.memory_space<vmem_shared>> -> memref<128x64xf32, #tpu.memory_space<vmem_shared>>
      tpu.enqueue_dma source(%arg13 : memref<128x64xf32, #tpu.memory_space<vmem>>) target(%dma_start3A_173 : memref<128x64xf32, #tpu.memory_space<vmem_shared>>) target_semaphore(%run_scoped3A : memref<!tpu.dma_semaphore, #tpu.memory_space<semaphore_mem>>)
      %dma_wait3A_174 = arith.constant 0 : i32
      %dma_wait3A_175 = tpu.memref_slice %arg14[%add3A_18, %dma_wait3A_174] : memref<10240x64xf32, #tpu.memory_space<vmem_shared>> -> memref<128x64xf32, #tpu.memory_space<vmem_shared>>
      %dma_wait3A_176 = arith.constant 0 : i32
      %dma_wait3A_177 = tpu.memref_slice %arg14[%add3A_18, %dma_wait3A_176] : memref<10240x64xf32, #tpu.memory_space<vmem_shared>> -> memref<128x64xf32, #tpu.memory_space<vmem_shared>>
      tpu.wait_dma2 semaphore(%run_scoped3A : memref<!tpu.dma_semaphore, #tpu.memory_space<semaphore_mem>>) src(%arg13 : memref<128x64xf32, #tpu.memory_space<vmem>>) dst(%dma_wait3A_177 : memref<128x64xf32, #tpu.memory_space<vmem_shared>>)
      tpu.yield
    }) : () -> ()
    %add3A_19 = arith.constant 384 : i32
    %add3A_20 = arith.addi %mul3A_0, %add3A_19 : i32
    "tpu.region"() ({
      %run_scoped3A = tpu.sem_alloc : memref<!tpu.dma_semaphore, #tpu.memory_space<semaphore_mem>>
      %dma_start3A_170 = arith.constant 0 : i32
      %dma_start3A_171 = tpu.memref_slice %arg14[%add3A_20, %dma_start3A_170] : memref<10240x64xf32, #tpu.memory_space<vmem_shared>> -> memref<128x64xf32, #tpu.memory_space<vmem_shared>>
      %dma_start3A_172 = arith.constant 0 : i32
      %dma_start3A_173 = tpu.memref_slice %arg14[%add3A_20, %dma_start3A_172] : memref<10240x64xf32, #tpu.memory_space<vmem_shared>> -> memref<128x64xf32, #tpu.memory_space<vmem_shared>>
      tpu.enqueue_dma source(%arg13 : memref<128x64xf32, #tpu.memory_space<vmem>>) target(%dma_start3A_173 : memref<128x64xf32, #tpu.memory_space<vmem_shared>>) target_semaphore(%run_scoped3A : memref<!tpu.dma_semaphore, #tpu.memory_space<semaphore_mem>>)
      %dma_wait3A_174 = arith.constant 0 : i32
      %dma_wait3A_175 = tpu.memref_slice %arg14[%add3A_20, %dma_wait3A_174] : memref<10240x64xf32, #tpu.memory_space<vmem_shared>> -> memref<128x64xf32, #tpu.memory_space<vmem_shared>>
      %dma_wait3A_176 = arith.constant 0 : i32
      %dma_wait3A_177 = tpu.memref_slice %arg14[%add3A_20, %dma_wait3A_176] : memref<10240x64xf32, #tpu.memory_space<vmem_shared>> -> memref<128x64xf32, #tpu.memory_space<vmem_shared>>
      tpu.wait_dma2 semaphore(%run_scoped3A : memref<!tpu.dma_semaphore, #tpu.memory_space<semaphore_mem>>) src(%arg13 : memref<128x64xf32, #tpu.memory_space<vmem>>) dst(%dma_wait3A_177 : memref<128x64xf32, #tpu.memory_space<vmem_shared>>)
      tpu.yield
    }) : () -> ()
    %add3A_21 = arith.constant 512 : i32
    %add3A_22 = arith.addi %mul3A_0, %add3A_21 : i32
    "tpu.region"() ({
      %run_scoped3A = tpu.sem_alloc : memref<!tpu.dma_semaphore, #tpu.memory_space<semaphore_mem>>
      %dma_start3A_170 = arith.constant 0 : i32
      %dma_start3A_171 = tpu.memref_slice %arg14[%add3A_22, %dma_start3A_170] : memref<10240x64xf32, #tpu.memory_space<vmem_shared>> -> memref<128x64xf32, #tpu.memory_space<vmem_shared>>
      %dma_start3A_172 = arith.constant 0 : i32
      %dma_start3A_173 = tpu.memref_slice %arg14[%add3A_22, %dma_start3A_172] : memref<10240x64xf32, #tpu.memory_space<vmem_shared>> -> memref<128x64xf32, #tpu.memory_space<vmem_shared>>
      tpu.enqueue_dma source(%arg13 : memref<128x64xf32, #tpu.memory_space<vmem>>) target(%dma_start3A_173 : memref<128x64xf32, #tpu.memory_space<vmem_shared>>) target_semaphore(%run_scoped3A : memref<!tpu.dma_semaphore, #tpu.memory_space<semaphore_mem>>)
      %dma_wait3A_174 = arith.constant 0 : i32
      %dma_wait3A_175 = tpu.memref_slice %arg14[%add3A_22, %dma_wait3A_174] : memref<10240x64xf32, #tpu.memory_space<vmem_shared>> -> memref<128x64xf32, #tpu.memory_space<vmem_shared>>
      %dma_wait3A_176 = arith.constant 0 : i32
      %dma_wait3A_177 = tpu.memref_slice %arg14[%add3A_22, %dma_wait3A_176] : memref<10240x64xf32, #tpu.memory_space<vmem_shared>> -> memref<128x64xf32, #tpu.memory_space<vmem_shared>>
      tpu.wait_dma2 semaphore(%run_scoped3A : memref<!tpu.dma_semaphore, #tpu.memory_space<semaphore_mem>>) src(%arg13 : memref<128x64xf32, #tpu.memory_space<vmem>>) dst(%dma_wait3A_177 : memref<128x64xf32, #tpu.memory_space<vmem_shared>>)
      tpu.yield
    }) : () -> ()
    %dma_wait3A = arith.constant 0 : i32
    %dma_wait3A_23 = tpu.memref_slice %arg3[%arg0, %mul3A_2, %dma_wait3A] : memref<2x2560x125xi32, #tpu.memory_space<hbm>> -> memref<1x160x125xi32, #tpu.memory_space<hbm>>
    %dma_wait3A_24 = tpu.memref_squeeze %dma_wait3A_23 : memref<1x160x125xi32, #tpu.memory_space<hbm>> -> memref<160x125xi32, #tpu.memory_space<hbm>>
    %dma_wait3A_25 = arith.constant 0 : i32
    %dma_wait3A_26 = tpu.memref_slice %arg3[%arg0, %mul3A_2, %dma_wait3A_25] : memref<2x2560x125xi32, #tpu.memory_space<hbm>> -> memref<1x160x125xi32, #tpu.memory_space<hbm>>
    %dma_wait3A_27 = tpu.memref_squeeze %dma_wait3A_26 : memref<1x160x125xi32, #tpu.memory_space<hbm>> -> memref<160x125xi32, #tpu.memory_space<hbm>>
    tpu.wait_dma2 semaphore(%arg15 : memref<!tpu.dma_semaphore, #tpu.memory_space<semaphore_mem>>) src(%dma_wait3A_27 : memref<160x125xi32, #tpu.memory_space<hbm>>) dst(%arg7 : memref<160x125xi32, #tpu.memory_space<vmem>>)
    %dma_wait3A_28 = arith.constant 0 : i32
    %dma_wait3A_29 = tpu.memref_slice %arg4[%mul3A_9, %dma_wait3A_28] : memref<2560x125xi32, #tpu.memory_space<hbm>> -> memref<160x125xi32, #tpu.memory_space<hbm>>
    %dma_wait3A_30 = arith.constant 0 : i32
    %dma_wait3A_31 = tpu.memref_slice %arg4[%mul3A_9, %dma_wait3A_30] : memref<2560x125xi32, #tpu.memory_space<hbm>> -> memref<160x125xi32, #tpu.memory_space<hbm>>
    tpu.wait_dma2 semaphore(%arg16 : memref<!tpu.dma_semaphore, #tpu.memory_space<semaphore_mem>>) src(%dma_wait3A_31 : memref<160x125xi32, #tpu.memory_space<hbm>>) dst(%arg8 : memref<160x125xi32, #tpu.memory_space<vmem>>)
    %barrier3A = arith.constant 0 : index
    tpu.barrier barrier_id(%barrier3A)
    %dma_start3A_32 = arith.constant 0 : i32
    %dma_start3A_33 = arith.constant 0 : i32
    %dma_start3A_34 = tpu.memref_slice %arg7[%dma_start3A_32, %dma_start3A_33] : memref<160x125xi32, #tpu.memory_space<vmem>> -> memref<1x125xi32, #tpu.memory_space<vmem>>
    %dma_start3A_35 = tpu.memref_squeeze %dma_start3A_34 : memref<1x125xi32, #tpu.memory_space<vmem>> -> memref<125xi32, #tpu.memory_space<vmem>>
    %dma_start3A_36 = arith.constant 0 : i32
    %dma_start3A_37 = arith.constant 0 : i32
    %dma_start3A_38 = tpu.memref_slice %arg2[%dma_start3A_36, %dma_start3A_37] : memref<20000x64xf32, #tpu.memory_space<hbm>> -> memref<20000x64xf32, #tpu.memory_space<hbm>>
    tpu.enqueue_indirect_dma source(%dma_start3A_38 : memref<20000x64xf32, #tpu.memory_space<hbm>>) target(%arg9 : memref<125x64xf32, #tpu.memory_space<vmem>>) offsets(%dma_start3A_35 : memref<125xi32, #tpu.memory_space<vmem>>) semaphore(%arg15 : memref<!tpu.dma_semaphore, #tpu.memory_space<semaphore_mem>>)
    %dma_start3A_39 = arith.constant 1 : i32
    %dma_start3A_40 = arith.constant 0 : i32
    %dma_start3A_41 = tpu.memref_slice %arg7[%dma_start3A_39, %dma_start3A_40] : memref<160x125xi32, #tpu.memory_space<vmem>> -> memref<1x125xi32, #tpu.memory_space<vmem>>
    %dma_start3A_42 = tpu.memref_squeeze %dma_start3A_41 : memref<1x125xi32, #tpu.memory_space<vmem>> -> memref<125xi32, #tpu.memory_space<vmem>>
    %dma_start3A_43 = arith.constant 0 : i32
    %dma_start3A_44 = arith.constant 0 : i32
    %dma_start3A_45 = tpu.memref_slice %arg2[%dma_start3A_43, %dma_start3A_44] : memref<20000x64xf32, #tpu.memory_space<hbm>> -> memref<20000x64xf32, #tpu.memory_space<hbm>>
    tpu.enqueue_indirect_dma source(%dma_start3A_45 : memref<20000x64xf32, #tpu.memory_space<hbm>>) target(%arg10 : memref<125x64xf32, #tpu.memory_space<vmem>>) offsets(%dma_start3A_42 : memref<125xi32, #tpu.memory_space<vmem>>) semaphore(%arg16 : memref<!tpu.dma_semaphore, #tpu.memory_space<semaphore_mem>>)
    %dma_start3A_46 = arith.constant 2 : i32
    %dma_start3A_47 = arith.constant 0 : i32
    %dma_start3A_48 = tpu.memref_slice %arg7[%dma_start3A_46, %dma_start3A_47] : memref<160x125xi32, #tpu.memory_space<vmem>> -> memref<1x125xi32, #tpu.memory_space<vmem>>
    %dma_start3A_49 = tpu.memref_squeeze %dma_start3A_48 : memref<1x125xi32, #tpu.memory_space<vmem>> -> memref<125xi32, #tpu.memory_space<vmem>>
    %dma_start3A_50 = arith.constant 0 : i32
    %dma_start3A_51 = arith.constant 0 : i32
    %dma_start3A_52 = tpu.memref_slice %arg2[%dma_start3A_50, %dma_start3A_51] : memref<20000x64xf32, #tpu.memory_space<hbm>> -> memref<20000x64xf32, #tpu.memory_space<hbm>>
    tpu.enqueue_indirect_dma source(%dma_start3A_52 : memref<20000x64xf32, #tpu.memory_space<hbm>>) target(%arg11 : memref<125x64xf32, #tpu.memory_space<vmem>>) offsets(%dma_start3A_49 : memref<125xi32, #tpu.memory_space<vmem>>) semaphore(%arg17 : memref<!tpu.dma_semaphore, #tpu.memory_space<semaphore_mem>>)
    %dma_start3A_53 = arith.constant 3 : i32
    %dma_start3A_54 = arith.constant 0 : i32
    %dma_start3A_55 = tpu.memref_slice %arg7[%dma_start3A_53, %dma_start3A_54] : memref<160x125xi32, #tpu.memory_space<vmem>> -> memref<1x125xi32, #tpu.memory_space<vmem>>
    %dma_start3A_56 = tpu.memref_squeeze %dma_start3A_55 : memref<1x125xi32, #tpu.memory_space<vmem>> -> memref<125xi32, #tpu.memory_space<vmem>>
    %dma_start3A_57 = arith.constant 0 : i32
    %dma_start3A_58 = arith.constant 0 : i32
    %dma_start3A_59 = tpu.memref_slice %arg2[%dma_start3A_57, %dma_start3A_58] : memref<20000x64xf32, #tpu.memory_space<hbm>> -> memref<20000x64xf32, #tpu.memory_space<hbm>>
    tpu.enqueue_indirect_dma source(%dma_start3A_59 : memref<20000x64xf32, #tpu.memory_space<hbm>>) target(%arg12 : memref<125x64xf32, #tpu.memory_space<vmem>>) offsets(%dma_start3A_56 : memref<125xi32, #tpu.memory_space<vmem>>) semaphore(%arg18 : memref<!tpu.dma_semaphore, #tpu.memory_space<semaphore_mem>>)
    %scan3A = arith.constant 0 : i32
    %scan3A_60 = arith.constant 0 : i32
    %scan3A_61 = arith.constant 39 : i32
    %scan3A_62 = arith.addi %scan3A_60, %scan3A_61 : i32
    %scan3A_63 = arith.constant 1 : i32
    scf.for %scan3A_170 = %scan3A_60 to %scan3A_62 step %scan3A_63  : i32 {
      %mul3A_171 = arith.constant 4 : i32
      %mul3A_172 = arith.muli %mul3A_171, %scan3A_170 : i32
      %add3A_173 = arith.constant 0 : i32
      %add3A_174 = arith.addi %mul3A_172, %add3A_173 : i32
      %dma_wait3A_175 = arith.constant 0 : i32
      %dma_wait3A_176 = tpu.memref_slice %arg7[%add3A_174, %dma_wait3A_175] : memref<160x125xi32, #tpu.memory_space<vmem>> -> memref<1x125xi32, #tpu.memory_space<vmem>>
      %dma_wait3A_177 = tpu.memref_squeeze %dma_wait3A_176 : memref<1x125xi32, #tpu.memory_space<vmem>> -> memref<125xi32, #tpu.memory_space<vmem>>
      %dma_wait3A_178 = arith.constant 0 : i32
      %dma_wait3A_179 = arith.constant 0 : i32
      %dma_wait3A_180 = tpu.memref_slice %arg2[%dma_wait3A_178, %dma_wait3A_179] : memref<20000x64xf32, #tpu.memory_space<hbm>> -> memref<20000x64xf32, #tpu.memory_space<hbm>>
      tpu.wait_indirect_dma semaphore(%arg15 : memref<!tpu.dma_semaphore, #tpu.memory_space<semaphore_mem>>) src(%dma_wait3A_180 : memref<20000x64xf32, #tpu.memory_space<hbm>>) dst(%arg9 : memref<125x64xf32, #tpu.memory_space<vmem>>)
      %add3A_181 = arith.constant 0 : i32
      %add3A_182 = arith.addi %mul3A_172, %add3A_181 : i32
      %dma_start3A_183 = arith.constant 0 : i32
      %dma_start3A_184 = tpu.memref_slice %arg8[%add3A_182, %dma_start3A_183] : memref<160x125xi32, #tpu.memory_space<vmem>> -> memref<1x125xi32, #tpu.memory_space<vmem>>
      %dma_start3A_185 = tpu.memref_squeeze %dma_start3A_184 : memref<1x125xi32, #tpu.memory_space<vmem>> -> memref<125xi32, #tpu.memory_space<vmem>>
      %dma_start3A_186 = arith.constant 0 : i32
      %dma_start3A_187 = arith.constant 0 : i32
      %dma_start3A_188 = tpu.memref_slice %arg14[%dma_start3A_186, %dma_start3A_187] : memref<10240x64xf32, #tpu.memory_space<vmem_shared>> -> memref<10240x64xf32, #tpu.memory_space<vmem_shared>>
      tpu.enqueue_indirect_dma source(%arg9 : memref<125x64xf32, #tpu.memory_space<vmem>>) target(%dma_start3A_188 : memref<10240x64xf32, #tpu.memory_space<vmem_shared>>) offsets(%dma_start3A_185 : memref<125xi32, #tpu.memory_space<vmem>>) semaphore(%arg19 : memref<!tpu.dma_semaphore, #tpu.memory_space<semaphore_mem>>) {add = true}
      %add3A_189 = arith.constant 1 : i32
      %add3A_190 = arith.addi %mul3A_172, %add3A_189 : i32
      %dma_wait3A_191 = arith.constant 0 : i32
      %dma_wait3A_192 = tpu.memref_slice %arg7[%add3A_190, %dma_wait3A_191] : memref<160x125xi32, #tpu.memory_space<vmem>> -> memref<1x125xi32, #tpu.memory_space<vmem>>
      %dma_wait3A_193 = tpu.memref_squeeze %dma_wait3A_192 : memref<1x125xi32, #tpu.memory_space<vmem>> -> memref<125xi32, #tpu.memory_space<vmem>>
      %dma_wait3A_194 = arith.constant 0 : i32
      %dma_wait3A_195 = arith.constant 0 : i32
      %dma_wait3A_196 = tpu.memref_slice %arg2[%dma_wait3A_194, %dma_wait3A_195] : memref<20000x64xf32, #tpu.memory_space<hbm>> -> memref<20000x64xf32, #tpu.memory_space<hbm>>
      tpu.wait_indirect_dma semaphore(%arg16 : memref<!tpu.dma_semaphore, #tpu.memory_space<semaphore_mem>>) src(%dma_wait3A_196 : memref<20000x64xf32, #tpu.memory_space<hbm>>) dst(%arg10 : memref<125x64xf32, #tpu.memory_space<vmem>>)
      %add3A_197 = arith.constant 1 : i32
      %add3A_198 = arith.addi %mul3A_172, %add3A_197 : i32
      %dma_start3A_199 = arith.constant 0 : i32
      %dma_start3A_200 = tpu.memref_slice %arg8[%add3A_198, %dma_start3A_199] : memref<160x125xi32, #tpu.memory_space<vmem>> -> memref<1x125xi32, #tpu.memory_space<vmem>>
      %dma_start3A_201 = tpu.memref_squeeze %dma_start3A_200 : memref<1x125xi32, #tpu.memory_space<vmem>> -> memref<125xi32, #tpu.memory_space<vmem>>
      %dma_start3A_202 = arith.constant 0 : i32
      %dma_start3A_203 = arith.constant 0 : i32
      %dma_start3A_204 = tpu.memref_slice %arg14[%dma_start3A_202, %dma_start3A_203] : memref<10240x64xf32, #tpu.memory_space<vmem_shared>> -> memref<10240x64xf32, #tpu.memory_space<vmem_shared>>
      tpu.enqueue_indirect_dma source(%arg10 : memref<125x64xf32, #tpu.memory_space<vmem>>) target(%dma_start3A_204 : memref<10240x64xf32, #tpu.memory_space<vmem_shared>>) offsets(%dma_start3A_201 : memref<125xi32, #tpu.memory_space<vmem>>) semaphore(%arg20 : memref<!tpu.dma_semaphore, #tpu.memory_space<semaphore_mem>>) {add = true}
      %add3A_205 = arith.constant 2 : i32
      %add3A_206 = arith.addi %mul3A_172, %add3A_205 : i32
      %dma_wait3A_207 = arith.constant 0 : i32
      %dma_wait3A_208 = tpu.memref_slice %arg7[%add3A_206, %dma_wait3A_207] : memref<160x125xi32, #tpu.memory_space<vmem>> -> memref<1x125xi32, #tpu.memory_space<vmem>>
      %dma_wait3A_209 = tpu.memref_squeeze %dma_wait3A_208 : memref<1x125xi32, #tpu.memory_space<vmem>> -> memref<125xi32, #tpu.memory_space<vmem>>
      %dma_wait3A_210 = arith.constant 0 : i32
      %dma_wait3A_211 = arith.constant 0 : i32
      %dma_wait3A_212 = tpu.memref_slice %arg2[%dma_wait3A_210, %dma_wait3A_211] : memref<20000x64xf32, #tpu.memory_space<hbm>> -> memref<20000x64xf32, #tpu.memory_space<hbm>>
      tpu.wait_indirect_dma semaphore(%arg17 : memref<!tpu.dma_semaphore, #tpu.memory_space<semaphore_mem>>) src(%dma_wait3A_212 : memref<20000x64xf32, #tpu.memory_space<hbm>>) dst(%arg11 : memref<125x64xf32, #tpu.memory_space<vmem>>)
      %add3A_213 = arith.constant 2 : i32
      %add3A_214 = arith.addi %mul3A_172, %add3A_213 : i32
      %dma_start3A_215 = arith.constant 0 : i32
      %dma_start3A_216 = tpu.memref_slice %arg8[%add3A_214, %dma_start3A_215] : memref<160x125xi32, #tpu.memory_space<vmem>> -> memref<1x125xi32, #tpu.memory_space<vmem>>
      %dma_start3A_217 = tpu.memref_squeeze %dma_start3A_216 : memref<1x125xi32, #tpu.memory_space<vmem>> -> memref<125xi32, #tpu.memory_space<vmem>>
      %dma_start3A_218 = arith.constant 0 : i32
      %dma_start3A_219 = arith.constant 0 : i32
      %dma_start3A_220 = tpu.memref_slice %arg14[%dma_start3A_218, %dma_start3A_219] : memref<10240x64xf32, #tpu.memory_space<vmem_shared>> -> memref<10240x64xf32, #tpu.memory_space<vmem_shared>>
      tpu.enqueue_indirect_dma source(%arg11 : memref<125x64xf32, #tpu.memory_space<vmem>>) target(%dma_start3A_220 : memref<10240x64xf32, #tpu.memory_space<vmem_shared>>) offsets(%dma_start3A_217 : memref<125xi32, #tpu.memory_space<vmem>>) semaphore(%arg21 : memref<!tpu.dma_semaphore, #tpu.memory_space<semaphore_mem>>) {add = true}
      %add3A_221 = arith.constant 3 : i32
      %add3A_222 = arith.addi %mul3A_172, %add3A_221 : i32
      %dma_wait3A_223 = arith.constant 0 : i32
      %dma_wait3A_224 = tpu.memref_slice %arg7[%add3A_222, %dma_wait3A_223] : memref<160x125xi32, #tpu.memory_space<vmem>> -> memref<1x125xi32, #tpu.memory_space<vmem>>
      %dma_wait3A_225 = tpu.memref_squeeze %dma_wait3A_224 : memref<1x125xi32, #tpu.memory_space<vmem>> -> memref<125xi32, #tpu.memory_space<vmem>>
      %dma_wait3A_226 = arith.constant 0 : i32
      %dma_wait3A_227 = arith.constant 0 : i32
      %dma_wait3A_228 = tpu.memref_slice %arg2[%dma_wait3A_226, %dma_wait3A_227] : memref<20000x64xf32, #tpu.memory_space<hbm>> -> memref<20000x64xf32, #tpu.memory_space<hbm>>
      tpu.wait_indirect_dma semaphore(%arg18 : memref<!tpu.dma_semaphore, #tpu.memory_space<semaphore_mem>>) src(%dma_wait3A_228 : memref<20000x64xf32, #tpu.memory_space<hbm>>) dst(%arg12 : memref<125x64xf32, #tpu.memory_space<vmem>>)
      %add3A_229 = arith.constant 3 : i32
      %add3A_230 = arith.addi %mul3A_172, %add3A_229 : i32
      %dma_start3A_231 = arith.constant 0 : i32
      %dma_start3A_232 = tpu.memref_slice %arg8[%add3A_230, %dma_start3A_231] : memref<160x125xi32, #tpu.memory_space<vmem>> -> memref<1x125xi32, #tpu.memory_space<vmem>>
      %dma_start3A_233 = tpu.memref_squeeze %dma_start3A_232 : memref<1x125xi32, #tpu.memory_space<vmem>> -> memref<125xi32, #tpu.memory_space<vmem>>
      %dma_start3A_234 = arith.constant 0 : i32
      %dma_start3A_235 = arith.constant 0 : i32
      %dma_start3A_236 = tpu.memref_slice %arg14[%dma_start3A_234, %dma_start3A_235] : memref<10240x64xf32, #tpu.memory_space<vmem_shared>> -> memref<10240x64xf32, #tpu.memory_space<vmem_shared>>
      tpu.enqueue_indirect_dma source(%arg12 : memref<125x64xf32, #tpu.memory_space<vmem>>) target(%dma_start3A_236 : memref<10240x64xf32, #tpu.memory_space<vmem_shared>>) offsets(%dma_start3A_233 : memref<125xi32, #tpu.memory_space<vmem>>) semaphore(%arg22 : memref<!tpu.dma_semaphore, #tpu.memory_space<semaphore_mem>>) {add = true}
      %dma_wait3A_237 = arith.constant 0 : i32
      %dma_wait3A_238 = tpu.memref_slice %arg8[%add3A_182, %dma_wait3A_237] : memref<160x125xi32, #tpu.memory_space<vmem>> -> memref<1x125xi32, #tpu.memory_space<vmem>>
      %dma_wait3A_239 = tpu.memref_squeeze %dma_wait3A_238 : memref<1x125xi32, #tpu.memory_space<vmem>> -> memref<125xi32, #tpu.memory_space<vmem>>
      %dma_wait3A_240 = arith.constant 0 : i32
      %dma_wait3A_241 = arith.constant 0 : i32
      %dma_wait3A_242 = tpu.memref_slice %arg14[%dma_wait3A_240, %dma_wait3A_241] : memref<10240x64xf32, #tpu.memory_space<vmem_shared>> -> memref<10240x64xf32, #tpu.memory_space<vmem_shared>>
      tpu.wait_indirect_dma semaphore(%arg19 : memref<!tpu.dma_semaphore, #tpu.memory_space<semaphore_mem>>) src(%arg9 : memref<125x64xf32, #tpu.memory_space<vmem>>) dst(%dma_wait3A_242 : memref<10240x64xf32, #tpu.memory_space<vmem_shared>>)
      %add3A_243 = arith.constant 4 : i32
      %add3A_244 = arith.addi %mul3A_172, %add3A_243 : i32
      %add3A_245 = arith.constant 0 : i32
      %add3A_246 = arith.addi %add3A_244, %add3A_245 : i32
      %dma_start3A_247 = arith.constant 0 : i32
      %dma_start3A_248 = tpu.memref_slice %arg7[%add3A_246, %dma_start3A_247] : memref<160x125xi32, #tpu.memory_space<vmem>> -> memref<1x125xi32, #tpu.memory_space<vmem>>
      %dma_start3A_249 = tpu.memref_squeeze %dma_start3A_248 : memref<1x125xi32, #tpu.memory_space<vmem>> -> memref<125xi32, #tpu.memory_space<vmem>>
      %dma_start3A_250 = arith.constant 0 : i32
      %dma_start3A_251 = arith.constant 0 : i32
      %dma_start3A_252 = tpu.memref_slice %arg2[%dma_start3A_250, %dma_start3A_251] : memref<20000x64xf32, #tpu.memory_space<hbm>> -> memref<20000x64xf32, #tpu.memory_space<hbm>>
      tpu.enqueue_indirect_dma source(%dma_start3A_252 : memref<20000x64xf32, #tpu.memory_space<hbm>>) target(%arg9 : memref<125x64xf32, #tpu.memory_space<vmem>>) offsets(%dma_start3A_249 : memref<125xi32, #tpu.memory_space<vmem>>) semaphore(%arg15 : memref<!tpu.dma_semaphore, #tpu.memory_space<semaphore_mem>>)
      %dma_wait3A_253 = arith.constant 0 : i32
      %dma_wait3A_254 = tpu.memref_slice %arg8[%add3A_198, %dma_wait3A_253] : memref<160x125xi32, #tpu.memory_space<vmem>> -> memref<1x125xi32, #tpu.memory_space<vmem>>
      %dma_wait3A_255 = tpu.memref_squeeze %dma_wait3A_254 : memref<1x125xi32, #tpu.memory_space<vmem>> -> memref<125xi32, #tpu.memory_space<vmem>>
      %dma_wait3A_256 = arith.constant 0 : i32
      %dma_wait3A_257 = arith.constant 0 : i32
      %dma_wait3A_258 = tpu.memref_slice %arg14[%dma_wait3A_256, %dma_wait3A_257] : memref<10240x64xf32, #tpu.memory_space<vmem_shared>> -> memref<10240x64xf32, #tpu.memory_space<vmem_shared>>
      tpu.wait_indirect_dma semaphore(%arg20 : memref<!tpu.dma_semaphore, #tpu.memory_space<semaphore_mem>>) src(%arg10 : memref<125x64xf32, #tpu.memory_space<vmem>>) dst(%dma_wait3A_258 : memref<10240x64xf32, #tpu.memory_space<vmem_shared>>)
      %add3A_259 = arith.constant 4 : i32
      %add3A_260 = arith.addi %mul3A_172, %add3A_259 : i32
      %add3A_261 = arith.constant 1 : i32
      %add3A_262 = arith.addi %add3A_260, %add3A_261 : i32
      %dma_start3A_263 = arith.constant 0 : i32
      %dma_start3A_264 = tpu.memref_slice %arg7[%add3A_262, %dma_start3A_263] : memref<160x125xi32, #tpu.memory_space<vmem>> -> memref<1x125xi32, #tpu.memory_space<vmem>>
      %dma_start3A_265 = tpu.memref_squeeze %dma_start3A_264 : memref<1x125xi32, #tpu.memory_space<vmem>> -> memref<125xi32, #tpu.memory_space<vmem>>
      %dma_start3A_266 = arith.constant 0 : i32
      %dma_start3A_267 = arith.constant 0 : i32
      %dma_start3A_268 = tpu.memref_slice %arg2[%dma_start3A_266, %dma_start3A_267] : memref<20000x64xf32, #tpu.memory_space<hbm>> -> memref<20000x64xf32, #tpu.memory_space<hbm>>
      tpu.enqueue_indirect_dma source(%dma_start3A_268 : memref<20000x64xf32, #tpu.memory_space<hbm>>) target(%arg10 : memref<125x64xf32, #tpu.memory_space<vmem>>) offsets(%dma_start3A_265 : memref<125xi32, #tpu.memory_space<vmem>>) semaphore(%arg16 : memref<!tpu.dma_semaphore, #tpu.memory_space<semaphore_mem>>)
      %dma_wait3A_269 = arith.constant 0 : i32
      %dma_wait3A_270 = tpu.memref_slice %arg8[%add3A_214, %dma_wait3A_269] : memref<160x125xi32, #tpu.memory_space<vmem>> -> memref<1x125xi32, #tpu.memory_space<vmem>>
      %dma_wait3A_271 = tpu.memref_squeeze %dma_wait3A_270 : memref<1x125xi32, #tpu.memory_space<vmem>> -> memref<125xi32, #tpu.memory_space<vmem>>
      %dma_wait3A_272 = arith.constant 0 : i32
      %dma_wait3A_273 = arith.constant 0 : i32
      %dma_wait3A_274 = tpu.memref_slice %arg14[%dma_wait3A_272, %dma_wait3A_273] : memref<10240x64xf32, #tpu.memory_space<vmem_shared>> -> memref<10240x64xf32, #tpu.memory_space<vmem_shared>>
      tpu.wait_indirect_dma semaphore(%arg21 : memref<!tpu.dma_semaphore, #tpu.memory_space<semaphore_mem>>) src(%arg11 : memref<125x64xf32, #tpu.memory_space<vmem>>) dst(%dma_wait3A_274 : memref<10240x64xf32, #tpu.memory_space<vmem_shared>>)
      %add3A_275 = arith.constant 4 : i32
      %add3A_276 = arith.addi %mul3A_172, %add3A_275 : i32
      %add3A_277 = arith.constant 2 : i32
      %add3A_278 = arith.addi %add3A_276, %add3A_277 : i32
      %dma_start3A_279 = arith.constant 0 : i32
      %dma_start3A_280 = tpu.memref_slice %arg7[%add3A_278, %dma_start3A_279] : memref<160x125xi32, #tpu.memory_space<vmem>> -> memref<1x125xi32, #tpu.memory_space<vmem>>
      %dma_start3A_281 = tpu.memref_squeeze %dma_start3A_280 : memref<1x125xi32, #tpu.memory_space<vmem>> -> memref<125xi32, #tpu.memory_space<vmem>>
      %dma_start3A_282 = arith.constant 0 : i32
      %dma_start3A_283 = arith.constant 0 : i32
      %dma_start3A_284 = tpu.memref_slice %arg2[%dma_start3A_282, %dma_start3A_283] : memref<20000x64xf32, #tpu.memory_space<hbm>> -> memref<20000x64xf32, #tpu.memory_space<hbm>>
      tpu.enqueue_indirect_dma source(%dma_start3A_284 : memref<20000x64xf32, #tpu.memory_space<hbm>>) target(%arg11 : memref<125x64xf32, #tpu.memory_space<vmem>>) offsets(%dma_start3A_281 : memref<125xi32, #tpu.memory_space<vmem>>) semaphore(%arg17 : memref<!tpu.dma_semaphore, #tpu.memory_space<semaphore_mem>>)
      %dma_wait3A_285 = arith.constant 0 : i32
      %dma_wait3A_286 = tpu.memref_slice %arg8[%add3A_230, %dma_wait3A_285] : memref<160x125xi32, #tpu.memory_space<vmem>> -> memref<1x125xi32, #tpu.memory_space<vmem>>
      %dma_wait3A_287 = tpu.memref_squeeze %dma_wait3A_286 : memref<1x125xi32, #tpu.memory_space<vmem>> -> memref<125xi32, #tpu.memory_space<vmem>>
      %dma_wait3A_288 = arith.constant 0 : i32
      %dma_wait3A_289 = arith.constant 0 : i32
      %dma_wait3A_290 = tpu.memref_slice %arg14[%dma_wait3A_288, %dma_wait3A_289] : memref<10240x64xf32, #tpu.memory_space<vmem_shared>> -> memref<10240x64xf32, #tpu.memory_space<vmem_shared>>
      tpu.wait_indirect_dma semaphore(%arg22 : memref<!tpu.dma_semaphore, #tpu.memory_space<semaphore_mem>>) src(%arg12 : memref<125x64xf32, #tpu.memory_space<vmem>>) dst(%dma_wait3A_290 : memref<10240x64xf32, #tpu.memory_space<vmem_shared>>)
      %add3A_291 = arith.constant 4 : i32
      %add3A_292 = arith.addi %mul3A_172, %add3A_291 : i32
      %add3A_293 = arith.constant 3 : i32
      %add3A_294 = arith.addi %add3A_292, %add3A_293 : i32
      %dma_start3A_295 = arith.constant 0 : i32
      %dma_start3A_296 = tpu.memref_slice %arg7[%add3A_294, %dma_start3A_295] : memref<160x125xi32, #tpu.memory_space<vmem>> -> memref<1x125xi32, #tpu.memory_space<vmem>>
      %dma_start3A_297 = tpu.memref_squeeze %dma_start3A_296 : memref<1x125xi32, #tpu.memory_space<vmem>> -> memref<125xi32, #tpu.memory_space<vmem>>
      %dma_start3A_298 = arith.constant 0 : i32
      %dma_start3A_299 = arith.constant 0 : i32
      %dma_start3A_300 = tpu.memref_slice %arg2[%dma_start3A_298, %dma_start3A_299] : memref<20000x64xf32, #tpu.memory_space<hbm>> -> memref<20000x64xf32, #tpu.memory_space<hbm>>
      tpu.enqueue_indirect_dma source(%dma_start3A_300 : memref<20000x64xf32, #tpu.memory_space<hbm>>) target(%arg12 : memref<125x64xf32, #tpu.memory_space<vmem>>) offsets(%dma_start3A_297 : memref<125xi32, #tpu.memory_space<vmem>>) semaphore(%arg18 : memref<!tpu.dma_semaphore, #tpu.memory_space<semaphore_mem>>)
    }
    %scan3A_64 = arith.constant 39 : i32
    %dma_wait3A_65 = arith.constant 156 : i32
    %dma_wait3A_66 = arith.constant 0 : i32
    %dma_wait3A_67 = tpu.memref_slice %arg7[%dma_wait3A_65, %dma_wait3A_66] : memref<160x125xi32, #tpu.memory_space<vmem>> -> memref<1x125xi32, #tpu.memory_space<vmem>>
    %dma_wait3A_68 = tpu.memref_squeeze %dma_wait3A_67 : memref<1x125xi32, #tpu.memory_space<vmem>> -> memref<125xi32, #tpu.memory_space<vmem>>
    %dma_wait3A_69 = arith.constant 0 : i32
    %dma_wait3A_70 = arith.constant 0 : i32
    %dma_wait3A_71 = tpu.memref_slice %arg2[%dma_wait3A_69, %dma_wait3A_70] : memref<20000x64xf32, #tpu.memory_space<hbm>> -> memref<20000x64xf32, #tpu.memory_space<hbm>>
    tpu.wait_indirect_dma semaphore(%arg15 : memref<!tpu.dma_semaphore, #tpu.memory_space<semaphore_mem>>) src(%dma_wait3A_71 : memref<20000x64xf32, #tpu.memory_space<hbm>>) dst(%arg9 : memref<125x64xf32, #tpu.memory_space<vmem>>)
    %dma_start3A_72 = arith.constant 156 : i32
    %dma_start3A_73 = arith.constant 0 : i32
    %dma_start3A_74 = tpu.memref_slice %arg8[%dma_start3A_72, %dma_start3A_73] : memref<160x125xi32, #tpu.memory_space<vmem>> -> memref<1x125xi32, #tpu.memory_space<vmem>>
    %dma_start3A_75 = tpu.memref_squeeze %dma_start3A_74 : memref<1x125xi32, #tpu.memory_space<vmem>> -> memref<125xi32, #tpu.memory_space<vmem>>
    %dma_start3A_76 = arith.constant 0 : i32
    %dma_start3A_77 = arith.constant 0 : i32
    %dma_start3A_78 = tpu.memref_slice %arg14[%dma_start3A_76, %dma_start3A_77] : memref<10240x64xf32, #tpu.memory_space<vmem_shared>> -> memref<10240x64xf32, #tpu.memory_space<vmem_shared>>
    tpu.enqueue_indirect_dma source(%arg9 : memref<125x64xf32, #tpu.memory_space<vmem>>) target(%dma_start3A_78 : memref<10240x64xf32, #tpu.memory_space<vmem_shared>>) offsets(%dma_start3A_75 : memref<125xi32, #tpu.memory_space<vmem>>) semaphore(%arg19 : memref<!tpu.dma_semaphore, #tpu.memory_space<semaphore_mem>>) {add = true}
    %dma_wait3A_79 = arith.constant 157 : i32
    %dma_wait3A_80 = arith.constant 0 : i32
    %dma_wait3A_81 = tpu.memref_slice %arg7[%dma_wait3A_79, %dma_wait3A_80] : memref<160x125xi32, #tpu.memory_space<vmem>> -> memref<1x125xi32, #tpu.memory_space<vmem>>
    %dma_wait3A_82 = tpu.memref_squeeze %dma_wait3A_81 : memref<1x125xi32, #tpu.memory_space<vmem>> -> memref<125xi32, #tpu.memory_space<vmem>>
    %dma_wait3A_83 = arith.constant 0 : i32
    %dma_wait3A_84 = arith.constant 0 : i32
    %dma_wait3A_85 = tpu.memref_slice %arg2[%dma_wait3A_83, %dma_wait3A_84] : memref<20000x64xf32, #tpu.memory_space<hbm>> -> memref<20000x64xf32, #tpu.memory_space<hbm>>
    tpu.wait_indirect_dma semaphore(%arg16 : memref<!tpu.dma_semaphore, #tpu.memory_space<semaphore_mem>>) src(%dma_wait3A_85 : memref<20000x64xf32, #tpu.memory_space<hbm>>) dst(%arg10 : memref<125x64xf32, #tpu.memory_space<vmem>>)
    %dma_start3A_86 = arith.constant 157 : i32
    %dma_start3A_87 = arith.constant 0 : i32
    %dma_start3A_88 = tpu.memref_slice %arg8[%dma_start3A_86, %dma_start3A_87] : memref<160x125xi32, #tpu.memory_space<vmem>> -> memref<1x125xi32, #tpu.memory_space<vmem>>
    %dma_start3A_89 = tpu.memref_squeeze %dma_start3A_88 : memref<1x125xi32, #tpu.memory_space<vmem>> -> memref<125xi32, #tpu.memory_space<vmem>>
    %dma_start3A_90 = arith.constant 0 : i32
    %dma_start3A_91 = arith.constant 0 : i32
    %dma_start3A_92 = tpu.memref_slice %arg14[%dma_start3A_90, %dma_start3A_91] : memref<10240x64xf32, #tpu.memory_space<vmem_shared>> -> memref<10240x64xf32, #tpu.memory_space<vmem_shared>>
    tpu.enqueue_indirect_dma source(%arg10 : memref<125x64xf32, #tpu.memory_space<vmem>>) target(%dma_start3A_92 : memref<10240x64xf32, #tpu.memory_space<vmem_shared>>) offsets(%dma_start3A_89 : memref<125xi32, #tpu.memory_space<vmem>>) semaphore(%arg20 : memref<!tpu.dma_semaphore, #tpu.memory_space<semaphore_mem>>) {add = true}
    %dma_wait3A_93 = arith.constant 158 : i32
    %dma_wait3A_94 = arith.constant 0 : i32
    %dma_wait3A_95 = tpu.memref_slice %arg7[%dma_wait3A_93, %dma_wait3A_94] : memref<160x125xi32, #tpu.memory_space<vmem>> -> memref<1x125xi32, #tpu.memory_space<vmem>>
    %dma_wait3A_96 = tpu.memref_squeeze %dma_wait3A_95 : memref<1x125xi32, #tpu.memory_space<vmem>> -> memref<125xi32, #tpu.memory_space<vmem>>
    %dma_wait3A_97 = arith.constant 0 : i32
    %dma_wait3A_98 = arith.constant 0 : i32
    %dma_wait3A_99 = tpu.memref_slice %arg2[%dma_wait3A_97, %dma_wait3A_98] : memref<20000x64xf32, #tpu.memory_space<hbm>> -> memref<20000x64xf32, #tpu.memory_space<hbm>>
    tpu.wait_indirect_dma semaphore(%arg17 : memref<!tpu.dma_semaphore, #tpu.memory_space<semaphore_mem>>) src(%dma_wait3A_99 : memref<20000x64xf32, #tpu.memory_space<hbm>>) dst(%arg11 : memref<125x64xf32, #tpu.memory_space<vmem>>)
    %dma_start3A_100 = arith.constant 158 : i32
    %dma_start3A_101 = arith.constant 0 : i32
    %dma_start3A_102 = tpu.memref_slice %arg8[%dma_start3A_100, %dma_start3A_101] : memref<160x125xi32, #tpu.memory_space<vmem>> -> memref<1x125xi32, #tpu.memory_space<vmem>>
    %dma_start3A_103 = tpu.memref_squeeze %dma_start3A_102 : memref<1x125xi32, #tpu.memory_space<vmem>> -> memref<125xi32, #tpu.memory_space<vmem>>
    %dma_start3A_104 = arith.constant 0 : i32
    %dma_start3A_105 = arith.constant 0 : i32
    %dma_start3A_106 = tpu.memref_slice %arg14[%dma_start3A_104, %dma_start3A_105] : memref<10240x64xf32, #tpu.memory_space<vmem_shared>> -> memref<10240x64xf32, #tpu.memory_space<vmem_shared>>
    tpu.enqueue_indirect_dma source(%arg11 : memref<125x64xf32, #tpu.memory_space<vmem>>) target(%dma_start3A_106 : memref<10240x64xf32, #tpu.memory_space<vmem_shared>>) offsets(%dma_start3A_103 : memref<125xi32, #tpu.memory_space<vmem>>) semaphore(%arg21 : memref<!tpu.dma_semaphore, #tpu.memory_space<semaphore_mem>>) {add = true}
    %dma_wait3A_107 = arith.constant 159 : i32
    %dma_wait3A_108 = arith.constant 0 : i32
    %dma_wait3A_109 = tpu.memref_slice %arg7[%dma_wait3A_107, %dma_wait3A_108] : memref<160x125xi32, #tpu.memory_space<vmem>> -> memref<1x125xi32, #tpu.memory_space<vmem>>
    %dma_wait3A_110 = tpu.memref_squeeze %dma_wait3A_109 : memref<1x125xi32, #tpu.memory_space<vmem>> -> memref<125xi32, #tpu.memory_space<vmem>>
    %dma_wait3A_111 = arith.constant 0 : i32
    %dma_wait3A_112 = arith.constant 0 : i32
    %dma_wait3A_113 = tpu.memref_slice %arg2[%dma_wait3A_111, %dma_wait3A_112] : memref<20000x64xf32, #tpu.memory_space<hbm>> -> memref<20000x64xf32, #tpu.memory_space<hbm>>
    tpu.wait_indirect_dma semaphore(%arg18 : memref<!tpu.dma_semaphore, #tpu.memory_space<semaphore_mem>>) src(%dma_wait3A_113 : memref<20000x64xf32, #tpu.memory_space<hbm>>) dst(%arg12 : memref<125x64xf32, #tpu.memory_space<vmem>>)
    %dma_start3A_114 = arith.constant 159 : i32
    %dma_start3A_115 = arith.constant 0 : i32
    %dma_start3A_116 = tpu.memref_slice %arg8[%dma_start3A_114, %dma_start3A_115] : memref<160x125xi32, #tpu.memory_space<vmem>> -> memref<1x125xi32, #tpu.memory_space<vmem>>
    %dma_start3A_117 = tpu.memref_squeeze %dma_start3A_116 : memref<1x125xi32, #tpu.memory_space<vmem>> -> memref<125xi32, #tpu.memory_space<vmem>>
    %dma_start3A_118 = arith.constant 0 : i32
    %dma_start3A_119 = arith.constant 0 : i32
    %dma_start3A_120 = tpu.memref_slice %arg14[%dma_start3A_118, %dma_start3A_119] : memref<10240x64xf32, #tpu.memory_space<vmem_shared>> -> memref<10240x64xf32, #tpu.memory_space<vmem_shared>>
    tpu.enqueue_indirect_dma source(%arg12 : memref<125x64xf32, #tpu.memory_space<vmem>>) target(%dma_start3A_120 : memref<10240x64xf32, #tpu.memory_space<vmem_shared>>) offsets(%dma_start3A_117 : memref<125xi32, #tpu.memory_space<vmem>>) semaphore(%arg22 : memref<!tpu.dma_semaphore, #tpu.memory_space<semaphore_mem>>) {add = true}
    %dma_wait3A_121 = arith.constant 156 : i32
    %dma_wait3A_122 = arith.constant 0 : i32
    %dma_wait3A_123 = tpu.memref_slice %arg8[%dma_wait3A_121, %dma_wait3A_122] : memref<160x125xi32, #tpu.memory_space<vmem>> -> memref<1x125xi32, #tpu.memory_space<vmem>>
    %dma_wait3A_124 = tpu.memref_squeeze %dma_wait3A_123 : memref<1x125xi32, #tpu.memory_space<vmem>> -> memref<125xi32, #tpu.memory_space<vmem>>
    %dma_wait3A_125 = arith.constant 0 : i32
    %dma_wait3A_126 = arith.constant 0 : i32
    %dma_wait3A_127 = tpu.memref_slice %arg14[%dma_wait3A_125, %dma_wait3A_126] : memref<10240x64xf32, #tpu.memory_space<vmem_shared>> -> memref<10240x64xf32, #tpu.memory_space<vmem_shared>>
    tpu.wait_indirect_dma semaphore(%arg19 : memref<!tpu.dma_semaphore, #tpu.memory_space<semaphore_mem>>) src(%arg9 : memref<125x64xf32, #tpu.memory_space<vmem>>) dst(%dma_wait3A_127 : memref<10240x64xf32, #tpu.memory_space<vmem_shared>>)
    %dma_wait3A_128 = arith.constant 157 : i32
    %dma_wait3A_129 = arith.constant 0 : i32
    %dma_wait3A_130 = tpu.memref_slice %arg8[%dma_wait3A_128, %dma_wait3A_129] : memref<160x125xi32, #tpu.memory_space<vmem>> -> memref<1x125xi32, #tpu.memory_space<vmem>>
    %dma_wait3A_131 = tpu.memref_squeeze %dma_wait3A_130 : memref<1x125xi32, #tpu.memory_space<vmem>> -> memref<125xi32, #tpu.memory_space<vmem>>
    %dma_wait3A_132 = arith.constant 0 : i32
    %dma_wait3A_133 = arith.constant 0 : i32
    %dma_wait3A_134 = tpu.memref_slice %arg14[%dma_wait3A_132, %dma_wait3A_133] : memref<10240x64xf32, #tpu.memory_space<vmem_shared>> -> memref<10240x64xf32, #tpu.memory_space<vmem_shared>>
    tpu.wait_indirect_dma semaphore(%arg20 : memref<!tpu.dma_semaphore, #tpu.memory_space<semaphore_mem>>) src(%arg10 : memref<125x64xf32, #tpu.memory_space<vmem>>) dst(%dma_wait3A_134 : memref<10240x64xf32, #tpu.memory_space<vmem_shared>>)
    %dma_wait3A_135 = arith.constant 158 : i32
    %dma_wait3A_136 = arith.constant 0 : i32
    %dma_wait3A_137 = tpu.memref_slice %arg8[%dma_wait3A_135, %dma_wait3A_136] : memref<160x125xi32, #tpu.memory_space<vmem>> -> memref<1x125xi32, #tpu.memory_space<vmem>>
    %dma_wait3A_138 = tpu.memref_squeeze %dma_wait3A_137 : memref<1x125xi32, #tpu.memory_space<vmem>> -> memref<125xi32, #tpu.memory_space<vmem>>
    %dma_wait3A_139 = arith.constant 0 : i32
    %dma_wait3A_140 = arith.constant 0 : i32
    %dma_wait3A_141 = tpu.memref_slice %arg14[%dma_wait3A_139, %dma_wait3A_140] : memref<10240x64xf32, #tpu.memory_space<vmem_shared>> -> memref<10240x64xf32, #tpu.memory_space<vmem_shared>>
    tpu.wait_indirect_dma semaphore(%arg21 : memref<!tpu.dma_semaphore, #tpu.memory_space<semaphore_mem>>) src(%arg11 : memref<125x64xf32, #tpu.memory_space<vmem>>) dst(%dma_wait3A_141 : memref<10240x64xf32, #tpu.memory_space<vmem_shared>>)
    %dma_wait3A_142 = arith.constant 159 : i32
    %dma_wait3A_143 = arith.constant 0 : i32
    %dma_wait3A_144 = tpu.memref_slice %arg8[%dma_wait3A_142, %dma_wait3A_143] : memref<160x125xi32, #tpu.memory_space<vmem>> -> memref<1x125xi32, #tpu.memory_space<vmem>>
    %dma_wait3A_145 = tpu.memref_squeeze %dma_wait3A_144 : memref<1x125xi32, #tpu.memory_space<vmem>> -> memref<125xi32, #tpu.memory_space<vmem>>
    %dma_wait3A_146 = arith.constant 0 : i32
    %dma_wait3A_147 = arith.constant 0 : i32
    %dma_wait3A_148 = tpu.memref_slice %arg14[%dma_wait3A_146, %dma_wait3A_147] : memref<10240x64xf32, #tpu.memory_space<vmem_shared>> -> memref<10240x64xf32, #tpu.memory_space<vmem_shared>>
    tpu.wait_indirect_dma semaphore(%arg22 : memref<!tpu.dma_semaphore, #tpu.memory_space<semaphore_mem>>) src(%arg12 : memref<125x64xf32, #tpu.memory_space<vmem>>) dst(%dma_wait3A_148 : memref<10240x64xf32, #tpu.memory_space<vmem_shared>>)
    %barrier3A_149 = arith.constant 0 : index
    tpu.barrier barrier_id(%barrier3A_149)
    %add3A_150 = arith.constant 0 : i32
    %add3A_151 = arith.addi %mul3A_0, %add3A_150 : i32
    "tpu.region"() ({
      %run_scoped3A = tpu.sem_alloc : memref<!tpu.dma_semaphore, #tpu.memory_space<semaphore_mem>>
      %dma_start3A_170 = arith.constant 0 : i32
      %dma_start3A_171 = tpu.memref_slice %arg14[%add3A_151, %dma_start3A_170] : memref<10240x64xf32, #tpu.memory_space<vmem_shared>> -> memref<128x64xf32, #tpu.memory_space<vmem_shared>>
      %dma_start3A_172 = arith.constant 0 : i32
      %dma_start3A_173 = tpu.memref_slice %arg14[%add3A_151, %dma_start3A_172] : memref<10240x64xf32, #tpu.memory_space<vmem_shared>> -> memref<128x64xf32, #tpu.memory_space<vmem_shared>>
      tpu.enqueue_dma source(%dma_start3A_173 : memref<128x64xf32, #tpu.memory_space<vmem_shared>>) target(%arg13 : memref<128x64xf32, #tpu.memory_space<vmem>>) target_semaphore(%run_scoped3A : memref<!tpu.dma_semaphore, #tpu.memory_space<semaphore_mem>>)
      %dma_wait3A_174 = arith.constant 0 : i32
      %dma_wait3A_175 = tpu.memref_slice %arg14[%add3A_151, %dma_wait3A_174] : memref<10240x64xf32, #tpu.memory_space<vmem_shared>> -> memref<128x64xf32, #tpu.memory_space<vmem_shared>>
      %dma_wait3A_176 = arith.constant 0 : i32
      %dma_wait3A_177 = tpu.memref_slice %arg14[%add3A_151, %dma_wait3A_176] : memref<10240x64xf32, #tpu.memory_space<vmem_shared>> -> memref<128x64xf32, #tpu.memory_space<vmem_shared>>
      tpu.wait_dma2 semaphore(%run_scoped3A : memref<!tpu.dma_semaphore, #tpu.memory_space<semaphore_mem>>) src(%dma_wait3A_177 : memref<128x64xf32, #tpu.memory_space<vmem_shared>>) dst(%arg13 : memref<128x64xf32, #tpu.memory_space<vmem>>)
      tpu.yield
    }) : () -> ()
    %add3A_152 = arith.constant 0 : i32
    %add3A_153 = arith.addi %mul3A_0, %add3A_152 : i32
    "tpu.region"() ({
      %run_scoped3A = tpu.sem_alloc : memref<!tpu.dma_semaphore, #tpu.memory_space<semaphore_mem>>
      %dma_start3A_170 = arith.constant 0 : i32
      %dma_start3A_171 = tpu.memref_slice %arg6[%arg0, %add3A_153, %dma_start3A_170] : memref<2x10240x64xf32, #tpu.memory_space<hbm>> -> memref<1x128x64xf32, #tpu.memory_space<hbm>>
      %dma_start3A_172 = tpu.memref_squeeze %dma_start3A_171 : memref<1x128x64xf32, #tpu.memory_space<hbm>> -> memref<128x64xf32, #tpu.memory_space<hbm>>
      %dma_start3A_173 = arith.constant 0 : i32
      %dma_start3A_174 = tpu.memref_slice %arg6[%arg0, %add3A_153, %dma_start3A_173] : memref<2x10240x64xf32, #tpu.memory_space<hbm>> -> memref<1x128x64xf32, #tpu.memory_space<hbm>>
      %dma_start3A_175 = tpu.memref_squeeze %dma_start3A_174 : memref<1x128x64xf32, #tpu.memory_space<hbm>> -> memref<128x64xf32, #tpu.memory_space<hbm>>
      tpu.enqueue_dma source(%arg13 : memref<128x64xf32, #tpu.memory_space<vmem>>) target(%dma_start3A_175 : memref<128x64xf32, #tpu.memory_space<hbm>>) target_semaphore(%run_scoped3A : memref<!tpu.dma_semaphore, #tpu.memory_space<semaphore_mem>>)
      %dma_wait3A_176 = arith.constant 0 : i32
      %dma_wait3A_177 = tpu.memref_slice %arg6[%arg0, %add3A_153, %dma_wait3A_176] : memref<2x10240x64xf32, #tpu.memory_space<hbm>> -> memref<1x128x64xf32, #tpu.memory_space<hbm>>
      %dma_wait3A_178 = tpu.memref_squeeze %dma_wait3A_177 : memref<1x128x64xf32, #tpu.memory_space<hbm>> -> memref<128x64xf32, #tpu.memory_space<hbm>>
      %dma_wait3A_179 = arith.constant 0 : i32
      %dma_wait3A_180 = tpu.memref_slice %arg6[%arg0, %add3A_153, %dma_wait3A_179] : memref<2x10240x64xf32, #tpu.memory_space<hbm>> -> memref<1x128x64xf32, #tpu.memory_space<hbm>>
      %dma_wait3A_181 = tpu.memref_squeeze %dma_wait3A_180 : memref<1x128x64xf32, #tpu.memory_space<hbm>> -> memref<128x64xf32, #tpu.memory_space<hbm>>
      tpu.wait_dma2 semaphore(%run_scoped3A : memref<!tpu.dma_semaphore, #tpu.memory_space<semaphore_mem>>) src(%arg13 : memref<128x64xf32, #tpu.memory_space<vmem>>) dst(%dma_wait3A_181 : memref<128x64xf32, #tpu.memory_space<hbm>>)
      tpu.yield
    }) : () -> ()
    %add3A_154 = arith.constant 128 : i32
    %add3A_155 = arith.addi %mul3A_0, %add3A_154 : i32
    "tpu.region"() ({
      %run_scoped3A = tpu.sem_alloc : memref<!tpu.dma_semaphore, #tpu.memory_space<semaphore_mem>>
      %dma_start3A_170 = arith.constant 0 : i32
      %dma_start3A_171 = tpu.memref_slice %arg14[%add3A_155, %dma_start3A_170] : memref<10240x64xf32, #tpu.memory_space<vmem_shared>> -> memref<128x64xf32, #tpu.memory_space<vmem_shared>>
      %dma_start3A_172 = arith.constant 0 : i32
      %dma_start3A_173 = tpu.memref_slice %arg14[%add3A_155, %dma_start3A_172] : memref<10240x64xf32, #tpu.memory_space<vmem_shared>> -> memref<128x64xf32, #tpu.memory_space<vmem_shared>>
      tpu.enqueue_dma source(%dma_start3A_173 : memref<128x64xf32, #tpu.memory_space<vmem_shared>>) target(%arg13 : memref<128x64xf32, #tpu.memory_space<vmem>>) target_semaphore(%run_scoped3A : memref<!tpu.dma_semaphore, #tpu.memory_space<semaphore_mem>>)
      %dma_wait3A_174 = arith.constant 0 : i32
      %dma_wait3A_175 = tpu.memref_slice %arg14[%add3A_155, %dma_wait3A_174] : memref<10240x64xf32, #tpu.memory_space<vmem_shared>> -> memref<128x64xf32, #tpu.memory_space<vmem_shared>>
      %dma_wait3A_176 = arith.constant 0 : i32
      %dma_wait3A_177 = tpu.memref_slice %arg14[%add3A_155, %dma_wait3A_176] : memref<10240x64xf32, #tpu.memory_space<vmem_shared>> -> memref<128x64xf32, #tpu.memory_space<vmem_shared>>
      tpu.wait_dma2 semaphore(%run_scoped3A : memref<!tpu.dma_semaphore, #tpu.memory_space<semaphore_mem>>) src(%dma_wait3A_177 : memref<128x64xf32, #tpu.memory_space<vmem_shared>>) dst(%arg13 : memref<128x64xf32, #tpu.memory_space<vmem>>)
      tpu.yield
    }) : () -> ()
    %add3A_156 = arith.constant 128 : i32
    %add3A_157 = arith.addi %mul3A_0, %add3A_156 : i32
    "tpu.region"() ({
      %run_scoped3A = tpu.sem_alloc : memref<!tpu.dma_semaphore, #tpu.memory_space<semaphore_mem>>
      %dma_start3A_170 = arith.constant 0 : i32
      %dma_start3A_171 = tpu.memref_slice %arg6[%arg0, %add3A_157, %dma_start3A_170] : memref<2x10240x64xf32, #tpu.memory_space<hbm>> -> memref<1x128x64xf32, #tpu.memory_space<hbm>>
      %dma_start3A_172 = tpu.memref_squeeze %dma_start3A_171 : memref<1x128x64xf32, #tpu.memory_space<hbm>> -> memref<128x64xf32, #tpu.memory_space<hbm>>
      %dma_start3A_173 = arith.constant 0 : i32
      %dma_start3A_174 = tpu.memref_slice %arg6[%arg0, %add3A_157, %dma_start3A_173] : memref<2x10240x64xf32, #tpu.memory_space<hbm>> -> memref<1x128x64xf32, #tpu.memory_space<hbm>>
      %dma_start3A_175 = tpu.memref_squeeze %dma_start3A_174 : memref<1x128x64xf32, #tpu.memory_space<hbm>> -> memref<128x64xf32, #tpu.memory_space<hbm>>
      tpu.enqueue_dma source(%arg13 : memref<128x64xf32, #tpu.memory_space<vmem>>) target(%dma_start3A_175 : memref<128x64xf32, #tpu.memory_space<hbm>>) target_semaphore(%run_scoped3A : memref<!tpu.dma_semaphore, #tpu.memory_space<semaphore_mem>>)
      %dma_wait3A_176 = arith.constant 0 : i32
      %dma_wait3A_177 = tpu.memref_slice %arg6[%arg0, %add3A_157, %dma_wait3A_176] : memref<2x10240x64xf32, #tpu.memory_space<hbm>> -> memref<1x128x64xf32, #tpu.memory_space<hbm>>
      %dma_wait3A_178 = tpu.memref_squeeze %dma_wait3A_177 : memref<1x128x64xf32, #tpu.memory_space<hbm>> -> memref<128x64xf32, #tpu.memory_space<hbm>>
      %dma_wait3A_179 = arith.constant 0 : i32
      %dma_wait3A_180 = tpu.memref_slice %arg6[%arg0, %add3A_157, %dma_wait3A_179] : memref<2x10240x64xf32, #tpu.memory_space<hbm>> -> memref<1x128x64xf32, #tpu.memory_space<hbm>>
      %dma_wait3A_181 = tpu.memref_squeeze %dma_wait3A_180 : memref<1x128x64xf32, #tpu.memory_space<hbm>> -> memref<128x64xf32, #tpu.memory_space<hbm>>
      tpu.wait_dma2 semaphore(%run_scoped3A : memref<!tpu.dma_semaphore, #tpu.memory_space<semaphore_mem>>) src(%arg13 : memref<128x64xf32, #tpu.memory_space<vmem>>) dst(%dma_wait3A_181 : memref<128x64xf32, #tpu.memory_space<hbm>>)
      tpu.yield
    }) : () -> ()
    %add3A_158 = arith.constant 256 : i32
    %add3A_159 = arith.addi %mul3A_0, %add3A_158 : i32
    "tpu.region"() ({
      %run_scoped3A = tpu.sem_alloc : memref<!tpu.dma_semaphore, #tpu.memory_space<semaphore_mem>>
      %dma_start3A_170 = arith.constant 0 : i32
      %dma_start3A_171 = tpu.memref_slice %arg14[%add3A_159, %dma_start3A_170] : memref<10240x64xf32, #tpu.memory_space<vmem_shared>> -> memref<128x64xf32, #tpu.memory_space<vmem_shared>>
      %dma_start3A_172 = arith.constant 0 : i32
      %dma_start3A_173 = tpu.memref_slice %arg14[%add3A_159, %dma_start3A_172] : memref<10240x64xf32, #tpu.memory_space<vmem_shared>> -> memref<128x64xf32, #tpu.memory_space<vmem_shared>>
      tpu.enqueue_dma source(%dma_start3A_173 : memref<128x64xf32, #tpu.memory_space<vmem_shared>>) target(%arg13 : memref<128x64xf32, #tpu.memory_space<vmem>>) target_semaphore(%run_scoped3A : memref<!tpu.dma_semaphore, #tpu.memory_space<semaphore_mem>>)
      %dma_wait3A_174 = arith.constant 0 : i32
      %dma_wait3A_175 = tpu.memref_slice %arg14[%add3A_159, %dma_wait3A_174] : memref<10240x64xf32, #tpu.memory_space<vmem_shared>> -> memref<128x64xf32, #tpu.memory_space<vmem_shared>>
      %dma_wait3A_176 = arith.constant 0 : i32
      %dma_wait3A_177 = tpu.memref_slice %arg14[%add3A_159, %dma_wait3A_176] : memref<10240x64xf32, #tpu.memory_space<vmem_shared>> -> memref<128x64xf32, #tpu.memory_space<vmem_shared>>
      tpu.wait_dma2 semaphore(%run_scoped3A : memref<!tpu.dma_semaphore, #tpu.memory_space<semaphore_mem>>) src(%dma_wait3A_177 : memref<128x64xf32, #tpu.memory_space<vmem_shared>>) dst(%arg13 : memref<128x64xf32, #tpu.memory_space<vmem>>)
      tpu.yield
    }) : () -> ()
    %add3A_160 = arith.constant 256 : i32
    %add3A_161 = arith.addi %mul3A_0, %add3A_160 : i32
    "tpu.region"() ({
      %run_scoped3A = tpu.sem_alloc : memref<!tpu.dma_semaphore, #tpu.memory_space<semaphore_mem>>
      %dma_start3A_170 = arith.constant 0 : i32
      %dma_start3A_171 = tpu.memref_slice %arg6[%arg0, %add3A_161, %dma_start3A_170] : memref<2x10240x64xf32, #tpu.memory_space<hbm>> -> memref<1x128x64xf32, #tpu.memory_space<hbm>>
      %dma_start3A_172 = tpu.memref_squeeze %dma_start3A_171 : memref<1x128x64xf32, #tpu.memory_space<hbm>> -> memref<128x64xf32, #tpu.memory_space<hbm>>
      %dma_start3A_173 = arith.constant 0 : i32
      %dma_start3A_174 = tpu.memref_slice %arg6[%arg0, %add3A_161, %dma_start3A_173] : memref<2x10240x64xf32, #tpu.memory_space<hbm>> -> memref<1x128x64xf32, #tpu.memory_space<hbm>>
      %dma_start3A_175 = tpu.memref_squeeze %dma_start3A_174 : memref<1x128x64xf32, #tpu.memory_space<hbm>> -> memref<128x64xf32, #tpu.memory_space<hbm>>
      tpu.enqueue_dma source(%arg13 : memref<128x64xf32, #tpu.memory_space<vmem>>) target(%dma_start3A_175 : memref<128x64xf32, #tpu.memory_space<hbm>>) target_semaphore(%run_scoped3A : memref<!tpu.dma_semaphore, #tpu.memory_space<semaphore_mem>>)
      %dma_wait3A_176 = arith.constant 0 : i32
      %dma_wait3A_177 = tpu.memref_slice %arg6[%arg0, %add3A_161, %dma_wait3A_176] : memref<2x10240x64xf32, #tpu.memory_space<hbm>> -> memref<1x128x64xf32, #tpu.memory_space<hbm>>
      %dma_wait3A_178 = tpu.memref_squeeze %dma_wait3A_177 : memref<1x128x64xf32, #tpu.memory_space<hbm>> -> memref<128x64xf32, #tpu.memory_space<hbm>>
      %dma_wait3A_179 = arith.constant 0 : i32
      %dma_wait3A_180 = tpu.memref_slice %arg6[%arg0, %add3A_161, %dma_wait3A_179] : memref<2x10240x64xf32, #tpu.memory_space<hbm>> -> memref<1x128x64xf32, #tpu.memory_space<hbm>>
      %dma_wait3A_181 = tpu.memref_squeeze %dma_wait3A_180 : memref<1x128x64xf32, #tpu.memory_space<hbm>> -> memref<128x64xf32, #tpu.memory_space<hbm>>
      tpu.wait_dma2 semaphore(%run_scoped3A : memref<!tpu.dma_semaphore, #tpu.memory_space<semaphore_mem>>) src(%arg13 : memref<128x64xf32, #tpu.memory_space<vmem>>) dst(%dma_wait3A_181 : memref<128x64xf32, #tpu.memory_space<hbm>>)
      tpu.yield
    }) : () -> ()
    %add3A_162 = arith.constant 384 : i32
    %add3A_163 = arith.addi %mul3A_0, %add3A_162 : i32
    "tpu.region"() ({
      %run_scoped3A = tpu.sem_alloc : memref<!tpu.dma_semaphore, #tpu.memory_space<semaphore_mem>>
      %dma_start3A_170 = arith.constant 0 : i32
      %dma_start3A_171 = tpu.memref_slice %arg14[%add3A_163, %dma_start3A_170] : memref<10240x64xf32, #tpu.memory_space<vmem_shared>> -> memref<128x64xf32, #tpu.memory_space<vmem_shared>>
      %dma_start3A_172 = arith.constant 0 : i32
      %dma_start3A_173 = tpu.memref_slice %arg14[%add3A_163, %dma_start3A_172] : memref<10240x64xf32, #tpu.memory_space<vmem_shared>> -> memref<128x64xf32, #tpu.memory_space<vmem_shared>>
      tpu.enqueue_dma source(%dma_start3A_173 : memref<128x64xf32, #tpu.memory_space<vmem_shared>>) target(%arg13 : memref<128x64xf32, #tpu.memory_space<vmem>>) target_semaphore(%run_scoped3A : memref<!tpu.dma_semaphore, #tpu.memory_space<semaphore_mem>>)
      %dma_wait3A_174 = arith.constant 0 : i32
      %dma_wait3A_175 = tpu.memref_slice %arg14[%add3A_163, %dma_wait3A_174] : memref<10240x64xf32, #tpu.memory_space<vmem_shared>> -> memref<128x64xf32, #tpu.memory_space<vmem_shared>>
      %dma_wait3A_176 = arith.constant 0 : i32
      %dma_wait3A_177 = tpu.memref_slice %arg14[%add3A_163, %dma_wait3A_176] : memref<10240x64xf32, #tpu.memory_space<vmem_shared>> -> memref<128x64xf32, #tpu.memory_space<vmem_shared>>
      tpu.wait_dma2 semaphore(%run_scoped3A : memref<!tpu.dma_semaphore, #tpu.memory_space<semaphore_mem>>) src(%dma_wait3A_177 : memref<128x64xf32, #tpu.memory_space<vmem_shared>>) dst(%arg13 : memref<128x64xf32, #tpu.memory_space<vmem>>)
      tpu.yield
    }) : () -> ()
    %add3A_164 = arith.constant 384 : i32
    %add3A_165 = arith.addi %mul3A_0, %add3A_164 : i32
    "tpu.region"() ({
      %run_scoped3A = tpu.sem_alloc : memref<!tpu.dma_semaphore, #tpu.memory_space<semaphore_mem>>
      %dma_start3A_170 = arith.constant 0 : i32
      %dma_start3A_171 = tpu.memref_slice %arg6[%arg0, %add3A_165, %dma_start3A_170] : memref<2x10240x64xf32, #tpu.memory_space<hbm>> -> memref<1x128x64xf32, #tpu.memory_space<hbm>>
      %dma_start3A_172 = tpu.memref_squeeze %dma_start3A_171 : memref<1x128x64xf32, #tpu.memory_space<hbm>> -> memref<128x64xf32, #tpu.memory_space<hbm>>
      %dma_start3A_173 = arith.constant 0 : i32
      %dma_start3A_174 = tpu.memref_slice %arg6[%arg0, %add3A_165, %dma_start3A_173] : memref<2x10240x64xf32, #tpu.memory_space<hbm>> -> memref<1x128x64xf32, #tpu.memory_space<hbm>>
      %dma_start3A_175 = tpu.memref_squeeze %dma_start3A_174 : memref<1x128x64xf32, #tpu.memory_space<hbm>> -> memref<128x64xf32, #tpu.memory_space<hbm>>
      tpu.enqueue_dma source(%arg13 : memref<128x64xf32, #tpu.memory_space<vmem>>) target(%dma_start3A_175 : memref<128x64xf32, #tpu.memory_space<hbm>>) target_semaphore(%run_scoped3A : memref<!tpu.dma_semaphore, #tpu.memory_space<semaphore_mem>>)
      %dma_wait3A_176 = arith.constant 0 : i32
      %dma_wait3A_177 = tpu.memref_slice %arg6[%arg0, %add3A_165, %dma_wait3A_176] : memref<2x10240x64xf32, #tpu.memory_space<hbm>> -> memref<1x128x64xf32, #tpu.memory_space<hbm>>
      %dma_wait3A_178 = tpu.memref_squeeze %dma_wait3A_177 : memref<1x128x64xf32, #tpu.memory_space<hbm>> -> memref<128x64xf32, #tpu.memory_space<hbm>>
      %dma_wait3A_179 = arith.constant 0 : i32
      %dma_wait3A_180 = tpu.memref_slice %arg6[%arg0, %add3A_165, %dma_wait3A_179] : memref<2x10240x64xf32, #tpu.memory_space<hbm>> -> memref<1x128x64xf32, #tpu.memory_space<hbm>>
      %dma_wait3A_181 = tpu.memref_squeeze %dma_wait3A_180 : memref<1x128x64xf32, #tpu.memory_space<hbm>> -> memref<128x64xf32, #tpu.memory_space<hbm>>
      tpu.wait_dma2 semaphore(%run_scoped3A : memref<!tpu.dma_semaphore, #tpu.memory_space<semaphore_mem>>) src(%arg13 : memref<128x64xf32, #tpu.memory_space<vmem>>) dst(%dma_wait3A_181 : memref<128x64xf32, #tpu.memory_space<hbm>>)
      tpu.yield
    }) : () -> ()
    %add3A_166 = arith.constant 512 : i32
    %add3A_167 = arith.addi %mul3A_0, %add3A_166 : i32
    "tpu.region"() ({
      %run_scoped3A = tpu.sem_alloc : memref<!tpu.dma_semaphore, #tpu.memory_space<semaphore_mem>>
      %dma_start3A_170 = arith.constant 0 : i32
      %dma_start3A_171 = tpu.memref_slice %arg14[%add3A_167, %dma_start3A_170] : memref<10240x64xf32, #tpu.memory_space<vmem_shared>> -> memref<128x64xf32, #tpu.memory_space<vmem_shared>>
      %dma_start3A_172 = arith.constant 0 : i32
      %dma_start3A_173 = tpu.memref_slice %arg14[%add3A_167, %dma_start3A_172] : memref<10240x64xf32, #tpu.memory_space<vmem_shared>> -> memref<128x64xf32, #tpu.memory_space<vmem_shared>>
      tpu.enqueue_dma source(%dma_start3A_173 : memref<128x64xf32, #tpu.memory_space<vmem_shared>>) target(%arg13 : memref<128x64xf32, #tpu.memory_space<vmem>>) target_semaphore(%run_scoped3A : memref<!tpu.dma_semaphore, #tpu.memory_space<semaphore_mem>>)
      %dma_wait3A_174 = arith.constant 0 : i32
      %dma_wait3A_175 = tpu.memref_slice %arg14[%add3A_167, %dma_wait3A_174] : memref<10240x64xf32, #tpu.memory_space<vmem_shared>> -> memref<128x64xf32, #tpu.memory_space<vmem_shared>>
      %dma_wait3A_176 = arith.constant 0 : i32
      %dma_wait3A_177 = tpu.memref_slice %arg14[%add3A_167, %dma_wait3A_176] : memref<10240x64xf32, #tpu.memory_space<vmem_shared>> -> memref<128x64xf32, #tpu.memory_space<vmem_shared>>
      tpu.wait_dma2 semaphore(%run_scoped3A : memref<!tpu.dma_semaphore, #tpu.memory_space<semaphore_mem>>) src(%dma_wait3A_177 : memref<128x64xf32, #tpu.memory_space<vmem_shared>>) dst(%arg13 : memref<128x64xf32, #tpu.memory_space<vmem>>)
      tpu.yield
    }) : () -> ()
    %add3A_168 = arith.constant 512 : i32
    %add3A_169 = arith.addi %mul3A_0, %add3A_168 : i32
    "tpu.region"() ({
      %run_scoped3A = tpu.sem_alloc : memref<!tpu.dma_semaphore, #tpu.memory_space<semaphore_mem>>
      %dma_start3A_170 = arith.constant 0 : i32
      %dma_start3A_171 = tpu.memref_slice %arg6[%arg0, %add3A_169, %dma_start3A_170] : memref<2x10240x64xf32, #tpu.memory_space<hbm>> -> memref<1x128x64xf32, #tpu.memory_space<hbm>>
      %dma_start3A_172 = tpu.memref_squeeze %dma_start3A_171 : memref<1x128x64xf32, #tpu.memory_space<hbm>> -> memref<128x64xf32, #tpu.memory_space<hbm>>
      %dma_start3A_173 = arith.constant 0 : i32
      %dma_start3A_174 = tpu.memref_slice %arg6[%arg0, %add3A_169, %dma_start3A_173] : memref<2x10240x64xf32, #tpu.memory_space<hbm>> -> memref<1x128x64xf32, #tpu.memory_space<hbm>>
      %dma_start3A_175 = tpu.memref_squeeze %dma_start3A_174 : memref<1x128x64xf32, #tpu.memory_space<hbm>> -> memref<128x64xf32, #tpu.memory_space<hbm>>
      tpu.enqueue_dma source(%arg13 : memref<128x64xf32, #tpu.memory_space<vmem>>) target(%dma_start3A_175 : memref<128x64xf32, #tpu.memory_space<hbm>>) target_semaphore(%run_scoped3A : memref<!tpu.dma_semaphore, #tpu.memory_space<semaphore_mem>>)
      %dma_wait3A_176 = arith.constant 0 : i32
      %dma_wait3A_177 = tpu.memref_slice %arg6[%arg0, %add3A_169, %dma_wait3A_176] : memref<2x10240x64xf32, #tpu.memory_space<hbm>> -> memref<1x128x64xf32, #tpu.memory_space<hbm>>
      %dma_wait3A_178 = tpu.memref_squeeze %dma_wait3A_177 : memref<1x128x64xf32, #tpu.memory_space<hbm>> -> memref<128x64xf32, #tpu.memory_space<hbm>>
      %dma_wait3A_179 = arith.constant 0 : i32
      %dma_wait3A_180 = tpu.memref_slice %arg6[%arg0, %add3A_169, %dma_wait3A_179] : memref<2x10240x64xf32, #tpu.memory_space<hbm>> -> memref<1x128x64xf32, #tpu.memory_space<hbm>>
      %dma_wait3A_181 = tpu.memref_squeeze %dma_wait3A_180 : memref<1x128x64xf32, #tpu.memory_space<hbm>> -> memref<128x64xf32, #tpu.memory_space<hbm>>
      tpu.wait_dma2 semaphore(%run_scoped3A : memref<!tpu.dma_semaphore, #tpu.memory_space<semaphore_mem>>) src(%arg13 : memref<128x64xf32, #tpu.memory_space<vmem>>) dst(%dma_wait3A_181 : memref<128x64xf32, #tpu.memory_space<hbm>>)
      tpu.yield
    }) : () -> ()
    return
  }
}

module attributes {stable_mosaic.version = 14 : i64} {
  func.func @_inv_body(%arg0: memref<2x2x10240xf32, #tpu.memory_space<vmem>>, %arg1: memref<2x10240xf32, #tpu.memory_space<vmem>>) attributes {dimension_semantics = [], scalar_prefetch = 0 : i64, scratch_operands = 0 : i64, tpu.core_type = #tpu.core_type<tc>} {
    %get3A = arith.constant 0 : index
    %get3A_0 = arith.constant 0 : index
    %get3A_1 = arith.constant 0 : index
    %get3A_2 = vector.load %arg0[%get3A, %get3A_0, %get3A_1] : memref<2x2x10240xf32, #tpu.memory_space<vmem>>, vector<1x2x10240xf32>
    %get3A_3 = vector.shape_cast %get3A_2 : vector<1x2x10240xf32> to vector<2x10240xf32>
    %get3A_4 = arith.constant 1 : index
    %get3A_5 = arith.constant 0 : index
    %get3A_6 = arith.constant 0 : index
    %get3A_7 = vector.load %arg0[%get3A_4, %get3A_5, %get3A_6] : memref<2x2x10240xf32, #tpu.memory_space<vmem>>, vector<1x2x10240xf32>
    %get3A_8 = vector.shape_cast %get3A_7 : vector<1x2x10240xf32> to vector<2x10240xf32>
    %add3A = arith.addf %get3A_3, %get3A_8 : vector<2x10240xf32>
    %max3A = arith.constant 1.000000e+00 : f32
    %max3A_9 = vector.broadcast %max3A : f32 to vector<2x10240xf32>
    %max3A_10 = arith.maximumf %add3A, %max3A_9 : vector<2x10240xf32>
    %rsqrt3A = math.rsqrt %max3A_10 : vector<2x10240xf32>
    %swap3A = arith.constant 0 : index
    %swap3A_11 = arith.constant 0 : index
    %swap3A_12 = vector.load %arg1[%swap3A, %swap3A_11] : memref<2x10240xf32, #tpu.memory_space<vmem>>, vector<2x10240xf32>
    tpu.vector_store %arg1[%swap3A, %swap3A_11], %rsqrt3A {strides = array<i32>} : memref<2x10240xf32, #tpu.memory_space<vmem>>, vector<2x10240xf32>,
    return
  }
}

module attributes {stable_mosaic.version = 14 : i64} {
  func.func @_mm1_body(%arg0: i32, %arg1: memref<2000x128xf32, #tpu.memory_space<vmem>>, %arg2: memref<2000x1xf32, #tpu.memory_space<vmem>>, %arg3: memref<128x128xf32, #tpu.memory_space<vmem>>, %arg4: memref<2000x128xf32, #tpu.memory_space<vmem>>) attributes {dimension_semantics = [#tpu.dimension_semantics<arbitrary>], iteration_bounds = array<i64: 5>, scalar_prefetch = 0 : i64, scratch_operands = 0 : i64, tpu.core_type = #tpu.core_type<tc>, window_params = [{transform_indices = @transform_0, window_bounds = array<i64: 2000, 128>}, {transform_indices = @transform_1, window_bounds = array<i64: 2000, 1>}, {pipeline_mode = #tpu.pipeline_mode<synchronous>, transform_indices = @transform_2, window_bounds = array<i64: 128, 128>}, {transform_indices = @transform_3, window_bounds = array<i64: 2000, 128>}]} {
    %get3A = arith.constant 0 : index
    %get3A_0 = arith.constant 0 : index
    %get3A_1 = vector.load %arg1[%get3A, %get3A_0] : memref<2000x128xf32, #tpu.memory_space<vmem>>, vector<2000x128xf32>
    %get3A_2 = arith.constant 0 : index
    %get3A_3 = arith.constant 0 : index
    %get3A_4 = vector.load %arg2[%get3A_2, %get3A_3] : memref<2000x1xf32, #tpu.memory_space<vmem>>, vector<2000x1xf32>
    %mul3A = vector.broadcast %get3A_4 : vector<2000x1xf32> to vector<2000x128xf32>
    %mul3A_5 = arith.mulf %get3A_1, %mul3A : vector<2000x128xf32>
    %get3A_6 = arith.constant 0 : index
    %get3A_7 = arith.constant 0 : index
    %get3A_8 = vector.load %arg3[%get3A_6, %get3A_7] : memref<128x128xf32, #tpu.memory_space<vmem>>, vector<128x128xf32>
    %dot_general3A = arith.constant dense<0.000000e+00> : vector<2000x128xf32>
    %dot_general3A_9 = tpu.matmul %mul3A_5, %get3A_8, %dot_general3A {dimension_numbers = #tpu.dot_dimension_numbers<[1], [0], [0], [1], [0, 0, 1, 1], [], []>, transpose_lhs_hint = false} : vector<2000x128xf32>, vector<128x128xf32>, vector<2000x128xf32> -> vector<2000x128xf32>
    %swap3A = arith.constant 0 : index
    %swap3A_10 = arith.constant 0 : index
    %swap3A_11 = vector.load %arg4[%swap3A, %swap3A_10] : memref<2000x128xf32, #tpu.memory_space<vmem>>, vector<2000x128xf32>
    tpu.vector_store %arg4[%swap3A, %swap3A_10], %dot_general3A_9 {strides = array<i32>} : memref<2000x128xf32, #tpu.memory_space<vmem>>, vector<2000x128xf32>,
    return
  }
  func.func @transform_0(%arg0: i32) -> (i32, i32) {
    %c0_i32 = arith.constant 0 : i32
    %c0_i32_0 = arith.constant 0 : i32
    return %arg0, %c0_i32 : i32, i32
  }
  func.func @transform_1(%arg0: i32) -> (i32, i32) {
    %c0_i32 = arith.constant 0 : i32
    %c0_i32_0 = arith.constant 0 : i32
    return %arg0, %c0_i32 : i32, i32
  }
  func.func @transform_2(%arg0: i32) -> (i32, i32) {
    %c0_i32 = arith.constant 0 : i32
    %c0_i32_0 = arith.constant 0 : i32
    %c0_i32_1 = arith.constant 0 : i32
    return %c0_i32, %c0_i32_0 : i32, i32
  }
  func.func @transform_3(%arg0: i32) -> (i32, i32) {
    %c0_i32 = arith.constant 0 : i32
    %c0_i32_0 = arith.constant 0 : i32
    return %arg0, %c0_i32 : i32, i32
  }
}

module attributes {stable_mosaic.version = 14 : i64} {
  func.func @_mid_body(%arg0: i32, %arg1: memref<2x2000x64xf32, #tpu.memory_space<vmem>>, %arg2: memref<2000x1xf32, #tpu.memory_space<vmem>>, %arg3: memref<1x128xf32, #tpu.memory_space<vmem>>, %arg4: memref<2000x1xf32, #tpu.memory_space<vmem>>, %arg5: memref<128x128xf32, #tpu.memory_space<vmem>>, %arg6: memref<2000x128xf32, #tpu.memory_space<vmem>>) attributes {dimension_semantics = [#tpu.dimension_semantics<arbitrary>], iteration_bounds = array<i64: 5>, scalar_prefetch = 0 : i64, scratch_operands = 0 : i64, tpu.core_type = #tpu.core_type<tc>, window_params = [{transform_indices = @transform_0, window_bounds = array<i64: 2, 2000, 64>}, {transform_indices = @transform_1, window_bounds = array<i64: 2000, 1>}, {pipeline_mode = #tpu.pipeline_mode<synchronous>, transform_indices = @transform_2, window_bounds = array<i64: 1, 128>}, {transform_indices = @transform_3, window_bounds = array<i64: 2000, 1>}, {pipeline_mode = #tpu.pipeline_mode<synchronous>, transform_indices = @transform_4, window_bounds = array<i64: 128, 128>}, {transform_indices = @transform_5, window_bounds = array<i64: 2000, 128>}]} {
    %get3A = arith.constant 0 : index
    %get3A_0 = arith.constant 0 : index
    %get3A_1 = arith.constant 0 : index
    %get3A_2 = vector.load %arg1[%get3A, %get3A_0, %get3A_1] : memref<2x2000x64xf32, #tpu.memory_space<vmem>>, vector<1x2000x64xf32>
    %get3A_3 = vector.shape_cast %get3A_2 : vector<1x2000x64xf32> to vector<2000x64xf32>
    %get3A_4 = arith.constant 1 : index
    %get3A_5 = arith.constant 0 : index
    %get3A_6 = arith.constant 0 : index
    %get3A_7 = vector.load %arg1[%get3A_4, %get3A_5, %get3A_6] : memref<2x2000x64xf32, #tpu.memory_space<vmem>>, vector<1x2000x64xf32>
    %get3A_8 = vector.shape_cast %get3A_7 : vector<1x2000x64xf32> to vector<2000x64xf32>
    %concatenate3A = tpu.concatenate %get3A_3, %get3A_8 in 1 : vector<2000x64xf32>, vector<2000x64xf32> -> vector<2000x128xf32>
    %get3A_9 = arith.constant 0 : index
    %get3A_10 = arith.constant 0 : index
    %get3A_11 = vector.load %arg2[%get3A_9, %get3A_10] : memref<2000x1xf32, #tpu.memory_space<vmem>>, vector<2000x1xf32>
    %mul3A = vector.broadcast %get3A_11 : vector<2000x1xf32> to vector<2000x128xf32>
    %mul3A_12 = arith.mulf %concatenate3A, %mul3A : vector<2000x128xf32>
    %get3A_13 = arith.constant 0 : index
    %get3A_14 = arith.constant 0 : index
    %get3A_15 = vector.load %arg3[%get3A_13, %get3A_14] : memref<1x128xf32, #tpu.memory_space<vmem>>, vector<1x128xf32>
    %add3A = vector.broadcast %get3A_15 : vector<1x128xf32> to vector<2000x128xf32>
    %add3A_16 = arith.addf %mul3A_12, %add3A : vector<2000x128xf32>
    %max3A = arith.constant 0.000000e+00 : f32
    %max3A_17 = vector.broadcast %max3A : f32 to vector<2000x128xf32>
    %max3A_18 = arith.maximumf %add3A_16, %max3A_17 : vector<2000x128xf32>
    %get3A_19 = arith.constant 0 : index
    %get3A_20 = arith.constant 0 : index
    %get3A_21 = vector.load %arg4[%get3A_19, %get3A_20] : memref<2000x1xf32, #tpu.memory_space<vmem>>, vector<2000x1xf32>
    %mul3A_22 = vector.broadcast %get3A_21 : vector<2000x1xf32> to vector<2000x128xf32>
    %mul3A_23 = arith.mulf %max3A_18, %mul3A_22 : vector<2000x128xf32>
    %get3A_24 = arith.constant 0 : index
    %get3A_25 = arith.constant 0 : index
    %get3A_26 = vector.load %arg5[%get3A_24, %get3A_25] : memref<128x128xf32, #tpu.memory_space<vmem>>, vector<128x128xf32>
    %dot_general3A = arith.constant dense<0.000000e+00> : vector<2000x128xf32>
    %dot_general3A_27 = tpu.matmul %mul3A_23, %get3A_26, %dot_general3A {dimension_numbers = #tpu.dot_dimension_numbers<[1], [0], [0], [1], [0, 0, 1, 1], [], []>, transpose_lhs_hint = false} : vector<2000x128xf32>, vector<128x128xf32>, vector<2000x128xf32> -> vector<2000x128xf32>
    %swap3A = arith.constant 0 : index
    %swap3A_28 = arith.constant 0 : index
    %swap3A_29 = vector.load %arg6[%swap3A, %swap3A_28] : memref<2000x128xf32, #tpu.memory_space<vmem>>, vector<2000x128xf32>
    tpu.vector_store %arg6[%swap3A, %swap3A_28], %dot_general3A_27 {strides = array<i32>} : memref<2000x128xf32, #tpu.memory_space<vmem>>, vector<2000x128xf32>,
    return
  }
  func.func @transform_0(%arg0: i32) -> (i32, i32, i32) {
    %c0_i32 = arith.constant 0 : i32
    %c0_i32_0 = arith.constant 0 : i32
    %c0_i32_1 = arith.constant 0 : i32
    return %c0_i32, %arg0, %c0_i32_0 : i32, i32, i32
  }
  func.func @transform_1(%arg0: i32) -> (i32, i32) {
    %c0_i32 = arith.constant 0 : i32
    %c0_i32_0 = arith.constant 0 : i32
    return %arg0, %c0_i32 : i32, i32
  }
  func.func @transform_2(%arg0: i32) -> (i32, i32) {
    %c0_i32 = arith.constant 0 : i32
    %c0_i32_0 = arith.constant 0 : i32
    %c0_i32_1 = arith.constant 0 : i32
    return %c0_i32, %c0_i32_0 : i32, i32
  }
  func.func @transform_3(%arg0: i32) -> (i32, i32) {
    %c0_i32 = arith.constant 0 : i32
    %c0_i32_0 = arith.constant 0 : i32
    return %arg0, %c0_i32 : i32, i32
  }
  func.func @transform_4(%arg0: i32) -> (i32, i32) {
    %c0_i32 = arith.constant 0 : i32
    %c0_i32_0 = arith.constant 0 : i32
    %c0_i32_1 = arith.constant 0 : i32
    return %c0_i32, %c0_i32_0 : i32, i32
  }
  func.func @transform_5(%arg0: i32) -> (i32, i32) {
    %c0_i32 = arith.constant 0 : i32
    %c0_i32_0 = arith.constant 0 : i32
    return %arg0, %c0_i32 : i32, i32
  }
}

module attributes {stable_mosaic.version = 14 : i64} {
  func.func @_final_body(%arg0: i32, %arg1: memref<2x2000x16xf32, #tpu.memory_space<vmem>>, %arg2: memref<2000x1xf32, #tpu.memory_space<vmem>>, %arg3: memref<1x16xf32, #tpu.memory_space<vmem>>, %arg4: memref<2000x16xf32, #tpu.memory_space<vmem>>) attributes {dimension_semantics = [#tpu.dimension_semantics<arbitrary>], iteration_bounds = array<i64: 5>, scalar_prefetch = 0 : i64, scratch_operands = 0 : i64, tpu.core_type = #tpu.core_type<tc>, window_params = [{transform_indices = @transform_0, window_bounds = array<i64: 2, 2000, 16>}, {transform_indices = @transform_1, window_bounds = array<i64: 2000, 1>}, {pipeline_mode = #tpu.pipeline_mode<synchronous>, transform_indices = @transform_2, window_bounds = array<i64: 1, 16>}, {transform_indices = @transform_3, window_bounds = array<i64: 2000, 16>}]} {
    %get3A = arith.constant 0 : index
    %get3A_0 = arith.constant 0 : index
    %get3A_1 = arith.constant 0 : index
    %get3A_2 = vector.load %arg1[%get3A, %get3A_0, %get3A_1] : memref<2x2000x16xf32, #tpu.memory_space<vmem>>, vector<1x2000x16xf32>
    %get3A_3 = vector.shape_cast %get3A_2 : vector<1x2000x16xf32> to vector<2000x16xf32>
    %get3A_4 = arith.constant 1 : index
    %get3A_5 = arith.constant 0 : index
    %get3A_6 = arith.constant 0 : index
    %get3A_7 = vector.load %arg1[%get3A_4, %get3A_5, %get3A_6] : memref<2x2000x16xf32, #tpu.memory_space<vmem>>, vector<1x2000x16xf32>
    %get3A_8 = vector.shape_cast %get3A_7 : vector<1x2000x16xf32> to vector<2000x16xf32>
    %add3A = arith.addf %get3A_3, %get3A_8 : vector<2000x16xf32>
    %get3A_9 = arith.constant 0 : index
    %get3A_10 = arith.constant 0 : index
    %get3A_11 = vector.load %arg2[%get3A_9, %get3A_10] : memref<2000x1xf32, #tpu.memory_space<vmem>>, vector<2000x1xf32>
    %mul3A = vector.broadcast %get3A_11 : vector<2000x1xf32> to vector<2000x16xf32>
    %mul3A_12 = arith.mulf %add3A, %mul3A : vector<2000x16xf32>
    %get3A_13 = arith.constant 0 : index
    %get3A_14 = arith.constant 0 : index
    %get3A_15 = vector.load %arg3[%get3A_13, %get3A_14] : memref<1x16xf32, #tpu.memory_space<vmem>>, vector<1x16xf32>
    %add3A_16 = vector.broadcast %get3A_15 : vector<1x16xf32> to vector<2000x16xf32>
    %add3A_17 = arith.addf %mul3A_12, %add3A_16 : vector<2000x16xf32>
    %swap3A = arith.constant 0 : index
    %swap3A_18 = arith.constant 0 : index
    %swap3A_19 = vector.load %arg4[%swap3A, %swap3A_18] : memref<2000x16xf32, #tpu.memory_space<vmem>>, vector<2000x16xf32>
    tpu.vector_store %arg4[%swap3A, %swap3A_18], %add3A_17 {strides = array<i32>} : memref<2000x16xf32, #tpu.memory_space<vmem>>, vector<2000x16xf32>,
    return
  }
  func.func @transform_0(%arg0: i32) -> (i32, i32, i32) {
    %c0_i32 = arith.constant 0 : i32
    %c0_i32_0 = arith.constant 0 : i32
    %c0_i32_1 = arith.constant 0 : i32
    return %c0_i32, %arg0, %c0_i32_0 : i32, i32, i32
  }
  func.func @transform_1(%arg0: i32) -> (i32, i32) {
    %c0_i32 = arith.constant 0 : i32
    %c0_i32_0 = arith.constant 0 : i32
    return %arg0, %c0_i32 : i32, i32
  }
  func.func @transform_2(%arg0: i32) -> (i32, i32) {
    %c0_i32 = arith.constant 0 : i32
    %c0_i32_0 = arith.constant 0 : i32
    %c0_i32_1 = arith.constant 0 : i32
    return %c0_i32, %c0_i32_0 : i32, i32
  }
  func.func @transform_3(%arg0: i32) -> (i32, i32) {
    %c0_i32 = arith.constant 0 : i32
    %c0_i32_0 = arith.constant 0 : i32
    return %arg0, %c0_i32 : i32, i32
  }
}

</mosaic_0001>

<sc_bundles>
// kernel: closed_call.9.cloned.1.call-start
scs
__scs_entry_jumppad:
0x0: {  	(pc) =	sbr.rel $0x88, $3  }
0x1: {  	(tag) =	ssettag $0x0;
	lr =	simm.s32 $0x1  }
0x2: {  	[smem:$0x3F95] =	sst lr;
	_ =	strace $0xD0000000  }
0x3: {  	_ = 	snop  }
0x4: {  	_ = 	snop  }
0x5: {  	_ = 	snop  }
0x6: {  	_ = 	snop  }
0x7: {  	_ = 	snop  }
__scs_overlays_trampoline_lowered:
0x8: {  	[smem:$0x3FA4] =	sst s0  }
0x9: {  	[smem:$0x3FA5] =	sst s1  }
0xa: {  	[smem:$0x3FA6] =	sst s2  }
0xb: {  	[smem:$0x3FA7] =	sst s3  }
0xc: {  	[smem:$0x3FA8] =	sst s4  }
0xd: {  	[smem:$0x3FA9] =	sst s5  }
0xe: {  	[smem:$0x3FAA] =	sst s6  }
0xf: {  	[smem:$0x3FAB] =	sst s7  }
0x10: {  	[smem:$0x3FAC] =	sst s8  }
0x11: {  	[smem:$0x3FAD] =	sst s9;
	s0 =	simm.s32 @!p0 $0x0  }
0x12: {  	s1 =	sld [smem:$0x3F93];
	s0 =	simm.s32 @p0 $0x1  }
0x13: {  	[smem:$0x3FAE] =	sst s0;
	s0 =	simm.s32 @!p1 $0x0  }
0x14: {  	s2 =	sld [smem:$0x3F92];
	s0 =	simm.s32 @p1 $0x1  }
0x15: {  	[smem:$0x3FAF] =	sst s0;
	s0 =	simm.s32 @!p2 $0x0  }
0x16: {  	s3 =	sld [smem:$0x3FDB];
	s0 =	simm.s32 @p2 $0x1  }
0x17: {  	s4 =	simm.s32 $0x1BF5;
	[smem:$0x3FB1] =	sst s0  }
0x18: {  	s0 =	sld [smem:$0x3F94];
	_ =	swait.ge [sflag:s4], $0x0  }
0x19: {  	s7 =	sld [smem:$0x3F95]  }
0x1a: {  	s8 =	sadd.s32 $0xFFFFE003, lr  }
0x1b: {  	s9 =	sadd.s32 $0xFFFFFEF7, lr;
	s5 =	simm.s32 $0xFFFFFFFF;
	p2 =	slt.u32 s8, $0xFFFFF086  }
0x1c: {  	p1 =	slt.u32 s9, $0xF7A;
	s5 =	simm.s32 @!p2 $0x0  }
0x1d: {  	s5 =	simm.s32 @p1 $0x1;
	p0 =	seq.s32 s7, s2  }
0x1e: {  	s7 =	smul.u32 @!p0 $0xF7A, s2;
	p2 =	seq.s32 @!p0 s5, $0x0  }
0x1f: {  	s9 =	smul.u32 $0xF7A, s1;
	s8 =	simm.s32 @!p0 $0x1BF5;
	p2 =	por !p2, p0  }
0x20: {  	[sflag:s8] =	ssyncset.s32 @!p0 $0xFFFFF086;
	s6 =	sadd.s32 @!p0 s3, s7;
	s7 =	simm.s32 @!p0 $0x108  }
0x21: {  	s3 =	sadd.s32 s3, s9;
	s6 =	sadd.s32 @!p0 $0x88, s6;
	s7 =	simm.s32 @p2 $0x1082  }
0x22: {  	[simem:s7], [sflag:s8] =	dma.local @!p0 [hbm:s6], $0xF7A  }
0x23: {  	s9 =	sor.u32 $0xD0000000, s2;
	s6 =	simm.s32 $0x108;
	_ =	swait.ge @!p0 [sflag:s8], $0x0  }
0x24: {  	s3 =	sadd.s32 $0x88, s3;
	s6 =	simm.s32 @!p1 $0x1082;
	[sflag:s4] =	ssyncset.s32 $0xFFFFF086  }
0x25: {  	[simem:s6], [sflag:s4] =	dma.local [hbm:s3], $0xF7A  }
0x26: {  	[smem:$0x3F95] =	sst s1;
	(tag) =	ssettag s2;
	_ =	strace s9  }
0x27: {  	s1 =	sld [smem:$0x3FA5]  }
0x28: {  	s2 =	sld [smem:$0x3FA6]  }
0x29: {  	s4 =	sld [smem:$0x3FA8]  }
0x2a: {  	p0 =	seq.s32 s5, $0x0;
	s5 =	sld [smem:$0x3FA9]  }
0x2b: {  	s6 =	sld [smem:$0x3FAA]  }
0x2c: {  	s7 =	sld [smem:$0x3FAB]  }
0x2d: {  	s3 =	simm.s32 $0x108;
	s8 =	sld [smem:$0x3FAC]  }
0x2e: {  	s3 =	simm.s32 @!p0 $0x1082;
	s9 =	sld [smem:$0x3FAD]  }
0x2f: {  	lr =	sadd.s32 s0, s3;
	s0 =	sld [smem:$0x3FA4]  }
0x30: {  	s3 =	sld [smem:$0x3FA7]  }
0x31: {  	[smem:$0x3FB0] =	sst s10  }
0x32: {  	s10 =	sld [smem:$0x3FAE];
	_ =	sdelay $0x3  }
0x33: {  	p0 =	seq.s32 s10, $0x1;
	s10 =	sld [smem:$0x3FB0];
	_ =	sdelay $0x3  }
0x34: {  	[smem:$0x3FB0] =	sst s10  }
0x35: {  	s10 =	sld [smem:$0x3FAF];
	_ =	sdelay $0x3  }
0x36: {  	p1 =	seq.s32 s10, $0x1;
	s10 =	sld [smem:$0x3FB0];
	_ =	sdelay $0x3  }
0x37: {  	[smem:$0x3FB0] =	sst s10  }
0x38: {  	s10 =	sld [smem:$0x3FB1]  }
0x39: {  	_ = 	snop;
	(pc) =	sbr.ind lr, $3  }
0x3a: {  	_ = 	snop  }
0x3b: {  	_ = 	snop  }
0x3c: {  	p2 =	seq.s32 s10, $0x1;
	s10 =	sld [smem:$0x3FB0]  }
0x3d: {  	_ =	shalt  }
0x3e: {  	_ =	shalt  }
0x3f: {  	_ =	shalt  }
0x40: {  	_ =	shalt  }
0x41: {  	_ =	shalt  }
0x42: {  	_ =	shalt  }
0x43: {  	_ =	shalt  }
0x44: {  	_ =	shalt  }
0x45: {  	_ =	shalt  }
0x46: {  	_ =	shalt  }
0x47: {  	_ =	shalt  }
0x48: {  	_ =	shalt  }
0x49: {  	_ =	shalt  }
0x4a: {  	_ =	shalt  }
0x4b: {  	_ =	shalt  }
0x4c: {  	_ =	shalt  }
0x4d: {  	_ =	shalt  }
0x4e: {  	_ =	shalt  }
0x4f: {  	_ =	shalt  }
0x50: {  	_ =	shalt  }
0x51: {  	_ =	shalt  }
0x52: {  	_ =	shalt  }
0x53: {  	_ =	shalt  }
0x54: {  	_ =	shalt  }
0x55: {  	_ =	shalt  }
0x56: {  	_ =	shalt  }
0x57: {  	_ =	shalt  }
0x58: {  	_ =	shalt  }
0x59: {  	_ =	shalt  }
0x5a: {  	_ =	shalt  }
0x5b: {  	_ =	shalt  }
0x5c: {  	_ =	shalt  }
0x5d: {  	_ =	shalt  }
0x5e: {  	_ =	shalt  }
0x5f: {  	_ =	shalt  }
0x60: {  	_ =	shalt  }
0x61: {  	_ =	shalt  }
0x62: {  	_ =	shalt  }
0x63: {  	_ =	shalt  }
0x64: {  	_ =	shalt  }
0x65: {  	_ =	shalt  }
0x66: {  	_ =	shalt  }
0x67: {  	_ =	shalt  }
0x68: {  	_ =	shalt  }
0x69: {  	_ =	shalt  }
0x6a: {  	_ =	shalt  }
0x6b: {  	_ =	shalt  }
0x6c: {  	_ =	shalt  }
0x6d: {  	_ =	shalt  }
0x6e: {  	_ =	shalt  }
0x6f: {  	_ =	shalt  }
0x70: {  	_ =	shalt  }
0x71: {  	_ =	shalt  }
0x72: {  	_ =	shalt  }
0x73: {  	_ =	shalt  }
0x74: {  	_ =	shalt  }
0x75: {  	_ =	shalt  }
0x76: {  	_ =	shalt  }
0x77: {  	_ =	shalt  }
0x78: {  	_ =	shalt  }
0x79: {  	_ =	shalt  }
0x7a: {  	_ =	shalt  }
0x7b: {  	_ =	shalt  }
0x7c: {  	_ =	shalt  }
0x7d: {  	_ =	shalt  }
0x7e: {  	_ =	shalt  }
0x7f: {  	_ =	shalt  }
0x80: {  	_ =	shalt  }
0x81: {  	_ =	shalt  }
0x82: {  	_ =	shalt  }
0x83: {  	_ =	shalt  }
0x84: {  	_ =	shalt  }
0x85: {  	_ =	shalt  }
0x86: {  	_ =	shalt  }
0x87: {  	_ =	shalt  }
.Lfunc_end0:
.L_simem_size_0:
called_computation_lowered:
.L_overlay_start_0:
0x88: {  	s2 =	sld [smem:$0x3FD9]  }
0x89: {  	s3 =	sld [smem:$0x3FFE];
	_ =	sdelay $0x1  }
0x8a: {  	s1 =	srdreg.scid  }
0x8b: {  	s0 =	sand.u32 $0x1, s1  }
0x8c: {  	s17 =	sshll.u32 s0, $0xA;
	s2 =	sadd.s32 s3, s2  }
0x8d: {  	s2 =	sadd.s32 s2, s17  }
0x8e: {  	[smem:$0x3FBC] =	sst s2  }
0x8f: {  	_ = 	snop  }
0x90: {  	s2 =	sld [smem:$0x3FD0];
	(tm) =	ssettm $0x1  }
0x91: {  	s18 =	sld [smem:$0x3FFB];
	_ =	sdelay $0x3  }
0x92: {  	_ =	strace s18  }
0x93: {  	s3 =	sld [smem:$0x3FFC];
	_ =	sdelay $0x3  }
0x94: {  	_ =	strace s3  }
0x95: {  	s3 =	sld [smem:$0x3FFD];
	_ =	sdelay $0x3  }
0x96: {  	_ =	strace s3  }
0x97: {  	_ =	strace $0x8FFFFFFF  }
0x98: {  	s19 =	sld [smem:$0x3FDB];
	_ =	sdelay $0x1  }
0x99: {  	s4 =	simm.s32 $_scs_section_size  }
0x9a: {  	s5 =	simm.s32 $_size__tile_overlayer_lowered;
	s6 =	simm.s32 $_tile_overlayer_lowered  }
0x9b: {  	s22 =	simm.s32 $0x1BFF;
	s21 =	sshll.u32 s6, $0x1;
	s3 =	sadd.s32 s4, s19  }
0x9c: {  	s7 =	simm.s32 $0x0;
	s20 =	sshll.u32 s5, $0x1;
	s5 =	sadd.s32 s21, s3  }
0x9d: {  	[timem:s7], [sflag:s22] =	dma.local [hbm:s5], s20  }
0x9e: {  	_ =	swait.ge [sflag:s22], s20  }
0x9f: {  	s4 =	ssub.s32 $0x0, s20;
	[sflag:s22] =	ssyncset.done $0x0  }
0xa0: {  	[sflag:s22] =	ssyncadd.s32 s4;
	_ =	sdelay $0x1  }
0xa1: {  	s23 =	simm.s32 $0x1B8B  }
0xa2: {  	_ =	swait.ge [sflag:s23], $0x1  }
0xa3: {  	[sflag:s23] =	ssyncset.done $0x0  }
0xa4: {  	s25 =	simm.s32 $0x1B8E;
	s24 =	sld [smem:$0x3FFE];
	[sflag:s23] =	ssyncadd.s32 $0xFFFFFFFF  }
0xa5: {  	s26 =	simm.s32 $execute0_lowered;
	[smem:$0x3FD2] =	sst s25  }
0xa6: {  	s5 =	sshll.u32 s26, $0x1;
	_ =	strace $0x8000004C;
	[dreg:$0x1] =	wrdreg $0xFFFFFFFF  }
0xa7: {  	s28 =	simm.s32 $_size_execute0_lowered;
	s3 =	sadd.s32 s3, s5;
	[dreg:$0x0] =	wrdreg $0x0  }
0xa8: {  	s5 =	sshll.u32 s28, $0x1;
	[dreg:$0x2] =	wrdreg s3  }
0xa9: {  	[dreg:$0x3] =	wrdreg s5  }
0xaa: {  	[dreg:$0x4] =	wrdreg $0xC0  }
0xab: {  	_ =	task [dreg:s7], $0x5FFFF  }
0xac: {  	[dreg:$0x1] =	wrdreg $0xFFFFFFFF  }
0xad: {  	[dreg:$0x0] =	wrdreg $0x60  }
0xae: {  	[dreg:$0x2] =	wrdreg s24  }
0xaf: {  	[dreg:$0x3] =	wrdreg s2  }
0xb0: {  	[dreg:$0x4] =	wrdreg $0x13D000  }
0xb1: {  	[dreg:$0x5] =	wrdreg $0x9  }
0xb2: {  	_ =	task.clear_ibuf [dreg:s7], $0x6FFFF;
	_ =	strace $0x9000004C  }
0xb3: {  	s29 =	simm.s32 $0x9;
	_ =	strace $0x8000004E  }
0xb4: {  	_ =	swait.ge [sflag:s29], $0x1  }
0xb5: {  	[sflag:s29] =	ssyncadd.s32 $0xFFFFFFFF  }
0xb6: {  	_ =	strace $0x9000004E  }
0xb7: {  	_ =	sfence  }
0xb8: {  	s30 =	sld [smem:$0x0];
	_ =	sdelay $0x2  }
0xb9: {  	s31 =	sshll.u32 s1, $0xD;
	s1 =	sshrl.u32 s1, $0x2  }
0xba: {  	s3 =	sand.u32 $0x4000, s31;
	s1 =	sadd.s32 s1, s30  }
0xbb: {  	s0 =	sor.u32 s3, s0;
	s1 =	sshll.u32 s1, $0x11  }
0xbc: {  	s0 =	sor.u32 s1, s0  }
0xbd: {  	s0 =	sadd.s32 $0x8F2B, s0  }
0xbe: {  	[sflag:s0] =	ssyncadd.remote.s32 $0x1  }
0xbf: {  	_ =	sfence.sel $0xFFFF  }
0xc0: {  	[dreg:$0x0] =	wrdreg $0xFFFFFFFF;
	(pc) =	sbr.abs _section_cstart, $3  }
0xc1: {  	[dreg:$0x1] =	wrdreg $0xFFFFFFFF  }
0xc2: {  	_ =	task.clear_ibuf [dreg:s7], $0x2FFFF;
	_ =	strace $0x9FFFFFFF  }
0xc3: {  	(tm) =	ssettm $0x7FFFFFFF  }
tec
execute0_lowered:
.L_overlay_start_1:
0x0: {  	(tag) =	ssettag $0x1  }
0x1: {  	s0 =	rddreg [dreg:$0x0]  }
0x2: {  	s1 =	srdreg.scid;
	s9 =	stileid.u32  }
0x3: {  	s3 =	rddreg [dreg:$0x2];
	s4 =	simm.s32 $0x0;
	s20 =	simm.s32 $0x11D00  }
0x4: {  	s21 =	simm.s32 $0x9;
	s28 =	simm.s32 $0xBF40;
	s30 =	simm.s32 $0xDE80  }
0x5: {  	s19 =	simm.s32 $0x5;
	s29 =	simm.s32 $0x7;
	s2 =	smul.u32 $0x5000, s9  }
0x6: {  	s31 =	simm.s32 $0x8;
	s1 =	sand.u32 $0x1, s1;
	s12 =	smul.u32 $0xA000, s9  }
0x7: {  	[smem:$0x7FF] =	sst s4;
	s5 =	smul.u32 $0x50000, s1;
	s7 =	ssub.s32 $0x2, s1  }
0x8: {  	_ =	strace $0x8000004D;
	s1 =	smul.u32 $0xA0000, s1;
	s8 =	sshrl.u32 s7, $0x1  }
0x9: {  	s22 =	sadd.s32 $0x2000, s12;
	s23 =	sadd.s32 $0x4000, s12;
	s13 =	sadd.s32 $0x6000, s12  }
0xa: {  	s15 =	sadd.s32 $0x8000, s12;
	s6 =	sadd.s32 s2, s5;
	s5 =	sadd.s32 $0x2A400, s0  }
0xb: {  	s2 =	sshrl.u32 s2, $0x3;
	s7 =	ssub.s32 s7, s8;
	s8 =	sadd.s32 s12, s3  }
0xc: {  	s9 =	sadd.s32 s22, s3;
	s10 =	sadd.s32 s23, s3;
	s11 =	sadd.s32 s13, s3  }
0xd: {  	s14 =	sadd.s32 s12, s1;
	s12 =	sadd.s32 s15, s3;
	s24 =	sadd.s32 s1, s23  }
0xe: {  	s25 =	sadd.s32 s1, s13;
	s23 =	simm.s32 $0x2;
	s6 =	sshrl.u32 s6, $0x3  }
0xf: {  	s2 =	sadd.s32 s2, s0;
	s14 =	sshrl.u32 s14, $0x3;
	s26 =	sshrl.u32 s25, $0x3  }
0x10: {  	s18 =	smax.u32 s7, $0x1;
	s25 =	simm.s32 $0xA000;
	s6 =	sadd.s32 s6, s0  }
0x11: {  	s0 =	sadd.s32 $0x5B600, s0;
	s2 =	sadd.s32 $0x51600, s2;
	s6 =	sadd.s32 $0x1E00, s6  }
0x12: {  	[dreg:$0x5] =	wrdreg s2;
	s2 =	sadd.s32 s1, s22;
	s14 =	sadd.s32 s0, s14  }
0x13: {  	s1 =	sadd.s32 s1, s15;
	s16 =	sadd.s32 s0, s26;
	s22 =	simm.s32 $0x1  }
0x14: {  	s26 =	simm.s32 $0x6;
	[dreg:$0x4] =	wrdreg s6;
	s2 =	sshrl.u32 s2, $0x3  }
0x15: {  	[dreg:$0x6] =	wrdreg s14;
	s1 =	sshrl.u32 s1, $0x3;
	s6 =	simm.s32 $0x0  }
0x16: {  	s2 =	sadd.s32 s0, s2;
	s17 =	sadd.s32 s0, s1;
	s1 =	simm.s32 $0xFDC0  }
0x17: {  	[dreg:$0x7] =	wrdreg s2;
	s2 =	sshrl.u32 s24, $0x3;
	s24 =	simm.s32 $0x7D  }
0x18: {  	s15 =	sadd.s32 s0, s2;
	s0 =	simm.s32 $0x3;
	s2 =	simm.s32 $0x4  }
.LBB2_1:
0x19: {  	s7 =	rddreg [dreg:$0x4]  }
0x1a: {  	[tilespmem:s4], [sflag:$0x1] =	stream.linear.gather [hbm4b:s7+s4], $0x5000, $0x38;
	[tilespmem:$0x1DD00] =	vst v63  }
0x1b: {  	s14 =	rddreg [dreg:$0x5];
	s13 =	simm.s32 $0x5000  }
0x1c: {  	[tilespmem:s13], [sflag:$0x2] =	stream.linear.gather [hbm4b:s14+s4], $0x5000, $0x38;
	[tilespmem:$0x1DD00] =	vst v63  }
0x1d: {  	s14 =	rddreg [dreg:$0x1]  }
0x1e: {  	[tilespmem:s20], [sflag:$0x9] =	stream.linear.gather [hbm4b:s14+s4], $0x2000, $0x38;
	[tilespmem:$0x1DD00] =	vst v63  }
0x1f: {  	_ =	swait.ge [sflag:s21], $0x2000  }
0x20: {  	[sflag:s21] =	ssyncset.done $0x0  }
0x21: {  	[sflag:s21] =	ssyncadd.s32 $0xFFFFE000  }
0x22: {  	[spmem:s8] =	stream.linear.scatter [tilespmem:s20], [sflag:$0x9], $0x2000, $0x38;
	[tilespmem:$0x1DD00] =	vst v63  }
0x23: {  	_ =	swait.ge [sflag:s21], $0x2000  }
0x24: {  	[sflag:s21] =	ssyncset.done $0x0  }
0x25: {  	[sflag:s21] =	ssyncadd.s32 $0xFFFFE000  }
0x26: {  	[spmem:s9] =	stream.linear.scatter [tilespmem:s20], [sflag:$0x9], $0x2000, $0x38;
	[tilespmem:$0x1DD00] =	vst v63  }
0x27: {  	_ =	swait.ge [sflag:s21], $0x2000  }
0x28: {  	[sflag:s21] =	ssyncset.done $0x0  }
0x29: {  	[sflag:s21] =	ssyncadd.s32 $0xFFFFE000  }
0x2a: {  	[spmem:s10] =	stream.linear.scatter [tilespmem:s20], [sflag:$0x9], $0x2000, $0x38;
	[tilespmem:$0x1DD00] =	vst v63  }
0x2b: {  	_ =	swait.ge [sflag:s21], $0x2000  }
0x2c: {  	[sflag:s21] =	ssyncset.done $0x0  }
0x2d: {  	[sflag:s21] =	ssyncadd.s32 $0xFFFFE000  }
0x2e: {  	[spmem:s11] =	stream.linear.scatter [tilespmem:s20], [sflag:$0x9], $0x2000, $0x38;
	[tilespmem:$0x1DD00] =	vst v63  }
0x2f: {  	_ =	swait.ge [sflag:s21], $0x2000  }
0x30: {  	[sflag:s21] =	ssyncset.done $0x0  }
0x31: {  	[sflag:s21] =	ssyncadd.s32 $0xFFFFE000  }
0x32: {  	[spmem:s12] =	stream.linear.scatter [tilespmem:s20], [sflag:$0x9], $0x2000, $0x38;
	[tilespmem:$0x1DD00] =	vst v63  }
0x33: {  	_ =	swait.ge [sflag:s21], $0x2000  }
0x34: {  	[sflag:s21] =	ssyncset.done $0x0  }
0x35: {  	[sflag:s21] =	ssyncadd.s32 $0xFFFFE000  }
0x36: {  	_ =	swait.ge [sflag:s22], $0x5000  }
0x37: {  	[sflag:s22] =	ssyncset.done $0x0  }
0x38: {  	[sflag:s22] =	ssyncadd.s32 $0xFFFFB000  }
0x39: {  	_ =	swait.ge [sflag:s23], $0x5000  }
0x3a: {  	[sflag:s23] =	ssyncset.done $0x0  }
0x3b: {  	[sflag:s23] =	ssyncadd.s32 $0xFFFFB000  }
0x3c: {  	[bflag:$0x0] =	sbarrier.arrive $0xFFFF  }
0x3d: {  	[tilespmem:s25], [sflag:$0x1] =	stream.indirect.gather [hbm4b:s5+s24], $0x40, s4, s24, $0xb8;
	[tilespmem:$0x1DD00] =	vst v63  }
0x3e: {  	s13 =	simm.s32 $0x80  }
0x3f: {  	[tilespmem:s28], [sflag:$0x2] =	stream.indirect.gather [hbm4b:s5+s24], $0x40, s13, s24, $0xb8;
	[tilespmem:$0x1DD00] =	vst v63  }
0x40: {  	s14 =	simm.s32 $0x100  }
0x41: {  	[tilespmem:s30], [sflag:$0x3] =	stream.indirect.gather [hbm4b:s5+s24], $0x40, s14, s24, $0xb8;
	[tilespmem:$0x1DD00] =	vst v63  }
0x42: {  	s13 =	simm.s32 $0x180  }
0x43: {  	[tilespmem:s1], [sflag:$0x4] =	stream.indirect.gather [hbm4b:s5+s24], $0x40, s13, s24, $0xb8;
	[tilespmem:$0x1DD00] =	vst v63  }
0x44: {  	_ =	swait.ge [sflag:s22], $0x1F40  }
0x45: {  	[sflag:s22] =	ssyncset.done $0x0  }
0x46: {  	s14 =	simm.s32 $0x5000;
	[sflag:s22] =	ssyncadd.s32 $0xFFFFE0C0  }
0x47: {  	[spmem:s3] =	stream.indirect.scatter.add.f32 [tilespmem:s25], [sflag:$0x5], $0x40, s14, s24, $0xb8;
	[tilespmem:$0x1DD00] =	vst v63  }
0x48: {  	_ =	swait.ge [sflag:s23], $0x1F40  }
0x49: {  	[sflag:s23] =	ssyncset.done $0x0  }
0x4a: {  	s13 =	simm.s32 $0x5080;
	[sflag:s23] =	ssyncadd.s32 $0xFFFFE0C0  }
0x4b: {  	[spmem:s3] =	stream.indirect.scatter.add.f32 [tilespmem:s28], [sflag:$0x6], $0x40, s13, s24, $0xb8;
	[tilespmem:$0x1DD00] =	vst v63  }
0x4c: {  	_ =	swait.ge [sflag:s0], $0x1F40  }
0x4d: {  	[sflag:s0] =	ssyncset.done $0x0  }
0x4e: {  	s14 =	simm.s32 $0x5100;
	[sflag:s0] =	ssyncadd.s32 $0xFFFFE0C0  }
0x4f: {  	[spmem:s3] =	stream.indirect.scatter.add.f32 [tilespmem:s30], [sflag:$0x7], $0x40, s14, s24, $0xb8;
	[tilespmem:$0x1DD00] =	vst v63  }
0x50: {  	_ =	swait.ge [sflag:s2], $0x1F40  }
0x51: {  	[sflag:s2] =	ssyncset.done $0x0  }
0x52: {  	s13 =	simm.s32 $0x5180;
	[sflag:s2] =	ssyncadd.s32 $0xFFFFE0C0  }
0x53: {  	[spmem:s3] =	stream.indirect.scatter.add.f32 [tilespmem:s1], [sflag:$0x8], $0x40, s13, s24, $0xb8;
	[tilespmem:$0x1DD00] =	vst v63  }
0x54: {  	_ =	swait.ge [sflag:s19], $0x1F40  }
0x55: {  	[sflag:s19] =	ssyncset.done $0x0  }
0x56: {  	s14 =	simm.s32 $0x200;
	[sflag:s19] =	ssyncadd.s32 $0xFFFFE0C0  }
0x57: {  	[tilespmem:s25], [sflag:$0x1] =	stream.indirect.gather [hbm4b:s5+s24], $0x40, s14, s24, $0xb8;
	[tilespmem:$0x1DD00] =	vst v63  }
0x58: {  	_ =	swait.ge [sflag:s26], $0x1F40  }
0x59: {  	[sflag:s26] =	ssyncset.done $0x0  }
0x5a: {  	s13 =	simm.s32 $0x280;
	[sflag:s26] =	ssyncadd.s32 $0xFFFFE0C0  }
0x5b: {  	[tilespmem:s28], [sflag:$0x2] =	stream.indirect.gather [hbm4b:s5+s24], $0x40, s13, s24, $0xb8;
	[tilespmem:$0x1DD00] =	vst v63  }
0x5c: {  	_ =	swait.ge [sflag:s29], $0x1F40  }
0x5d: {  	[sflag:s29] =	ssyncset.done $0x0  }
0x5e: {  	s14 =	simm.s32 $0x300;
	[sflag:s29] =	ssyncadd.s32 $0xFFFFE0C0  }
0x5f: {  	[tilespmem:s30], [sflag:$0x3] =	stream.indirect.gather [hbm4b:s5+s24], $0x40, s14, s24, $0xb8;
	[tilespmem:$0x1DD00] =	vst v63  }
0x60: {  	_ =	swait.ge [sflag:s31], $0x1F40  }
0x61: {  	[sflag:s31] =	ssyncset.done $0x0  }
0x62: {  	s7 =	simm.s32 $0x800;
	s13 =	simm.s32 $0x380;
	[sflag:s31] =	ssyncadd.s32 $0xFFFFE0C0  }
.LBB2_2:
0x63: {  	[tilespmem:s1], [sflag:$0x4] =	stream.indirect.gather [hbm4b:s5+s24], $0x40, s13, s24, $0xb8;
	[tilespmem:$0x1DD00] =	vst v63  }
0x64: {  	s13 =	smov.u32 s7  }
0x65: {  	p0 =	sne.s32 s7, $0x13000;
	s7 =	sadd.s32 $0x800, s7;
	_ =	swait.ge [sflag:s22], $0x1F40  }
0x66: {  	s13 =	sshra.s32 s13, $0x2;
	[sflag:s22] =	ssyncset.done $0x0  }
0x67: {  	s14 =	sadd.s32 $0x5000, s13;
	[sflag:s22] =	ssyncadd.s32 $0xFFFFE0C0  }
0x68: {  	[spmem:s3] =	stream.indirect.scatter.add.f32 [tilespmem:s25], [sflag:$0x5], $0x40, s14, s24, $0xb8;
	[tilespmem:$0x1DD00] =	vst v63  }
0x69: {  	_ =	swait.ge [sflag:s23], $0x1F40  }
0x6a: {  	[sflag:s23] =	ssyncset.done $0x0  }
0x6b: {  	s14 =	sadd.s32 $0x5080, s13;
	[sflag:s23] =	ssyncadd.s32 $0xFFFFE0C0  }
0x6c: {  	[spmem:s3] =	stream.indirect.scatter.add.f32 [tilespmem:s28], [sflag:$0x6], $0x40, s14, s24, $0xb8;
	[tilespmem:$0x1DD00] =	vst v63  }
0x6d: {  	_ =	swait.ge [sflag:s0], $0x1F40  }
0x6e: {  	[sflag:s0] =	ssyncset.done $0x0  }
0x6f: {  	s14 =	sadd.s32 $0x5100, s13;
	[sflag:s0] =	ssyncadd.s32 $0xFFFFE0C0  }
0x70: {  	[spmem:s3] =	stream.indirect.scatter.add.f32 [tilespmem:s30], [sflag:$0x7], $0x40, s14, s24, $0xb8;
	[tilespmem:$0x1DD00] =	vst v63  }
0x71: {  	_ =	swait.ge [sflag:s2], $0x1F40  }
0x72: {  	[sflag:s2] =	ssyncset.done $0x0  }
0x73: {  	s14 =	sadd.s32 $0x5180, s13;
	[sflag:s2] =	ssyncadd.s32 $0xFFFFE0C0  }
0x74: {  	[spmem:s3] =	stream.indirect.scatter.add.f32 [tilespmem:s1], [sflag:$0x8], $0x40, s14, s24, $0xb8;
	[tilespmem:$0x1DD00] =	vst v63  }
0x75: {  	_ =	swait.ge [sflag:s19], $0x1F40  }
0x76: {  	[sflag:s19] =	ssyncset.done $0x0  }
0x77: {  	s14 =	sadd.s32 $0x200, s13;
	[sflag:s19] =	ssyncadd.s32 $0xFFFFE0C0  }
0x78: {  	[tilespmem:s25], [sflag:$0x1] =	stream.indirect.gather [hbm4b:s5+s24], $0x40, s14, s24, $0xb8;
	[tilespmem:$0x1DD00] =	vst v63  }
0x79: {  	_ =	swait.ge [sflag:s26], $0x1F40  }
0x7a: {  	[sflag:s26] =	ssyncset.done $0x0  }
0x7b: {  	s14 =	sadd.s32 $0x280, s13;
	[sflag:s26] =	ssyncadd.s32 $0xFFFFE0C0  }
0x7c: {  	[tilespmem:s28], [sflag:$0x2] =	stream.indirect.gather [hbm4b:s5+s24], $0x40, s14, s24, $0xb8;
	[tilespmem:$0x1DD00] =	vst v63  }
0x7d: {  	_ =	swait.ge [sflag:s29], $0x1F40  }
0x7e: {  	[sflag:s29] =	ssyncset.done $0x0  }
.Ltmp0:
0x7f: {  	s14 =	sadd.s32 $0x300, s13;
	[sflag:s29] =	ssyncadd.s32 $0xFFFFE0C0;
	(pc) =	sbr.rel @p0 .LBB2_2-.Ltmp0, $4  }
0x80: {  	[tilespmem:s30], [sflag:$0x3] =	stream.indirect.gather [hbm4b:s5+s24], $0x40, s14, s24, $0xb8;
	[tilespmem:$0x1DD00] =	vst v63  }
0x81: {  	_ =	swait.ge [sflag:s31], $0x1F40  }
0x82: {  	[sflag:s31] =	ssyncset.done $0x0  }
0x83: {  	s13 =	sadd.s32 $0x380, s13;
	[sflag:s31] =	ssyncadd.s32 $0xFFFFE0C0  }
0x84: {  	[tilespmem:s1], [sflag:$0x4] =	stream.indirect.gather [hbm4b:s5+s24], $0x40, s13, s24, $0xb8;
	[tilespmem:$0x1DD00] =	vst v63  }
0x85: {  	_ =	swait.ge [sflag:s22], $0x1F40  }
0x86: {  	[sflag:s22] =	ssyncset.done $0x0  }
0x87: {  	s7 =	simm.s32 $0x9E00;
	[sflag:s22] =	ssyncadd.s32 $0xFFFFE0C0  }
0x88: {  	[spmem:s3] =	stream.indirect.scatter.add.f32 [tilespmem:s25], [sflag:$0x5], $0x40, s7, s24, $0xb8;
	[tilespmem:$0x1DD00] =	vst v63  }
0x89: {  	_ =	swait.ge [sflag:s23], $0x1F40  }
0x8a: {  	[sflag:s23] =	ssyncset.done $0x0  }
0x8b: {  	s14 =	simm.s32 $0x9E80;
	[sflag:s23] =	ssyncadd.s32 $0xFFFFE0C0  }
0x8c: {  	[spmem:s3] =	stream.indirect.scatter.add.f32 [tilespmem:s28], [sflag:$0x6], $0x40, s14, s24, $0xb8;
	[tilespmem:$0x1DD00] =	vst v63  }
0x8d: {  	_ =	swait.ge [sflag:s0], $0x1F40  }
0x8e: {  	[sflag:s0] =	ssyncset.done $0x0  }
0x8f: {  	s13 =	simm.s32 $0x9F00;
	[sflag:s0] =	ssyncadd.s32 $0xFFFFE0C0  }
0x90: {  	[spmem:s3] =	stream.indirect.scatter.add.f32 [tilespmem:s30], [sflag:$0x7], $0x40, s13, s24, $0xb8;
	[tilespmem:$0x1DD00] =	vst v63  }
0x91: {  	_ =	swait.ge [sflag:s2], $0x1F40  }
0x92: {  	[sflag:s2] =	ssyncset.done $0x0  }
0x93: {  	s14 =	simm.s32 $0x9F80;
	[sflag:s2] =	ssyncadd.s32 $0xFFFFE0C0  }
0x94: {  	[spmem:s3] =	stream.indirect.scatter.add.f32 [tilespmem:s1], [sflag:$0x8], $0x40, s14, s24, $0xb8;
	[tilespmem:$0x1DD00] =	vst v63  }
0x95: {  	_ =	swait.ge [sflag:s19], $0x1F40  }
0x96: {  	[sflag:s19] =	ssyncset.done $0x0  }
0x97: {  	[sflag:s19] =	ssyncadd.s32 $0xFFFFE0C0  }
0x98: {  	_ =	swait.ge [sflag:s26], $0x1F40  }
0x99: {  	[sflag:s26] =	ssyncset.done $0x0  }
0x9a: {  	[sflag:s26] =	ssyncadd.s32 $0xFFFFE0C0  }
0x9b: {  	_ =	swait.ge [sflag:s29], $0x1F40  }
0x9c: {  	[sflag:s29] =	ssyncset.done $0x0  }
0x9d: {  	[sflag:s29] =	ssyncadd.s32 $0xFFFFE0C0  }
0x9e: {  	_ =	swait.ge [sflag:s31], $0x1F40  }
0x9f: {  	[sflag:s31] =	ssyncset.done $0x0  }
0xa0: {  	[sflag:s31] =	ssyncadd.s32 $0xFFFFE0C0  }
0xa1: {  	[bflag:$0x0] =	sbarrier.arrive $0xFFFF  }
0xa2: {  	[tilespmem:s20], [sflag:$0x9] =	stream.linear.gather [spmem:s8], $0x2000, $0x38;
	[tilespmem:$0x1DD00] =	vst v63  }
0xa3: {  	_ =	swait.ge [sflag:s21], $0x2000  }
0xa4: {  	[sflag:s21] =	ssyncset.done $0x0  }
0xa5: {  	s13 =	rddreg [dreg:$0x6];
	[sflag:s21] =	ssyncadd.s32 $0xFFFFE000  }
0xa6: {  	[hbm4b:s13+s4] =	stream.linear.scatter [tilespmem:s20], [sflag:$0x9], $0x2000, $0x38;
	[tilespmem:$0x1DD00] =	vst v63  }
0xa7: {  	_ =	swait.ge [sflag:s21], $0x2000  }
0xa8: {  	[sflag:s21] =	ssyncset.done $0x0  }
0xa9: {  	[sflag:s21] =	ssyncadd.s32 $0xFFFFE000  }
0xaa: {  	[tilespmem:s20], [sflag:$0x9] =	stream.linear.gather [spmem:s9], $0x2000, $0x38;
	[tilespmem:$0x1DD00] =	vst v63  }
0xab: {  	_ =	swait.ge [sflag:s21], $0x2000  }
0xac: {  	[sflag:s21] =	ssyncset.done $0x0  }
0xad: {  	s14 =	rddreg [dreg:$0x7];
	[sflag:s21] =	ssyncadd.s32 $0xFFFFE000  }
0xae: {  	[hbm4b:s14+s4] =	stream.linear.scatter [tilespmem:s20], [sflag:$0x9], $0x2000, $0x38;
	[tilespmem:$0x1DD00] =	vst v63  }
0xaf: {  	_ =	swait.ge [sflag:s21], $0x2000  }
0xb0: {  	[sflag:s21] =	ssyncset.done $0x0  }
0xb1: {  	[sflag:s21] =	ssyncadd.s32 $0xFFFFE000  }
0xb2: {  	[tilespmem:s20], [sflag:$0x9] =	stream.linear.gather [spmem:s10], $0x2000, $0x38;
	[tilespmem:$0x1DD00] =	vst v63  }
0xb3: {  	_ =	swait.ge [sflag:s21], $0x2000  }
0xb4: {  	[sflag:s21] =	ssyncset.done $0x0  }
0xb5: {  	[sflag:s21] =	ssyncadd.s32 $0xFFFFE000  }
0xb6: {  	[hbm4b:s15+s4] =	stream.linear.scatter [tilespmem:s20], [sflag:$0x9], $0x2000, $0x38;
	[tilespmem:$0x1DD00] =	vst v63  }
0xb7: {  	_ =	swait.ge [sflag:s21], $0x2000  }
0xb8: {  	[sflag:s21] =	ssyncset.done $0x0  }
0xb9: {  	[sflag:s21] =	ssyncadd.s32 $0xFFFFE000  }
0xba: {  	[tilespmem:s20], [sflag:$0x9] =	stream.linear.gather [spmem:s11], $0x2000, $0x38;
	[tilespmem:$0x1DD00] =	vst v63  }
0xbb: {  	_ =	swait.ge [sflag:s21], $0x2000  }
0xbc: {  	[sflag:s21] =	ssyncset.done $0x0  }
0xbd: {  	[sflag:s21] =	ssyncadd.s32 $0xFFFFE000  }
0xbe: {  	[hbm4b:s16+s4] =	stream.linear.scatter [tilespmem:s20], [sflag:$0x9], $0x2000, $0x38;
	[tilespmem:$0x1DD00] =	vst v63  }
0xbf: {  	_ =	swait.ge [sflag:s21], $0x2000  }
0xc0: {  	[sflag:s21] =	ssyncset.done $0x0  }
0xc1: {  	[sflag:s21] =	ssyncadd.s32 $0xFFFFE000  }
0xc2: {  	[tilespmem:s20], [sflag:$0x9] =	stream.linear.gather [spmem:s12], $0x2000, $0x38;
	[tilespmem:$0x1DD00] =	vst v63  }
0xc3: {  	s6 =	sadd.s32 $0x1, s6;
	_ =	swait.ge [sflag:s21], $0x2000  }
0xc4: {  	p0 =	sne.s32 s6, s18;
	[sflag:s21] =	ssyncset.done $0x0  }
.Ltmp1:
0xc5: {  	[sflag:s21] =	ssyncadd.s32 $0xFFFFE000;
	(pc) =	sbr.rel @p0 .LBB2_1-.Ltmp1, $4  }
0xc6: {  	[hbm4b:s17+s4] =	stream.linear.scatter [tilespmem:s20], [sflag:$0x9], $0x2000, $0x38;
	[tilespmem:$0x1DD00] =	vst v63  }
0xc7: {  	_ =	swait.ge [sflag:s21], $0x2000  }
0xc8: {  	[sflag:s21] =	ssyncset.done $0x0  }
0xc9: {  	[sflag:s21] =	ssyncadd.s32 $0xFFFFE000  }
0xca: {  	_ =	sfence.sel $0x180000  }
0xcb: {  	[bflag:$0x0] =	sbarrier.arrive $0xFFFF  }
0xcc: {  	_ =	strace $0x9000004D  }
0xcd: {  	s0 =	stileid.u32;
	[bflag:$0x2] =	sbarrier.arrive $0xFFFF  }
0xce: {  	p0 =	sne.s32 s0, $0x0;
	s0 =	rddreg [dreg:$0x3]  }
0xcf: {  	s0 =	sadd.s32 @!p0 $0x100000, s0  }
0xd0: {  	[sflag:s0] =	ssyncadd.tile.s32 @!p0 $0x1;
	_ =	shalt  }
.Lfunc_end2:
_tile_overlayer_lowered:
.L_overlay_start_2:
0xd1: {  	(tag) =	ssettag $0x2  }
0xd2: {  	s0 =	rddreg [dreg:$0x0];
	s2 =	stileid.u32  }
0xd3: {  	s1 =	rddreg [dreg:$0x1];
	p0 =	sne.s32 s2, $0x0  }
0xd4: {  	s3 =	rddreg [dreg:$0x2];
	[bflag:$0x3] =	sbarrier.arrive $0xFFFF;
	s2 =	simm.s32 @!p0 $0x1C09  }
0xd5: {  	[timem:s3], [sflag:s2] =	dma.local @!p0 [hbm:s0], s1  }
0xd6: {  	s0 =	simm.s32 @!p0 $0x9  }
0xd7: {  	_ =	swait.ge @!p0 [sflag:s0], s1  }
0xd8: {  	s1 =	ssub.s32 @!p0 $0x0, s1;
	[sflag:s0] =	ssyncset.done @!p0 $0x0  }
0xd9: {  	[sflag:s0] =	ssyncadd.s32 @!p0 s1  }
0xda: {  	[bflag:$0x3] =	sbarrier.arrive $0xFFFF  }
0xdb: {  	_ =	shalt  }

// kernel: kernel.10.cloned.1.call-start
scs
__scs_entry_jumppad:
0x0: {  	(pc) =	sbr.rel $0x88, $3  }
0x1: {  	(tag) =	ssettag $0x0;
	lr =	simm.s32 $0x1  }
0x2: {  	[smem:$0x3F95] =	sst lr;
	_ =	strace $0xD0000000  }
0x3: {  	_ = 	snop  }
0x4: {  	_ = 	snop  }
0x5: {  	_ = 	snop  }
0x6: {  	_ = 	snop  }
0x7: {  	_ = 	snop  }
__scs_overlays_trampoline_lowered:
0x8: {  	[smem:$0x3FA4] =	sst s0  }
0x9: {  	[smem:$0x3FA5] =	sst s1  }
0xa: {  	[smem:$0x3FA6] =	sst s2  }
0xb: {  	[smem:$0x3FA7] =	sst s3  }
0xc: {  	[smem:$0x3FA8] =	sst s4  }
0xd: {  	[smem:$0x3FA9] =	sst s5  }
0xe: {  	[smem:$0x3FAA] =	sst s6  }
0xf: {  	[smem:$0x3FAB] =	sst s7  }
0x10: {  	[smem:$0x3FAC] =	sst s8  }
0x11: {  	[smem:$0x3FAD] =	sst s9;
	s0 =	simm.s32 @!p0 $0x0  }
0x12: {  	s1 =	sld [smem:$0x3F93];
	s0 =	simm.s32 @p0 $0x1  }
0x13: {  	[smem:$0x3FAE] =	sst s0;
	s0 =	simm.s32 @!p1 $0x0  }
0x14: {  	s2 =	sld [smem:$0x3F92];
	s0 =	simm.s32 @p1 $0x1  }
0x15: {  	[smem:$0x3FAF] =	sst s0;
	s0 =	simm.s32 @!p2 $0x0  }
0x16: {  	s3 =	sld [smem:$0x3FDB];
	s0 =	simm.s32 @p2 $0x1  }
0x17: {  	s4 =	simm.s32 $0x1BF5;
	[smem:$0x3FB1] =	sst s0  }
0x18: {  	s0 =	sld [smem:$0x3F94];
	_ =	swait.ge [sflag:s4], $0x0  }
0x19: {  	s7 =	sld [smem:$0x3F95]  }
0x1a: {  	s8 =	sadd.s32 $0xFFFFE003, lr  }
0x1b: {  	s9 =	sadd.s32 $0xFFFFFEF7, lr;
	s5 =	simm.s32 $0xFFFFFFFF;
	p2 =	slt.u32 s8, $0xFFFFF086  }
0x1c: {  	p1 =	slt.u32 s9, $0xF7A;
	s5 =	simm.s32 @!p2 $0x0  }
0x1d: {  	s5 =	simm.s32 @p1 $0x1;
	p0 =	seq.s32 s7, s2  }
0x1e: {  	s7 =	smul.u32 @!p0 $0xF7A, s2;
	p2 =	seq.s32 @!p0 s5, $0x0  }
0x1f: {  	s9 =	smul.u32 $0xF7A, s1;
	s8 =	simm.s32 @!p0 $0x1BF5;
	p2 =	por !p2, p0  }
0x20: {  	[sflag:s8] =	ssyncset.s32 @!p0 $0xFFFFF086;
	s6 =	sadd.s32 @!p0 s3, s7;
	s7 =	simm.s32 @!p0 $0x108  }
0x21: {  	s3 =	sadd.s32 s3, s9;
	s6 =	sadd.s32 @!p0 $0x88, s6;
	s7 =	simm.s32 @p2 $0x1082  }
0x22: {  	[simem:s7], [sflag:s8] =	dma.local @!p0 [hbm:s6], $0xF7A  }
0x23: {  	s9 =	sor.u32 $0xD0000000, s2;
	s6 =	simm.s32 $0x108;
	_ =	swait.ge @!p0 [sflag:s8], $0x0  }
0x24: {  	s3 =	sadd.s32 $0x88, s3;
	s6 =	simm.s32 @!p1 $0x1082;
	[sflag:s4] =	ssyncset.s32 $0xFFFFF086  }
0x25: {  	[simem:s6], [sflag:s4] =	dma.local [hbm:s3], $0xF7A  }
0x26: {  	[smem:$0x3F95] =	sst s1;
	(tag) =	ssettag s2;
	_ =	strace s9  }
0x27: {  	s1 =	sld [smem:$0x3FA5]  }
0x28: {  	s2 =	sld [smem:$0x3FA6]  }
0x29: {  	s4 =	sld [smem:$0x3FA8]  }
0x2a: {  	p0 =	seq.s32 s5, $0x0;
	s5 =	sld [smem:$0x3FA9]  }
0x2b: {  	s6 =	sld [smem:$0x3FAA]  }
0x2c: {  	s7 =	sld [smem:$0x3FAB]  }
0x2d: {  	s3 =	simm.s32 $0x108;
	s8 =	sld [smem:$0x3FAC]  }
0x2e: {  	s3 =	simm.s32 @!p0 $0x1082;
	s9 =	sld [smem:$0x3FAD]  }
0x2f: {  	lr =	sadd.s32 s0, s3;
	s0 =	sld [smem:$0x3FA4]  }
0x30: {  	s3 =	sld [smem:$0x3FA7]  }
0x31: {  	[smem:$0x3FB0] =	sst s10  }
0x32: {  	s10 =	sld [smem:$0x3FAE];
	_ =	sdelay $0x3  }
0x33: {  	p0 =	seq.s32 s10, $0x1;
	s10 =	sld [smem:$0x3FB0];
	_ =	sdelay $0x3  }
0x34: {  	[smem:$0x3FB0] =	sst s10  }
0x35: {  	s10 =	sld [smem:$0x3FAF];
	_ =	sdelay $0x3  }
0x36: {  	p1 =	seq.s32 s10, $0x1;
	s10 =	sld [smem:$0x3FB0];
	_ =	sdelay $0x3  }
0x37: {  	[smem:$0x3FB0] =	sst s10  }
0x38: {  	s10 =	sld [smem:$0x3FB1]  }
0x39: {  	_ = 	snop;
	(pc) =	sbr.ind lr, $3  }
0x3a: {  	_ = 	snop  }
0x3b: {  	_ = 	snop  }
0x3c: {  	p2 =	seq.s32 s10, $0x1;
	s10 =	sld [smem:$0x3FB0]  }
0x3d: {  	_ =	shalt  }
0x3e: {  	_ =	shalt  }
0x3f: {  	_ =	shalt  }
0x40: {  	_ =	shalt  }
0x41: {  	_ =	shalt  }
0x42: {  	_ =	shalt  }
0x43: {  	_ =	shalt  }
0x44: {  	_ =	shalt  }
0x45: {  	_ =	shalt  }
0x46: {  	_ =	shalt  }
0x47: {  	_ =	shalt  }
0x48: {  	_ =	shalt  }
0x49: {  	_ =	shalt  }
0x4a: {  	_ =	shalt  }
0x4b: {  	_ =	shalt  }
0x4c: {  	_ =	shalt  }
0x4d: {  	_ =	shalt  }
0x4e: {  	_ =	shalt  }
0x4f: {  	_ =	shalt  }
0x50: {  	_ =	shalt  }
0x51: {  	_ =	shalt  }
0x52: {  	_ =	shalt  }
0x53: {  	_ =	shalt  }
0x54: {  	_ =	shalt  }
0x55: {  	_ =	shalt  }
0x56: {  	_ =	shalt  }
0x57: {  	_ =	shalt  }
0x58: {  	_ =	shalt  }
0x59: {  	_ =	shalt  }
0x5a: {  	_ =	shalt  }
0x5b: {  	_ =	shalt  }
0x5c: {  	_ =	shalt  }
0x5d: {  	_ =	shalt  }
0x5e: {  	_ =	shalt  }
0x5f: {  	_ =	shalt  }
0x60: {  	_ =	shalt  }
0x61: {  	_ =	shalt  }
0x62: {  	_ =	shalt  }
0x63: {  	_ =	shalt  }
0x64: {  	_ =	shalt  }
0x65: {  	_ =	shalt  }
0x66: {  	_ =	shalt  }
0x67: {  	_ =	shalt  }
0x68: {  	_ =	shalt  }
0x69: {  	_ =	shalt  }
0x6a: {  	_ =	shalt  }
0x6b: {  	_ =	shalt  }
0x6c: {  	_ =	shalt  }
0x6d: {  	_ =	shalt  }
0x6e: {  	_ =	shalt  }
0x6f: {  	_ =	shalt  }
0x70: {  	_ =	shalt  }
0x71: {  	_ =	shalt  }
0x72: {  	_ =	shalt  }
0x73: {  	_ =	shalt  }
0x74: {  	_ =	shalt  }
0x75: {  	_ =	shalt  }
0x76: {  	_ =	shalt  }
0x77: {  	_ =	shalt  }
0x78: {  	_ =	shalt  }
0x79: {  	_ =	shalt  }
0x7a: {  	_ =	shalt  }
0x7b: {  	_ =	shalt  }
0x7c: {  	_ =	shalt  }
0x7d: {  	_ =	shalt  }
0x7e: {  	_ =	shalt  }
0x7f: {  	_ =	shalt  }
0x80: {  	_ =	shalt  }
0x81: {  	_ =	shalt  }
0x82: {  	_ =	shalt  }
0x83: {  	_ =	shalt  }
0x84: {  	_ =	shalt  }
0x85: {  	_ =	shalt  }
0x86: {  	_ =	shalt  }
0x87: {  	_ =	shalt  }
.Lfunc_end0:
.L_simem_size_0:
called_computation.2_lowered:
.L_overlay_start_0:
0x88: {  	s2 =	sld [smem:$0x3FD9]  }
0x89: {  	s3 =	sld [smem:$0x3FFE];
	_ =	sdelay $0x1  }
0x8a: {  	s1 =	srdreg.scid  }
0x8b: {  	s0 =	sand.u32 $0x1, s1  }
0x8c: {  	s17 =	sshll.u32 s0, $0xA;
	s2 =	sadd.s32 s3, s2  }
0x8d: {  	s2 =	sadd.s32 s2, s17  }
0x8e: {  	[smem:$0x3FBC] =	sst s2  }
0x8f: {  	_ = 	snop  }
0x90: {  	s2 =	sld [smem:$0x3FD0];
	(tm) =	ssettm $0x1  }
0x91: {  	s18 =	sld [smem:$0x3FFB];
	_ =	sdelay $0x3  }
0x92: {  	_ =	strace s18  }
0x93: {  	s3 =	sld [smem:$0x3FFC];
	_ =	sdelay $0x3  }
0x94: {  	_ =	strace s3  }
0x95: {  	s3 =	sld [smem:$0x3FFD];
	_ =	sdelay $0x3  }
0x96: {  	_ =	strace s3  }
0x97: {  	_ =	strace $0x8FFFFFFF  }
0x98: {  	s19 =	sld [smem:$0x3FDB];
	_ =	sdelay $0x1  }
0x99: {  	s4 =	simm.s32 $_scs_section_size  }
0x9a: {  	s5 =	simm.s32 $_size__tile_overlayer_lowered;
	s6 =	simm.s32 $_tile_overlayer_lowered  }
0x9b: {  	s22 =	simm.s32 $0x1BFF;
	s21 =	sshll.u32 s6, $0x1;
	s3 =	sadd.s32 s4, s19  }
0x9c: {  	s7 =	simm.s32 $0x0;
	s20 =	sshll.u32 s5, $0x1;
	s5 =	sadd.s32 s21, s3  }
0x9d: {  	[timem:s7], [sflag:s22] =	dma.local [hbm:s5], s20  }
0x9e: {  	_ =	swait.ge [sflag:s22], s20  }
0x9f: {  	s4 =	ssub.s32 $0x0, s20;
	[sflag:s22] =	ssyncset.done $0x0  }
0xa0: {  	[sflag:s22] =	ssyncadd.s32 s4;
	_ =	sdelay $0x1  }
0xa1: {  	s23 =	simm.s32 $0x1B8B  }
0xa2: {  	_ =	swait.ge [sflag:s23], $0x1  }
0xa3: {  	[sflag:s23] =	ssyncset.done $0x0  }
0xa4: {  	s25 =	simm.s32 $0x1B8E;
	s24 =	sld [smem:$0x3FFE];
	[sflag:s23] =	ssyncadd.s32 $0xFFFFFFFF  }
0xa5: {  	s26 =	simm.s32 $execute0_lowered;
	[smem:$0x3FD2] =	sst s25  }
0xa6: {  	s5 =	sshll.u32 s26, $0x1;
	_ =	strace $0x80000049;
	[dreg:$0x1] =	wrdreg $0xFFFFFFFF  }
0xa7: {  	s28 =	simm.s32 $_size_execute0_lowered;
	s3 =	sadd.s32 s3, s5;
	[dreg:$0x0] =	wrdreg $0x0  }
0xa8: {  	s5 =	sshll.u32 s28, $0x1;
	[dreg:$0x2] =	wrdreg s3  }
0xa9: {  	[dreg:$0x3] =	wrdreg s5  }
0xaa: {  	[dreg:$0x4] =	wrdreg $0xC0  }
0xab: {  	_ =	task [dreg:s7], $0x5FFFF  }
0xac: {  	[dreg:$0x1] =	wrdreg $0xFFFFFFFF  }
0xad: {  	[dreg:$0x0] =	wrdreg $0x60  }
0xae: {  	[dreg:$0x2] =	wrdreg s2  }
0xaf: {  	[dreg:$0x3] =	wrdreg s24  }
0xb0: {  	[dreg:$0x4] =	wrdreg $0x77400  }
0xb1: {  	[dreg:$0x5] =	wrdreg $0x9  }
0xb2: {  	_ =	task.clear_ibuf [dreg:s7], $0x6FFFF;
	_ =	strace $0x90000049  }
0xb3: {  	s29 =	simm.s32 $0x9;
	_ =	strace $0x8000004B  }
0xb4: {  	_ =	swait.ge [sflag:s29], $0x1  }
0xb5: {  	[sflag:s29] =	ssyncadd.s32 $0xFFFFFFFF  }
0xb6: {  	_ =	strace $0x9000004B  }
0xb7: {  	_ =	sfence  }
0xb8: {  	s30 =	sld [smem:$0x0];
	_ =	sdelay $0x2  }
0xb9: {  	s31 =	sshll.u32 s1, $0xD;
	s1 =	sshrl.u32 s1, $0x2  }
0xba: {  	s3 =	sand.u32 $0x4000, s31;
	s1 =	sadd.s32 s1, s30  }
0xbb: {  	s0 =	sor.u32 s3, s0;
	s1 =	sshll.u32 s1, $0x11  }
0xbc: {  	s0 =	sor.u32 s1, s0  }
0xbd: {  	s0 =	sadd.s32 $0x8F2B, s0  }
0xbe: {  	[sflag:s0] =	ssyncadd.remote.s32 $0x1  }
0xbf: {  	_ =	sfence.sel $0xFFFF  }
0xc0: {  	[dreg:$0x0] =	wrdreg $0xFFFFFFFF;
	(pc) =	sbr.abs _section_cstart, $3  }
0xc1: {  	[dreg:$0x1] =	wrdreg $0xFFFFFFFF  }
0xc2: {  	_ =	task.clear_ibuf [dreg:s7], $0x2FFFF;
	_ =	strace $0x9FFFFFFF  }
0xc3: {  	(tm) =	ssettm $0x7FFFFFFF  }
tec
execute0_lowered:
.L_overlay_start_1:
0x0: {  	(tag) =	ssettag $0x1  }
0x1: {  	s1 =	rddreg [dreg:$0x0]  }
0x2: {  	s0 =	srdreg.scid;
	s2 =	rddreg [dreg:$0x1]  }
0x3: {  	s8 =	stileid.u32;
	s3 =	rddreg [dreg:$0x2]  }
0x4: {  	s28 =	simm.s32 $0x57D0;
	s30 =	simm.s32 $0x5FA0;
	s19 =	simm.s32 $0x4  }
0x5: {  	s29 =	simm.s32 $0x6;
	s0 =	sand.u32 $0x1, s0;
	s4 =	sshll.u32 s8, $0x1  }
0x6: {  	s31 =	simm.s32 $0x7;
	s12 =	smul.u32 $0x2800, s8;
	s5 =	sor.u32 s0, s4  }
0x7: {  	s4 =	simm.s32 $0x0;
	s6 =	ssub.s32 $0x2, s0;
	s0 =	smul.u32 $0x28000, s0  }
0x8: {  	s7 =	sadd.s32 $0x1E00, s2;
	s5 =	smul.u32 $0x500, s5;
	[smem:$0x7FF] =	sst s4  }
0x9: {  	s20 =	sshrl.u32 s6, $0x1;
	s8 =	sadd.s32 s12, s3;
	s22 =	sadd.s32 $0x800, s12  }
0xa: {  	s23 =	sadd.s32 $0x1000, s12;
	s13 =	sadd.s32 $0x1800, s12;
	s15 =	sadd.s32 $0x2000, s12  }
0xb: {  	_ =	strace $0x8000004A;
	[dreg:$0x4] =	wrdreg s7;
	s6 =	ssub.s32 s6, s20  }
0xc: {  	s9 =	sadd.s32 s22, s3;
	s10 =	sadd.s32 s23, s3;
	s11 =	sadd.s32 s13, s3  }
0xd: {  	s14 =	sadd.s32 s12, s0;
	s12 =	sadd.s32 s15, s3;
	s24 =	sadd.s32 s0, s23  }
0xe: {  	s25 =	sadd.s32 s0, s13;
	s20 =	simm.s32 $0x6F40;
	s23 =	simm.s32 $0x2  }
0xf: {  	s5 =	sadd.s32 s5, s2;
	s2 =	sadd.s32 $0x2000, s2;
	s14 =	sshrl.u32 s14, $0x3  }
0x10: {  	s26 =	sshrl.u32 s25, $0x3;
	s18 =	smax.u32 s6, $0x1;
	s25 =	simm.s32 $0x5000  }
0x11: {  	s6 =	simm.s32 $0x0;
	s21 =	sadd.s32 $0x16400, s5;
	s5 =	sadd.s32 $0x20400, s5  }
0x12: {  	s14 =	sadd.s32 s2, s14;
	s16 =	sadd.s32 s2, s26;
	[dreg:$0x5] =	wrdreg s21  }
0x13: {  	s26 =	simm.s32 $0x5;
	[dreg:$0x6] =	wrdreg s5;
	s5 =	sadd.s32 s0, s22  }
0x14: {  	[dreg:$0x7] =	wrdreg s14;
	s0 =	sadd.s32 s0, s15;
	s21 =	simm.s32 $0x9  }
0x15: {  	s22 =	simm.s32 $0x1;
	s5 =	sshrl.u32 s5, $0x3;
	s0 =	sshrl.u32 s0, $0x3  }
0x16: {  	s5 =	sadd.s32 s2, s5;
	s17 =	sadd.s32 s2, s0;
	s0 =	simm.s32 $0x3  }
0x17: {  	[dreg:$0x8] =	wrdreg s5;
	s5 =	sshrl.u32 s24, $0x3;
	s24 =	simm.s32 $0x7D  }
0x18: {  	s15 =	sadd.s32 s2, s5;
	s2 =	simm.s32 $0x6770;
	s5 =	simm.s32 $0x8  }
.LBB2_1:
0x19: {  	s7 =	rddreg [dreg:$0x5]  }
0x1a: {  	[tilespmem:s4], [sflag:$0x1] =	stream.linear.gather [hbm4b:s7+s4], $0x2800, $0x38;
	[tilespmem:$0x9F40] =	vst v63  }
0x1b: {  	s14 =	rddreg [dreg:$0x6];
	s13 =	simm.s32 $0x2800  }
0x1c: {  	[tilespmem:s13], [sflag:$0x2] =	stream.linear.gather [hbm4b:s14+s4], $0x2800, $0x38;
	[tilespmem:$0x9F40] =	vst v63  }
0x1d: {  	s14 =	rddreg [dreg:$0x4]  }
0x1e: {  	[tilespmem:s20], [sflag:$0x9] =	stream.linear.gather [hbm4b:s14+s4], $0x800, $0x38;
	[tilespmem:$0x9F40] =	vst v63  }
0x1f: {  	_ =	swait.ge [sflag:s21], $0x800  }
0x20: {  	[sflag:s21] =	ssyncset.done $0x0  }
0x21: {  	[sflag:s21] =	ssyncadd.s32 $0xFFFFF800  }
0x22: {  	[spmem:s8] =	stream.linear.scatter [tilespmem:s20], [sflag:$0x9], $0x800, $0x38;
	[tilespmem:$0x9F40] =	vst v63  }
0x23: {  	_ =	swait.ge [sflag:s21], $0x800  }
0x24: {  	[sflag:s21] =	ssyncset.done $0x0  }
0x25: {  	[sflag:s21] =	ssyncadd.s32 $0xFFFFF800  }
0x26: {  	[spmem:s9] =	stream.linear.scatter [tilespmem:s20], [sflag:$0x9], $0x800, $0x38;
	[tilespmem:$0x9F40] =	vst v63  }
0x27: {  	_ =	swait.ge [sflag:s21], $0x800  }
0x28: {  	[sflag:s21] =	ssyncset.done $0x0  }
0x29: {  	[sflag:s21] =	ssyncadd.s32 $0xFFFFF800  }
0x2a: {  	[spmem:s10] =	stream.linear.scatter [tilespmem:s20], [sflag:$0x9], $0x800, $0x38;
	[tilespmem:$0x9F40] =	vst v63  }
0x2b: {  	_ =	swait.ge [sflag:s21], $0x800  }
0x2c: {  	[sflag:s21] =	ssyncset.done $0x0  }
0x2d: {  	[sflag:s21] =	ssyncadd.s32 $0xFFFFF800  }
0x2e: {  	[spmem:s11] =	stream.linear.scatter [tilespmem:s20], [sflag:$0x9], $0x800, $0x38;
	[tilespmem:$0x9F40] =	vst v63  }
0x2f: {  	_ =	swait.ge [sflag:s21], $0x800  }
0x30: {  	[sflag:s21] =	ssyncset.done $0x0  }
0x31: {  	[sflag:s21] =	ssyncadd.s32 $0xFFFFF800  }
0x32: {  	[spmem:s12] =	stream.linear.scatter [tilespmem:s20], [sflag:$0x9], $0x800, $0x38;
	[tilespmem:$0x9F40] =	vst v63  }
0x33: {  	_ =	swait.ge [sflag:s21], $0x800  }
0x34: {  	[sflag:s21] =	ssyncset.done $0x0  }
0x35: {  	[sflag:s21] =	ssyncadd.s32 $0xFFFFF800  }
0x36: {  	_ =	swait.ge [sflag:s22], $0x2800  }
0x37: {  	[sflag:s22] =	ssyncset.done $0x0  }
0x38: {  	[sflag:s22] =	ssyncadd.s32 $0xFFFFD800  }
0x39: {  	_ =	swait.ge [sflag:s23], $0x2800  }
0x3a: {  	[sflag:s23] =	ssyncset.done $0x0  }
0x3b: {  	[sflag:s23] =	ssyncadd.s32 $0xFFFFD800  }
0x3c: {  	[bflag:$0x0] =	sbarrier.arrive $0xFFFF  }
0x3d: {  	[tilespmem:s25], [sflag:$0x1] =	stream.indirect.gather [hbm4b:s1+s24], $0x10, s4, s24, $0xb8;
	[tilespmem:$0x9F40] =	vst v63  }
0x3e: {  	s13 =	simm.s32 $0x80  }
0x3f: {  	[tilespmem:s28], [sflag:$0x2] =	stream.indirect.gather [hbm4b:s1+s24], $0x10, s13, s24, $0xb8;
	[tilespmem:$0x9F40] =	vst v63  }
0x40: {  	s14 =	simm.s32 $0x100  }
0x41: {  	[tilespmem:s30], [sflag:$0x3] =	stream.indirect.gather [hbm4b:s1+s24], $0x10, s14, s24, $0xb8;
	[tilespmem:$0x9F40] =	vst v63  }
0x42: {  	s13 =	simm.s32 $0x180  }
0x43: {  	[tilespmem:s2], [sflag:$0x4] =	stream.indirect.gather [hbm4b:s1+s24], $0x10, s13, s24, $0xb8;
	[tilespmem:$0x9F40] =	vst v63  }
0x44: {  	_ =	swait.ge [sflag:s22], $0x7D0  }
0x45: {  	[sflag:s22] =	ssyncset.done $0x0  }
0x46: {  	s14 =	simm.s32 $0x2800;
	[sflag:s22] =	ssyncadd.s32 $0xFFFFF830  }
0x47: {  	[spmem:s3] =	stream.indirect.scatter.add.f32 [tilespmem:s25], [sflag:$0x5], $0x10, s14, s24, $0xb8;
	[tilespmem:$0x9F40] =	vst v63  }
0x48: {  	_ =	swait.ge [sflag:s23], $0x7D0  }
0x49: {  	[sflag:s23] =	ssyncset.done $0x0  }
0x4a: {  	s13 =	simm.s32 $0x2880;
	[sflag:s23] =	ssyncadd.s32 $0xFFFFF830  }
0x4b: {  	[spmem:s3] =	stream.indirect.scatter.add.f32 [tilespmem:s28], [sflag:$0x6], $0x10, s13, s24, $0xb8;
	[tilespmem:$0x9F40] =	vst v63  }
0x4c: {  	_ =	swait.ge [sflag:s0], $0x7D0  }
0x4d: {  	[sflag:s0] =	ssyncset.done $0x0  }
0x4e: {  	s14 =	simm.s32 $0x2900;
	[sflag:s0] =	ssyncadd.s32 $0xFFFFF830  }
0x4f: {  	[spmem:s3] =	stream.indirect.scatter.add.f32 [tilespmem:s30], [sflag:$0x7], $0x10, s14, s24, $0xb8;
	[tilespmem:$0x9F40] =	vst v63  }
0x50: {  	_ =	swait.ge [sflag:s19], $0x7D0  }
0x51: {  	[sflag:s19] =	ssyncset.done $0x0  }
0x52: {  	s13 =	simm.s32 $0x2980;
	[sflag:s19] =	ssyncadd.s32 $0xFFFFF830  }
0x53: {  	[spmem:s3] =	stream.indirect.scatter.add.f32 [tilespmem:s2], [sflag:$0x8], $0x10, s13, s24, $0xb8;
	[tilespmem:$0x9F40] =	vst v63  }
0x54: {  	_ =	swait.ge [sflag:s26], $0x7D0  }
0x55: {  	[sflag:s26] =	ssyncset.done $0x0  }
0x56: {  	s14 =	simm.s32 $0x200;
	[sflag:s26] =	ssyncadd.s32 $0xFFFFF830  }
0x57: {  	[tilespmem:s25], [sflag:$0x1] =	stream.indirect.gather [hbm4b:s1+s24], $0x10, s14, s24, $0xb8;
	[tilespmem:$0x9F40] =	vst v63  }
0x58: {  	_ =	swait.ge [sflag:s29], $0x7D0  }
0x59: {  	[sflag:s29] =	ssyncset.done $0x0  }
0x5a: {  	s13 =	simm.s32 $0x280;
	[sflag:s29] =	ssyncadd.s32 $0xFFFFF830  }
0x5b: {  	[tilespmem:s28], [sflag:$0x2] =	stream.indirect.gather [hbm4b:s1+s24], $0x10, s13, s24, $0xb8;
	[tilespmem:$0x9F40] =	vst v63  }
0x5c: {  	_ =	swait.ge [sflag:s31], $0x7D0  }
0x5d: {  	[sflag:s31] =	ssyncset.done $0x0  }
0x5e: {  	s14 =	simm.s32 $0x300;
	[sflag:s31] =	ssyncadd.s32 $0xFFFFF830  }
0x5f: {  	[tilespmem:s30], [sflag:$0x3] =	stream.indirect.gather [hbm4b:s1+s24], $0x10, s14, s24, $0xb8;
	[tilespmem:$0x9F40] =	vst v63  }
0x60: {  	_ =	swait.ge [sflag:s5], $0x7D0  }
0x61: {  	[sflag:s5] =	ssyncset.done $0x0  }
0x62: {  	s7 =	simm.s32 $0x800;
	s13 =	simm.s32 $0x380;
	[sflag:s5] =	ssyncadd.s32 $0xFFFFF830  }
.LBB2_2:
0x63: {  	[tilespmem:s2], [sflag:$0x4] =	stream.indirect.gather [hbm4b:s1+s24], $0x10, s13, s24, $0xb8;
	[tilespmem:$0x9F40] =	vst v63  }
0x64: {  	s13 =	smov.u32 s7  }
0x65: {  	p0 =	sne.s32 s7, $0x9000;
	s7 =	sadd.s32 $0x800, s7;
	_ =	swait.ge [sflag:s22], $0x7D0  }
0x66: {  	s13 =	sshra.s32 s13, $0x2;
	[sflag:s22] =	ssyncset.done $0x0  }
0x67: {  	s14 =	sadd.s32 $0x2800, s13;
	[sflag:s22] =	ssyncadd.s32 $0xFFFFF830  }
0x68: {  	[spmem:s3] =	stream.indirect.scatter.add.f32 [tilespmem:s25], [sflag:$0x5], $0x10, s14, s24, $0xb8;
	[tilespmem:$0x9F40] =	vst v63  }
0x69: {  	_ =	swait.ge [sflag:s23], $0x7D0  }
0x6a: {  	[sflag:s23] =	ssyncset.done $0x0  }
0x6b: {  	s14 =	sadd.s32 $0x2880, s13;
	[sflag:s23] =	ssyncadd.s32 $0xFFFFF830  }
0x6c: {  	[spmem:s3] =	stream.indirect.scatter.add.f32 [tilespmem:s28], [sflag:$0x6], $0x10, s14, s24, $0xb8;
	[tilespmem:$0x9F40] =	vst v63  }
0x6d: {  	_ =	swait.ge [sflag:s0], $0x7D0  }
0x6e: {  	[sflag:s0] =	ssyncset.done $0x0  }
0x6f: {  	s14 =	sadd.s32 $0x2900, s13;
	[sflag:s0] =	ssyncadd.s32 $0xFFFFF830  }
0x70: {  	[spmem:s3] =	stream.indirect.scatter.add.f32 [tilespmem:s30], [sflag:$0x7], $0x10, s14, s24, $0xb8;
	[tilespmem:$0x9F40] =	vst v63  }
0x71: {  	_ =	swait.ge [sflag:s19], $0x7D0  }
0x72: {  	[sflag:s19] =	ssyncset.done $0x0  }
0x73: {  	s14 =	sadd.s32 $0x2980, s13;
	[sflag:s19] =	ssyncadd.s32 $0xFFFFF830  }
0x74: {  	[spmem:s3] =	stream.indirect.scatter.add.f32 [tilespmem:s2], [sflag:$0x8], $0x10, s14, s24, $0xb8;
	[tilespmem:$0x9F40] =	vst v63  }
0x75: {  	_ =	swait.ge [sflag:s26], $0x7D0  }
0x76: {  	[sflag:s26] =	ssyncset.done $0x0  }
0x77: {  	s14 =	sadd.s32 $0x200, s13;
	[sflag:s26] =	ssyncadd.s32 $0xFFFFF830  }
0x78: {  	[tilespmem:s25], [sflag:$0x1] =	stream.indirect.gather [hbm4b:s1+s24], $0x10, s14, s24, $0xb8;
	[tilespmem:$0x9F40] =	vst v63  }
0x79: {  	_ =	swait.ge [sflag:s29], $0x7D0  }
0x7a: {  	[sflag:s29] =	ssyncset.done $0x0  }
0x7b: {  	s14 =	sadd.s32 $0x280, s13;
	[sflag:s29] =	ssyncadd.s32 $0xFFFFF830  }
0x7c: {  	[tilespmem:s28], [sflag:$0x2] =	stream.indirect.gather [hbm4b:s1+s24], $0x10, s14, s24, $0xb8;
	[tilespmem:$0x9F40] =	vst v63  }
0x7d: {  	_ =	swait.ge [sflag:s31], $0x7D0  }
0x7e: {  	[sflag:s31] =	ssyncset.done $0x0  }
.Ltmp0:
0x7f: {  	s14 =	sadd.s32 $0x300, s13;
	[sflag:s31] =	ssyncadd.s32 $0xFFFFF830;
	(pc) =	sbr.rel @p0 .LBB2_2-.Ltmp0, $4  }
0x80: {  	[tilespmem:s30], [sflag:$0x3] =	stream.indirect.gather [hbm4b:s1+s24], $0x10, s14, s24, $0xb8;
	[tilespmem:$0x9F40] =	vst v63  }
0x81: {  	_ =	swait.ge [sflag:s5], $0x7D0  }
0x82: {  	[sflag:s5] =	ssyncset.done $0x0  }
0x83: {  	s13 =	sadd.s32 $0x380, s13;
	[sflag:s5] =	ssyncadd.s32 $0xFFFFF830  }
0x84: {  	[tilespmem:s2], [sflag:$0x4] =	stream.indirect.gather [hbm4b:s1+s24], $0x10, s13, s24, $0xb8;
	[tilespmem:$0x9F40] =	vst v63  }
0x85: {  	_ =	swait.ge [sflag:s22], $0x7D0  }
0x86: {  	[sflag:s22] =	ssyncset.done $0x0  }
0x87: {  	s7 =	simm.s32 $0x4E00;
	[sflag:s22] =	ssyncadd.s32 $0xFFFFF830  }
0x88: {  	[spmem:s3] =	stream.indirect.scatter.add.f32 [tilespmem:s25], [sflag:$0x5], $0x10, s7, s24, $0xb8;
	[tilespmem:$0x9F40] =	vst v63  }
0x89: {  	_ =	swait.ge [sflag:s23], $0x7D0  }
0x8a: {  	[sflag:s23] =	ssyncset.done $0x0  }
0x8b: {  	s14 =	simm.s32 $0x4E80;
	[sflag:s23] =	ssyncadd.s32 $0xFFFFF830  }
0x8c: {  	[spmem:s3] =	stream.indirect.scatter.add.f32 [tilespmem:s28], [sflag:$0x6], $0x10, s14, s24, $0xb8;
	[tilespmem:$0x9F40] =	vst v63  }
0x8d: {  	_ =	swait.ge [sflag:s0], $0x7D0  }
0x8e: {  	[sflag:s0] =	ssyncset.done $0x0  }
0x8f: {  	s13 =	simm.s32 $0x4F00;
	[sflag:s0] =	ssyncadd.s32 $0xFFFFF830  }
0x90: {  	[spmem:s3] =	stream.indirect.scatter.add.f32 [tilespmem:s30], [sflag:$0x7], $0x10, s13, s24, $0xb8;
	[tilespmem:$0x9F40] =	vst v63  }
0x91: {  	_ =	swait.ge [sflag:s19], $0x7D0  }
0x92: {  	[sflag:s19] =	ssyncset.done $0x0  }
0x93: {  	s14 =	simm.s32 $0x4F80;
	[sflag:s19] =	ssyncadd.s32 $0xFFFFF830  }
0x94: {  	[spmem:s3] =	stream.indirect.scatter.add.f32 [tilespmem:s2], [sflag:$0x8], $0x10, s14, s24, $0xb8;
	[tilespmem:$0x9F40] =	vst v63  }
0x95: {  	_ =	swait.ge [sflag:s26], $0x7D0  }
0x96: {  	[sflag:s26] =	ssyncset.done $0x0  }
0x97: {  	[sflag:s26] =	ssyncadd.s32 $0xFFFFF830  }
0x98: {  	_ =	swait.ge [sflag:s29], $0x7D0  }
0x99: {  	[sflag:s29] =	ssyncset.done $0x0  }
0x9a: {  	[sflag:s29] =	ssyncadd.s32 $0xFFFFF830  }
0x9b: {  	_ =	swait.ge [sflag:s31], $0x7D0  }
0x9c: {  	[sflag:s31] =	ssyncset.done $0x0  }
0x9d: {  	[sflag:s31] =	ssyncadd.s32 $0xFFFFF830  }
0x9e: {  	_ =	swait.ge [sflag:s5], $0x7D0  }
0x9f: {  	[sflag:s5] =	ssyncset.done $0x0  }
0xa0: {  	[sflag:s5] =	ssyncadd.s32 $0xFFFFF830  }
0xa1: {  	[bflag:$0x0] =	sbarrier.arrive $0xFFFF  }
0xa2: {  	[tilespmem:s20], [sflag:$0x9] =	stream.linear.gather [spmem:s8], $0x800, $0x38;
	[tilespmem:$0x9F40] =	vst v63  }
0xa3: {  	_ =	swait.ge [sflag:s21], $0x800  }
0xa4: {  	[sflag:s21] =	ssyncset.done $0x0  }
0xa5: {  	s13 =	rddreg [dreg:$0x7];
	[sflag:s21] =	ssyncadd.s32 $0xFFFFF800  }
0xa6: {  	[hbm4b:s13+s4] =	stream.linear.scatter [tilespmem:s20], [sflag:$0x9], $0x800, $0x38;
	[tilespmem:$0x9F40] =	vst v63  }
0xa7: {  	_ =	swait.ge [sflag:s21], $0x800  }
0xa8: {  	[sflag:s21] =	ssyncset.done $0x0  }
0xa9: {  	[sflag:s21] =	ssyncadd.s32 $0xFFFFF800  }
0xaa: {  	[tilespmem:s20], [sflag:$0x9] =	stream.linear.gather [spmem:s9], $0x800, $0x38;
	[tilespmem:$0x9F40] =	vst v63  }
0xab: {  	_ =	swait.ge [sflag:s21], $0x800  }
0xac: {  	[sflag:s21] =	ssyncset.done $0x0  }
0xad: {  	s14 =	rddreg [dreg:$0x8];
	[sflag:s21] =	ssyncadd.s32 $0xFFFFF800  }
0xae: {  	[hbm4b:s14+s4] =	stream.linear.scatter [tilespmem:s20], [sflag:$0x9], $0x800, $0x38;
	[tilespmem:$0x9F40] =	vst v63  }
0xaf: {  	_ =	swait.ge [sflag:s21], $0x800  }
0xb0: {  	[sflag:s21] =	ssyncset.done $0x0  }
0xb1: {  	[sflag:s21] =	ssyncadd.s32 $0xFFFFF800  }
0xb2: {  	[tilespmem:s20], [sflag:$0x9] =	stream.linear.gather [spmem:s10], $0x800, $0x38;
	[tilespmem:$0x9F40] =	vst v63  }
0xb3: {  	_ =	swait.ge [sflag:s21], $0x800  }
0xb4: {  	[sflag:s21] =	ssyncset.done $0x0  }
0xb5: {  	[sflag:s21] =	ssyncadd.s32 $0xFFFFF800  }
0xb6: {  	[hbm4b:s15+s4] =	stream.linear.scatter [tilespmem:s20], [sflag:$0x9], $0x800, $0x38;
	[tilespmem:$0x9F40] =	vst v63  }
0xb7: {  	_ =	swait.ge [sflag:s21], $0x800  }
0xb8: {  	[sflag:s21] =	ssyncset.done $0x0  }
0xb9: {  	[sflag:s21] =	ssyncadd.s32 $0xFFFFF800  }
0xba: {  	[tilespmem:s20], [sflag:$0x9] =	stream.linear.gather [spmem:s11], $0x800, $0x38;
	[tilespmem:$0x9F40] =	vst v63  }
0xbb: {  	_ =	swait.ge [sflag:s21], $0x800  }
0xbc: {  	[sflag:s21] =	ssyncset.done $0x0  }
0xbd: {  	[sflag:s21] =	ssyncadd.s32 $0xFFFFF800  }
0xbe: {  	[hbm4b:s16+s4] =	stream.linear.scatter [tilespmem:s20], [sflag:$0x9], $0x800, $0x38;
	[tilespmem:$0x9F40] =	vst v63  }
0xbf: {  	_ =	swait.ge [sflag:s21], $0x800  }
0xc0: {  	[sflag:s21] =	ssyncset.done $0x0  }
0xc1: {  	[sflag:s21] =	ssyncadd.s32 $0xFFFFF800  }
0xc2: {  	[tilespmem:s20], [sflag:$0x9] =	stream.linear.gather [spmem:s12], $0x800, $0x38;
	[tilespmem:$0x9F40] =	vst v63  }
0xc3: {  	s6 =	sadd.s32 $0x1, s6;
	_ =	swait.ge [sflag:s21], $0x800  }
0xc4: {  	p0 =	sne.s32 s6, s18;
	[sflag:s21] =	ssyncset.done $0x0  }
.Ltmp1:
0xc5: {  	[sflag:s21] =	ssyncadd.s32 $0xFFFFF800;
	(pc) =	sbr.rel @p0 .LBB2_1-.Ltmp1, $4  }
0xc6: {  	[hbm4b:s17+s4] =	stream.linear.scatter [tilespmem:s20], [sflag:$0x9], $0x800, $0x38;
	[tilespmem:$0x9F40] =	vst v63  }
0xc7: {  	_ =	swait.ge [sflag:s21], $0x800  }
0xc8: {  	[sflag:s21] =	ssyncset.done $0x0  }
0xc9: {  	[sflag:s21] =	ssyncadd.s32 $0xFFFFF800  }
0xca: {  	_ =	sfence.sel $0x180000  }
0xcb: {  	[bflag:$0x0] =	sbarrier.arrive $0xFFFF  }
0xcc: {  	_ =	strace $0x9000004A  }
0xcd: {  	s0 =	stileid.u32;
	[bflag:$0x2] =	sbarrier.arrive $0xFFFF  }
0xce: {  	p0 =	sne.s32 s0, $0x0;
	s0 =	rddreg [dreg:$0x3]  }
0xcf: {  	s0 =	sadd.s32 @!p0 $0x100000, s0  }
0xd0: {  	[sflag:s0] =	ssyncadd.tile.s32 @!p0 $0x1;
	_ =	shalt  }
.Lfunc_end2:
_tile_overlayer_lowered:
.L_overlay_start_2:
0xd1: {  	(tag) =	ssettag $0x2  }
0xd2: {  	s0 =	rddreg [dreg:$0x0];
	s2 =	stileid.u32  }
0xd3: {  	s1 =	rddreg [dreg:$0x1];
	p0 =	sne.s32 s2, $0x0  }
0xd4: {  	s3 =	rddreg [dreg:$0x2];
	[bflag:$0x3] =	sbarrier.arrive $0xFFFF;
	s2 =	simm.s32 @!p0 $0x1C09  }
0xd5: {  	[timem:s3], [sflag:s2] =	dma.local @!p0 [hbm:s0], s1  }
0xd6: {  	s0 =	simm.s32 @!p0 $0x9  }
0xd7: {  	_ =	swait.ge @!p0 [sflag:s0], s1  }
0xd8: {  	s1 =	ssub.s32 @!p0 $0x0, s1;
	[sflag:s0] =	ssyncset.done @!p0 $0x0  }
0xd9: {  	[sflag:s0] =	ssyncadd.s32 @!p0 s1  }
0xda: {  	[bflag:$0x3] =	sbarrier.arrive $0xFFFF  }
0xdb: {  	_ =	shalt  }

// kernel: kernel.7.cloned.1.call-start
scs
__scs_entry_jumppad:
0x0: {  	(pc) =	sbr.rel $0x88, $3  }
0x1: {  	(tag) =	ssettag $0x0;
	lr =	simm.s32 $0x1  }
0x2: {  	[smem:$0x3F95] =	sst lr;
	_ =	strace $0xD0000000  }
0x3: {  	_ = 	snop  }
0x4: {  	_ = 	snop  }
0x5: {  	_ = 	snop  }
0x6: {  	_ = 	snop  }
0x7: {  	_ = 	snop  }
__scs_overlays_trampoline_lowered:
0x8: {  	[smem:$0x3FA4] =	sst s0  }
0x9: {  	[smem:$0x3FA5] =	sst s1  }
0xa: {  	[smem:$0x3FA6] =	sst s2  }
0xb: {  	[smem:$0x3FA7] =	sst s3  }
0xc: {  	[smem:$0x3FA8] =	sst s4  }
0xd: {  	[smem:$0x3FA9] =	sst s5  }
0xe: {  	[smem:$0x3FAA] =	sst s6  }
0xf: {  	[smem:$0x3FAB] =	sst s7  }
0x10: {  	[smem:$0x3FAC] =	sst s8  }
0x11: {  	[smem:$0x3FAD] =	sst s9;
	s0 =	simm.s32 @!p0 $0x0  }
0x12: {  	s1 =	sld [smem:$0x3F93];
	s0 =	simm.s32 @p0 $0x1  }
0x13: {  	[smem:$0x3FAE] =	sst s0;
	s0 =	simm.s32 @!p1 $0x0  }
0x14: {  	s2 =	sld [smem:$0x3F92];
	s0 =	simm.s32 @p1 $0x1  }
0x15: {  	[smem:$0x3FAF] =	sst s0;
	s0 =	simm.s32 @!p2 $0x0  }
0x16: {  	s3 =	sld [smem:$0x3FDB];
	s0 =	simm.s32 @p2 $0x1  }
0x17: {  	s4 =	simm.s32 $0x1BF5;
	[smem:$0x3FB1] =	sst s0  }
0x18: {  	s0 =	sld [smem:$0x3F94];
	_ =	swait.ge [sflag:s4], $0x0  }
0x19: {  	s7 =	sld [smem:$0x3F95]  }
0x1a: {  	s8 =	sadd.s32 $0xFFFFE003, lr  }
0x1b: {  	s9 =	sadd.s32 $0xFFFFFEF7, lr;
	s5 =	simm.s32 $0xFFFFFFFF;
	p2 =	slt.u32 s8, $0xFFFFF086  }
0x1c: {  	p1 =	slt.u32 s9, $0xF7A;
	s5 =	simm.s32 @!p2 $0x0  }
0x1d: {  	s5 =	simm.s32 @p1 $0x1;
	p0 =	seq.s32 s7, s2  }
0x1e: {  	s7 =	smul.u32 @!p0 $0xF7A, s2;
	p2 =	seq.s32 @!p0 s5, $0x0  }
0x1f: {  	s9 =	smul.u32 $0xF7A, s1;
	s8 =	simm.s32 @!p0 $0x1BF5;
	p2 =	por !p2, p0  }
0x20: {  	[sflag:s8] =	ssyncset.s32 @!p0 $0xFFFFF086;
	s6 =	sadd.s32 @!p0 s3, s7;
	s7 =	simm.s32 @!p0 $0x108  }
0x21: {  	s3 =	sadd.s32 s3, s9;
	s6 =	sadd.s32 @!p0 $0x88, s6;
	s7 =	simm.s32 @p2 $0x1082  }
0x22: {  	[simem:s7], [sflag:s8] =	dma.local @!p0 [hbm:s6], $0xF7A  }
0x23: {  	s9 =	sor.u32 $0xD0000000, s2;
	s6 =	simm.s32 $0x108;
	_ =	swait.ge @!p0 [sflag:s8], $0x0  }
0x24: {  	s3 =	sadd.s32 $0x88, s3;
	s6 =	simm.s32 @!p1 $0x1082;
	[sflag:s4] =	ssyncset.s32 $0xFFFFF086  }
0x25: {  	[simem:s6], [sflag:s4] =	dma.local [hbm:s3], $0xF7A  }
0x26: {  	[smem:$0x3F95] =	sst s1;
	(tag) =	ssettag s2;
	_ =	strace s9  }
0x27: {  	s1 =	sld [smem:$0x3FA5]  }
0x28: {  	s2 =	sld [smem:$0x3FA6]  }
0x29: {  	s4 =	sld [smem:$0x3FA8]  }
0x2a: {  	p0 =	seq.s32 s5, $0x0;
	s5 =	sld [smem:$0x3FA9]  }
0x2b: {  	s6 =	sld [smem:$0x3FAA]  }
0x2c: {  	s7 =	sld [smem:$0x3FAB]  }
0x2d: {  	s3 =	simm.s32 $0x108;
	s8 =	sld [smem:$0x3FAC]  }
0x2e: {  	s3 =	simm.s32 @!p0 $0x1082;
	s9 =	sld [smem:$0x3FAD]  }
0x2f: {  	lr =	sadd.s32 s0, s3;
	s0 =	sld [smem:$0x3FA4]  }
0x30: {  	s3 =	sld [smem:$0x3FA7]  }
0x31: {  	[smem:$0x3FB0] =	sst s10  }
0x32: {  	s10 =	sld [smem:$0x3FAE];
	_ =	sdelay $0x3  }
0x33: {  	p0 =	seq.s32 s10, $0x1;
	s10 =	sld [smem:$0x3FB0];
	_ =	sdelay $0x3  }
0x34: {  	[smem:$0x3FB0] =	sst s10  }
0x35: {  	s10 =	sld [smem:$0x3FAF];
	_ =	sdelay $0x3  }
0x36: {  	p1 =	seq.s32 s10, $0x1;
	s10 =	sld [smem:$0x3FB0];
	_ =	sdelay $0x3  }
0x37: {  	[smem:$0x3FB0] =	sst s10  }
0x38: {  	s10 =	sld [smem:$0x3FB1]  }
0x39: {  	_ = 	snop;
	(pc) =	sbr.ind lr, $3  }
0x3a: {  	_ = 	snop  }
0x3b: {  	_ = 	snop  }
0x3c: {  	p2 =	seq.s32 s10, $0x1;
	s10 =	sld [smem:$0x3FB0]  }
0x3d: {  	_ =	shalt  }
0x3e: {  	_ =	shalt  }
0x3f: {  	_ =	shalt  }
0x40: {  	_ =	shalt  }
0x41: {  	_ =	shalt  }
0x42: {  	_ =	shalt  }
0x43: {  	_ =	shalt  }
0x44: {  	_ =	shalt  }
0x45: {  	_ =	shalt  }
0x46: {  	_ =	shalt  }
0x47: {  	_ =	shalt  }
0x48: {  	_ =	shalt  }
0x49: {  	_ =	shalt  }
0x4a: {  	_ =	shalt  }
0x4b: {  	_ =	shalt  }
0x4c: {  	_ =	shalt  }
0x4d: {  	_ =	shalt  }
0x4e: {  	_ =	shalt  }
0x4f: {  	_ =	shalt  }
0x50: {  	_ =	shalt  }
0x51: {  	_ =	shalt  }
0x52: {  	_ =	shalt  }
0x53: {  	_ =	shalt  }
0x54: {  	_ =	shalt  }
0x55: {  	_ =	shalt  }
0x56: {  	_ =	shalt  }
0x57: {  	_ =	shalt  }
0x58: {  	_ =	shalt  }
0x59: {  	_ =	shalt  }
0x5a: {  	_ =	shalt  }
0x5b: {  	_ =	shalt  }
0x5c: {  	_ =	shalt  }
0x5d: {  	_ =	shalt  }
0x5e: {  	_ =	shalt  }
0x5f: {  	_ =	shalt  }
0x60: {  	_ =	shalt  }
0x61: {  	_ =	shalt  }
0x62: {  	_ =	shalt  }
0x63: {  	_ =	shalt  }
0x64: {  	_ =	shalt  }
0x65: {  	_ =	shalt  }
0x66: {  	_ =	shalt  }
0x67: {  	_ =	shalt  }
0x68: {  	_ =	shalt  }
0x69: {  	_ =	shalt  }
0x6a: {  	_ =	shalt  }
0x6b: {  	_ =	shalt  }
0x6c: {  	_ =	shalt  }
0x6d: {  	_ =	shalt  }
0x6e: {  	_ =	shalt  }
0x6f: {  	_ =	shalt  }
0x70: {  	_ =	shalt  }
0x71: {  	_ =	shalt  }
0x72: {  	_ =	shalt  }
0x73: {  	_ =	shalt  }
0x74: {  	_ =	shalt  }
0x75: {  	_ =	shalt  }
0x76: {  	_ =	shalt  }
0x77: {  	_ =	shalt  }
0x78: {  	_ =	shalt  }
0x79: {  	_ =	shalt  }
0x7a: {  	_ =	shalt  }
0x7b: {  	_ =	shalt  }
0x7c: {  	_ =	shalt  }
0x7d: {  	_ =	shalt  }
0x7e: {  	_ =	shalt  }
0x7f: {  	_ =	shalt  }
0x80: {  	_ =	shalt  }
0x81: {  	_ =	shalt  }
0x82: {  	_ =	shalt  }
0x83: {  	_ =	shalt  }
0x84: {  	_ =	shalt  }
0x85: {  	_ =	shalt  }
0x86: {  	_ =	shalt  }
0x87: {  	_ =	shalt  }
.Lfunc_end0:
.L_simem_size_0:
called_computation.1_lowered:
.L_overlay_start_0:
0x88: {  	s2 =	sld [smem:$0x3FD9]  }
0x89: {  	s3 =	sld [smem:$0x3FFE];
	_ =	sdelay $0x1  }
0x8a: {  	s1 =	srdreg.scid  }
0x8b: {  	s0 =	sand.u32 $0x1, s1  }
0x8c: {  	s17 =	sshll.u32 s0, $0xA;
	s2 =	sadd.s32 s3, s2  }
0x8d: {  	s2 =	sadd.s32 s2, s17  }
0x8e: {  	[smem:$0x3FBC] =	sst s2  }
0x8f: {  	_ = 	snop  }
0x90: {  	s2 =	sld [smem:$0x3FD0];
	(tm) =	ssettm $0x1  }
0x91: {  	s18 =	sld [smem:$0x3FFB];
	_ =	sdelay $0x3  }
0x92: {  	_ =	strace s18  }
0x93: {  	s3 =	sld [smem:$0x3FFC];
	_ =	sdelay $0x3  }
0x94: {  	_ =	strace s3  }
0x95: {  	s3 =	sld [smem:$0x3FFD];
	_ =	sdelay $0x3  }
0x96: {  	_ =	strace s3  }
0x97: {  	_ =	strace $0x8FFFFFFF  }
0x98: {  	s19 =	sld [smem:$0x3FDB];
	_ =	sdelay $0x1  }
0x99: {  	s4 =	simm.s32 $_scs_section_size  }
0x9a: {  	s5 =	simm.s32 $_size__tile_overlayer_lowered;
	s6 =	simm.s32 $_tile_overlayer_lowered  }
0x9b: {  	s22 =	simm.s32 $0x1BFF;
	s21 =	sshll.u32 s6, $0x1;
	s3 =	sadd.s32 s4, s19  }
0x9c: {  	s7 =	simm.s32 $0x0;
	s20 =	sshll.u32 s5, $0x1;
	s5 =	sadd.s32 s21, s3  }
0x9d: {  	[timem:s7], [sflag:s22] =	dma.local [hbm:s5], s20  }
0x9e: {  	_ =	swait.ge [sflag:s22], s20  }
0x9f: {  	s4 =	ssub.s32 $0x0, s20;
	[sflag:s22] =	ssyncset.done $0x0  }
0xa0: {  	[sflag:s22] =	ssyncadd.s32 s4;
	_ =	sdelay $0x1  }
0xa1: {  	s23 =	simm.s32 $0x1B8B  }
0xa2: {  	_ =	swait.ge [sflag:s23], $0x1  }
0xa3: {  	[sflag:s23] =	ssyncset.done $0x0  }
0xa4: {  	s25 =	simm.s32 $0x1B8E;
	s24 =	sld [smem:$0x3FFE];
	[sflag:s23] =	ssyncadd.s32 $0xFFFFFFFF  }
0xa5: {  	s26 =	simm.s32 $execute0_lowered;
	[smem:$0x3FD2] =	sst s25  }
0xa6: {  	s5 =	sshll.u32 s26, $0x1;
	_ =	strace $0x80000046;
	[dreg:$0x1] =	wrdreg $0xFFFFFFFF  }
0xa7: {  	s28 =	simm.s32 $_size_execute0_lowered;
	s3 =	sadd.s32 s3, s5;
	[dreg:$0x0] =	wrdreg $0x0  }
0xa8: {  	s5 =	sshll.u32 s28, $0x1;
	[dreg:$0x2] =	wrdreg s3  }
0xa9: {  	[dreg:$0x3] =	wrdreg s5  }
0xaa: {  	[dreg:$0x4] =	wrdreg $0xC0  }
0xab: {  	_ =	task [dreg:s7], $0x5FFFF  }
0xac: {  	[dreg:$0x1] =	wrdreg $0xFFFFFFFF  }
0xad: {  	[dreg:$0x0] =	wrdreg $0x60  }
0xae: {  	[dreg:$0x2] =	wrdreg s24  }
0xaf: {  	[dreg:$0x3] =	wrdreg s2  }
0xb0: {  	[dreg:$0x4] =	wrdreg $0x53000  }
0xb1: {  	[dreg:$0x5] =	wrdreg $0x55800  }
0xb2: {  	[dreg:$0x6] =	wrdreg $0x9  }
0xb3: {  	_ =	task.clear_ibuf [dreg:s7], $0x7FFFF;
	_ =	strace $0x90000046  }
0xb4: {  	s29 =	simm.s32 $0x9;
	_ =	strace $0x80000048  }
0xb5: {  	_ =	swait.ge [sflag:s29], $0x1  }
0xb6: {  	[sflag:s29] =	ssyncadd.s32 $0xFFFFFFFF  }
0xb7: {  	_ =	strace $0x90000048  }
0xb8: {  	_ =	sfence  }
0xb9: {  	s30 =	sld [smem:$0x0];
	_ =	sdelay $0x2  }
0xba: {  	s31 =	sshll.u32 s1, $0xD;
	s1 =	sshrl.u32 s1, $0x2  }
0xbb: {  	s3 =	sand.u32 $0x4000, s31;
	s1 =	sadd.s32 s1, s30  }
0xbc: {  	s0 =	sor.u32 s3, s0;
	s1 =	sshll.u32 s1, $0x11  }
0xbd: {  	s0 =	sor.u32 s1, s0  }
0xbe: {  	s0 =	sadd.s32 $0x8F2B, s0  }
0xbf: {  	[sflag:s0] =	ssyncadd.remote.s32 $0x1  }
0xc0: {  	_ =	sfence.sel $0xFFFF  }
0xc1: {  	[dreg:$0x0] =	wrdreg $0xFFFFFFFF;
	(pc) =	sbr.abs _section_cstart, $3  }
0xc2: {  	[dreg:$0x1] =	wrdreg $0xFFFFFFFF  }
0xc3: {  	_ =	task.clear_ibuf [dreg:s7], $0x2FFFF;
	_ =	strace $0x9FFFFFFF  }
0xc4: {  	(tm) =	ssettm $0x7FFFFFFF  }
0xc5: {  	_ =	shalt  }
tec
execute0_lowered:
.L_overlay_start_1:
0x0: {  	(tag) =	ssettag $0x1  }
0x1: {  	s6 =	rddreg [dreg:$0x0]  }
0x2: {  	s9 =	rddreg [dreg:$0x1]  }
0x3: {  	s1 =	srdreg.scid;
	s2 =	rddreg [dreg:$0x2]  }
0x4: {  	s0 =	stileid.u32;
	s3 =	rddreg [dreg:$0x3]  }
0x5: {  	s4 =	simm.s32 $0x0;
	s14 =	simm.s32 $0x2800;
	s15 =	simm.s32 $0x5080  }
0x6: {  	s16 =	simm.s32 $0x3;
	s17 =	simm.s32 $0x5000;
	s18 =	simm.s32 $0x1  }
0x7: {  	s19 =	simm.s32 $0x2;
	s20 =	simm.s32 $0x7D;
	s21 =	simm.s32 $0x0  }
0x8: {  	s5 =	sand.u32 $0x1, s1;
	s29 =	sshll.u32 s0, $0x1;
	s11 =	smul.u32 $0x280, s0  }
0x9: {  	[smem:$0x7FF] =	sst s4;
	s1 =	sor.u32 s5, s29;
	s8 =	smul.u32 $0x5000, s5  }
0xa: {  	s30 =	ssub.s32 $0x2, s5;
	s5 =	sadd.s32 $0x15E00, s6;
	s7 =	smul.u32 $0x500, s1  }
0xb: {  	s1 =	rddreg [dreg:$0x4];
	_ =	strace $0x80000047;
	s12 =	sshrl.u32 s30, $0x1  }
0xc: {  	s8 =	sadd.s32 s11, s8;
	s13 =	ssub.s32 s30, s12;
	s10 =	sadd.s32 s7, s6  }
0xd: {  	s6 =	sadd.s32 $0x16000, s6;
	s31 =	sshrl.u32 s8, $0x3;
	s13 =	smax.u32 s13, $0x1  }
0xe: {  	s7 =	sadd.s32 $0x1E00, s10;
	s8 =	sadd.s32 $0xBE00, s10;
	s9 =	sadd.s32 s9, s31  }
0xf: {  	s10 =	sadd.s32 s11, s2;
	s11 =	sadd.s32 s11, s3;
	s12 =	sadd.s32 $0x500, s9  }
.LBB2_1:
0x10: {  	[tilespmem:s4], [sflag:$0x1] =	stream.linear.gather [hbm4b:s7+s4], $0x2800, $0x38;
	[tilespmem:$0x5800] =	vst v63  }
0x11: {  	_ = 	snop  }
0x12: {  	[tilespmem:s14], [sflag:$0x2] =	stream.linear.gather [hbm4b:s8+s4], $0x2800, $0x38;
	[tilespmem:$0x5800] =	vst v63  }
0x13: {  	_ = 	snop  }
0x14: {  	[tilespmem:s15], [sflag:$0x3] =	stream.linear.gather [hbm4b:s5+s4], $0x280, $0x38;
	[tilespmem:$0x5800] =	vst v63  }
0x15: {  	_ =	swait.ge [sflag:s16], $0x280  }
0x16: {  	[sflag:s16] =	ssyncset.done $0x0  }
0x17: {  	[sflag:s16] =	ssyncadd.s32 $0xFFFFFD80  }
0x18: {  	[spmem:s10] =	stream.linear.scatter [tilespmem:s15], [sflag:$0x3], $0x280, $0x38;
	[tilespmem:$0x5800] =	vst v63  }
0x19: {  	_ =	swait.ge [sflag:s16], $0x280  }
0x1a: {  	[sflag:s16] =	ssyncset.done $0x0  }
0x1b: {  	[sflag:s16] =	ssyncadd.s32 $0xFFFFFD80  }
0x1c: {  	[spmem:s11] =	stream.linear.scatter [tilespmem:s15], [sflag:$0x3], $0x280, $0x38;
	[tilespmem:$0x5800] =	vst v63  }
0x1d: {  	_ =	swait.ge [sflag:s16], $0x280  }
0x1e: {  	[sflag:s16] =	ssyncset.done $0x0  }
0x1f: {  	[sflag:s16] =	ssyncadd.s32 $0xFFFFFD80  }
0x20: {  	[tilespmem:s17], [sflag:$0x3] =	stream.linear.gather [hbm4b:s6+s4], $0x80, $0x38;
	[tilespmem:$0x5800] =	vst v63  }
0x21: {  	_ =	swait.ge [sflag:s16], $0x80  }
0x22: {  	[sflag:s16] =	ssyncset.done $0x0  }
0x23: {  	[sflag:s16] =	ssyncadd.s32 $0xFFFFFF80  }
0x24: {  	_ =	swait.ge [sflag:s18], $0x2800  }
0x25: {  	[sflag:s18] =	ssyncset.done $0x0  }
0x26: {  	[sflag:s18] =	ssyncadd.s32 $0xFFFFD800  }
0x27: {  	_ =	swait.ge [sflag:s19], $0x2800  }
0x28: {  	[sflag:s19] =	ssyncset.done $0x0  }
0x29: {  	[sflag:s19] =	ssyncadd.s32 $0xFFFFD800  }
0x2a: {  	s22 =	simm.s32 $0x0;
	[bflag:$0x0] =	sbarrier.arrive $0xFFFF  }
0x2b: {  	[spmem:s2] =	stream.indirect.scatter.add.f32 [tilespmem:s17], [sflag:$0x3], $0x1, s22, s20, $0xb8;
	[tilespmem:$0x5800] =	vst v63  }
0x2c: {  	_ =	swait.ge [sflag:s16], $0x7D  }
0x2d: {  	[sflag:s16] =	ssyncset.done $0x0  }
0x2e: {  	s31 =	simm.s32 $0x2800;
	[sflag:s16] =	ssyncadd.s32 $0xFFFFFF83  }
0x2f: {  	[spmem:s3] =	stream.indirect.scatter.add.f32 [tilespmem:s17], [sflag:$0x3], $0x1, s31, s20, $0xb8;
	[tilespmem:$0x5800] =	vst v63  }
0x30: {  	_ =	swait.ge [sflag:s16], $0x7D  }
0x31: {  	s23 =	simm.s32 $0x400;
	s22 =	simm.s32 $0x200;
	[sflag:s16] =	ssyncset.done $0x0  }
.LBB2_2:
0x32: {  	s24 =	sshra.s32 s22, $0x2  }
0x33: {  	[sflag:s16] =	ssyncadd.s32 $0xFFFFFF83;
	s22 =	smov.u32 s23;
	s25 =	sadd.s32 $0x200, s23  }
0x34: {  	[spmem:s2] =	stream.indirect.scatter.add.f32 [tilespmem:s17], [sflag:$0x3], $0x1, s24, s20, $0xb8;
	[tilespmem:$0x5800] =	vst v63  }
0x35: {  	p0 =	sne.s32 s23, $0x9E00;
	_ =	swait.ge [sflag:s16], $0x7D  }
.Ltmp0:
0x36: {  	[sflag:s16] =	ssyncset.done $0x0;
	(pc) =	sbr.rel @p0 .LBB2_2-.Ltmp0, $4  }
0x37: {  	s23 =	sadd.s32 $0x2800, s24;
	[sflag:s16] =	ssyncadd.s32 $0xFFFFFF83  }
0x38: {  	[spmem:s3] =	stream.indirect.scatter.add.f32 [tilespmem:s17], [sflag:$0x3], $0x1, s23, s20, $0xb8;
	[tilespmem:$0x5800] =	vst v63  }
0x39: {  	_ =	swait.ge [sflag:s16], $0x7D  }
0x3a: {  	s23 =	smov.u32 s25;
	[sflag:s16] =	ssyncset.done $0x0  }
0x3b: {  	s22 =	sshra.s32 s22, $0x2;
	[sflag:s16] =	ssyncadd.s32 $0xFFFFFF83  }
0x3c: {  	[spmem:s2] =	stream.indirect.scatter.add.f32 [tilespmem:s17], [sflag:$0x3], $0x1, s22, s20, $0xb8;
	[tilespmem:$0x5800] =	vst v63  }
0x3d: {  	_ =	swait.ge [sflag:s16], $0x7D  }
0x3e: {  	[sflag:s16] =	ssyncset.done $0x0  }
0x3f: {  	s22 =	sadd.s32 $0x2800, s22;
	[sflag:s16] =	ssyncadd.s32 $0xFFFFFF83  }
0x40: {  	[spmem:s3] =	stream.indirect.scatter.add.f32 [tilespmem:s17], [sflag:$0x3], $0x1, s22, s20, $0xb8;
	[tilespmem:$0x5800] =	vst v63  }
0x41: {  	_ =	swait.ge [sflag:s16], $0x7D  }
0x42: {  	[sflag:s16] =	ssyncset.done $0x0  }
0x43: {  	[sflag:s16] =	ssyncadd.s32 $0xFFFFFF83  }
0x44: {  	[bflag:$0x0] =	sbarrier.arrive $0xFFFF  }
0x45: {  	[tilespmem:s15], [sflag:$0x3] =	stream.linear.gather [spmem:s10], $0x280, $0x38;
	[tilespmem:$0x5800] =	vst v63  }
0x46: {  	_ =	swait.ge [sflag:s16], $0x280  }
0x47: {  	[sflag:s16] =	ssyncset.done $0x0  }
0x48: {  	[sflag:s16] =	ssyncadd.s32 $0xFFFFFD80  }
0x49: {  	[hbm4b:s9+s4] =	stream.linear.scatter [tilespmem:s15], [sflag:$0x3], $0x280, $0x38;
	[tilespmem:$0x5800] =	vst v63  }
0x4a: {  	_ =	swait.ge [sflag:s16], $0x280  }
0x4b: {  	[sflag:s16] =	ssyncset.done $0x0  }
0x4c: {  	[sflag:s16] =	ssyncadd.s32 $0xFFFFFD80  }
0x4d: {  	[tilespmem:s15], [sflag:$0x3] =	stream.linear.gather [spmem:s11], $0x280, $0x38;
	[tilespmem:$0x5800] =	vst v63  }
0x4e: {  	s21 =	sadd.s32 $0x1, s21;
	_ =	swait.ge [sflag:s16], $0x280  }
0x4f: {  	p0 =	sne.s32 s21, s13;
	[sflag:s16] =	ssyncset.done $0x0  }
.Ltmp1:
0x50: {  	[sflag:s16] =	ssyncadd.s32 $0xFFFFFD80;
	(pc) =	sbr.rel @p0 .LBB2_1-.Ltmp1, $4  }
0x51: {  	[hbm4b:s12+s4] =	stream.linear.scatter [tilespmem:s15], [sflag:$0x3], $0x280, $0x38;
	[tilespmem:$0x5800] =	vst v63  }
0x52: {  	_ =	swait.ge [sflag:s16], $0x280  }
0x53: {  	[sflag:s16] =	ssyncset.done $0x0  }
0x54: {  	[sflag:s16] =	ssyncadd.s32 $0xFFFFFD80  }
0x55: {  	_ =	sfence.sel $0x180000  }
0x56: {  	[bflag:$0x0] =	sbarrier.arrive $0xFFFF  }
0x57: {  	p0 =	sne.s32 s0, $0x0;
	_ =	strace $0x90000047  }
0x58: {  	s0 =	sadd.s32 @!p0 $0x100000, s1;
	[bflag:$0x2] =	sbarrier.arrive $0xFFFF  }
0x59: {  	[sflag:s0] =	ssyncadd.tile.s32 @!p0 $0x1;
	_ =	shalt  }
.Lfunc_end2:
_tile_overlayer_lowered:
.L_overlay_start_2:
0x5a: {  	(tag) =	ssettag $0x2  }
0x5b: {  	s0 =	rddreg [dreg:$0x0];
	s2 =	stileid.u32  }
0x5c: {  	s1 =	rddreg [dreg:$0x1];
	p0 =	sne.s32 s2, $0x0  }
0x5d: {  	s3 =	rddreg [dreg:$0x2];
	[bflag:$0x3] =	sbarrier.arrive $0xFFFF;
	s2 =	simm.s32 @!p0 $0x1C03  }
0x5e: {  	[timem:s3], [sflag:s2] =	dma.local @!p0 [hbm:s0], s1  }
0x5f: {  	s0 =	simm.s32 @!p0 $0x3  }
0x60: {  	_ =	swait.ge @!p0 [sflag:s0], s1  }
0x61: {  	s1 =	ssub.s32 @!p0 $0x0, s1;
	[sflag:s0] =	ssyncset.done @!p0 $0x0  }
0x62: {  	[sflag:s0] =	ssyncadd.s32 @!p0 s1  }
0x63: {  	[bflag:$0x3] =	sbarrier.arrive $0xFFFF  }
0x64: {  	_ =	shalt  }

</sc_bundles>
